<compile_context>
chip_gen: v7x
topology: tpu7x:2x2x1
jax: 0.10.2.dev20260603
libtpu: 0.0.44.dev20260713+nightly
codegen_flags: <defaults>
</compile_context>

<pallas_src>
import functools

import jax
import jax.numpy as jnp
from jax import lax
from jax.experimental import pallas as pl
from jax.experimental.pallas import tpu as pltpu
from jax.experimental.pallas import tpu_sc as plsc

N = 10000
D = 128
E = 320000

NC = 2
NS = 16
CH = 128
NCHUNK = 158
EPT = CH * NCHUNK
EP = EPT * NS
NCHUNK2 = 80
EPT2 = CH * NCHUNK2
NP = N + 16

_MESH = plsc.VectorSubcoreMesh(core_axis_name="c", subcore_axis_name="s")


def _per_tile_rows(sid, total, fn):
    base = -(-((total + NS - 1) // NS) // 8) * 8
    last = total - (NS - 1) * base
    row0 = sid * base

    @pl.when(sid < NS - 1)
    def _():
        fn(row0, base)

    @pl.when(sid == NS - 1)
    def _():
        fn(row0, last)


def _deg_body(dst_hbm, zeros_hbm, ones_hbm, out_hbm, d_a, d_b, ones_v,
              stage_v, acc_s, sem_a, sem_b):
    cid = lax.axis_index("c")
    sid = lax.axis_index("s")
    pltpu.sync_copy(zeros_hbm, stage_v)
    pltpu.sync_copy(ones_hbm, ones_v)

    def zero(row0, sz):
        for off in range(0, sz, CH):
            c = min(CH, sz - off)
            pltpu.sync_copy(stage_v.at[pl.ds(0, c)],
                            acc_s.at[pl.ds(row0 + off, c)])

    _per_tile_rows(sid, NP, zero)
    plsc.subcore_barrier()
    ibase = (cid * NS + sid) * NCHUNK2 * CH

    def start_l(i, d, sem):
        pltpu.make_async_copy(dst_hbm.at[pl.ds(ibase + i * CH, CH)], d,
                              sem).start()

    def wait_l(i, d, sem):
        pltpu.make_async_copy(dst_hbm.at[pl.ds(ibase + i * CH, CH)], d,
                              sem).wait()

    P2 = NCHUNK2 // 2
    start_l(0, d_a, sem_a)

    def pair(g, _):
        start_l(2 * g + 1, d_b, sem_b)
        wait_l(2 * g, d_a, sem_a)
        pltpu.sync_copy(ones_v, acc_s.at[d_a], add=True)
        start_l(2 * g + 2, d_a, sem_a)
        wait_l(2 * g + 1, d_b, sem_b)
        pltpu.sync_copy(ones_v, acc_s.at[d_b], add=True)
        return 0

    lax.fori_loop(0, P2 - 1, pair, 0)
    start_l(NCHUNK2 - 1, d_b, sem_b)
    wait_l(NCHUNK2 - 2, d_a, sem_a)
    pltpu.sync_copy(ones_v, acc_s.at[d_a], add=True)
    wait_l(NCHUNK2 - 1, d_b, sem_b)
    pltpu.sync_copy(ones_v, acc_s.at[d_b], add=True)
    plsc.subcore_barrier()

    def writeout(row0, sz):
        pltpu.sync_copy(acc_s.at[pl.ds(row0, sz)],
                        out_hbm.at[pl.ds(cid * N + row0, sz)])

    _per_tile_rows(sid, N, writeout)


_deg_kernel = functools.partial(
    pl.kernel,
    out_type=jax.ShapeDtypeStruct((2 * N, D), jnp.float32),
    mesh=_MESH,
    scratch_types=[
        pltpu.VMEM((CH,), jnp.int32),
        pltpu.VMEM((CH,), jnp.int32),
        pltpu.VMEM((CH, D), jnp.float32),
        pltpu.VMEM((CH, D), jnp.float32),
        pltpu.VMEM_SHARED((NP, D), jnp.float32),
        pltpu.SemaphoreType.DMA,
        pltpu.SemaphoreType.DMA,
    ],
)(_deg_body)


def _make_edge_scatter(NCH):
    P = NCH // 2
    assert NCH == 2 * P

    def body(xs_hbm, src_hbm, dst_hbm, y_hbm, s_a, d_a, s_b, d_b,
             rows_a, rows_b, acc_s, sem_a, sem_b, sem_ls_a, sem_ld_a,
             sem_ls_b, sem_ld_b):
        cid = lax.axis_index("c")
        sid = lax.axis_index("s")
        nreg = xs_hbm.shape[0] // (2 * N)

        def seed(row0, sz):
            sbase = cid * N * (2 if nreg > 1 else 1)
            pltpu.sync_copy(xs_hbm.at[pl.ds(sbase + row0, sz)],
                            acc_s.at[pl.ds(row0, sz)])

        _per_tile_rows(sid, N, seed)
        plsc.subcore_barrier()

        ibase = (cid * NS + sid) * NCH * CH

        def start_l(i, s, d, ss, sd):
            pltpu.make_async_copy(src_hbm.at[pl.ds(ibase + i * CH, CH)], s,
                                  ss).start()
            pltpu.make_async_copy(dst_hbm.at[pl.ds(ibase + i * CH, CH)], d,
                                  sd).start()

        def wait_l(s, d, ss, sd):
            pltpu.make_async_copy(src_hbm.at[pl.ds(ibase, CH)], s, ss).wait()
            pltpu.make_async_copy(dst_hbm.at[pl.ds(ibase, CH)], d, sd).wait()

        def wait_la():
            wait_l(s_a, d_a, sem_ls_a, sem_ld_a)

        def wait_lb():
            wait_l(s_b, d_b, sem_ls_b, sem_ld_b)

        def start_a():
            pltpu.make_async_copy(xs_hbm.at[s_a], rows_a, sem_a).start()

        def wait_a():
            pltpu.make_async_copy(xs_hbm.at[s_a], rows_a, sem_a).wait()

        def start_b():
            pltpu.make_async_copy(xs_hbm.at[s_b], rows_b, sem_b).start()

        def wait_b():
            pltpu.make_async_copy(xs_hbm.at[s_b], rows_b, sem_b).wait()

        def scat_a():
            pltpu.sync_copy(rows_a, acc_s.at[d_a], add=True)

        def scat_b():
            pltpu.sync_copy(rows_b, acc_s.at[d_b], add=True)

        start_l(0, s_a, d_a, sem_ls_a, sem_ld_a)
        wait_la()
        start_a()
        start_l(1, s_b, d_b, sem_ls_b, sem_ld_b)

        def pair(g, _):
            wait_lb()
            wait_a()
            start_b()
            scat_a()
            start_l(2 * g + 2, s_a, d_a, sem_ls_a, sem_ld_a)
            wait_b()
            wait_la()
            start_a()
            scat_b()
            start_l(2 * g + 3, s_b, d_b, sem_ls_b, sem_ld_b)
            return 0

        lax.fori_loop(0, P - 1, pair, 0)
        wait_lb()
        wait_a()
        start_b()
        scat_a()
        wait_b()
        scat_b()
        plsc.subcore_barrier()

        def writeout(row0, sz):
            pltpu.sync_copy(acc_s.at[pl.ds(row0, sz)],
                            y_hbm.at[pl.ds(cid * N + row0, sz)])

        _per_tile_rows(sid, N, writeout)

    def make(xs, srcf, dstf):
        return functools.partial(
            pl.kernel,
            out_type=jax.ShapeDtypeStruct((2 * N, D), jnp.float32),
            mesh=_MESH,
            scratch_types=[
                pltpu.VMEM((CH,), jnp.int32),
                pltpu.VMEM((CH,), jnp.int32),
                pltpu.VMEM((CH,), jnp.int32),
                pltpu.VMEM((CH,), jnp.int32),
                pltpu.VMEM((CH, D), jnp.float32),
                pltpu.VMEM((CH, D), jnp.float32),
                pltpu.VMEM_SHARED((NP, D), jnp.float32),
                pltpu.SemaphoreType.DMA,
                pltpu.SemaphoreType.DMA,
                pltpu.SemaphoreType.DMA,
                pltpu.SemaphoreType.DMA,
                pltpu.SemaphoreType.DMA,
                pltpu.SemaphoreType.DMA,
            ],
        )(body)(xs, srcf, dstf)

    return make


_edge_scatter_l1 = _make_edge_scatter(NCHUNK)
_edge_scatter_l2 = _make_edge_scatter(NCHUNK2)

_BN = 1000
_GB = N // _BN


def _xw_body(emb_ref, w1_ref, xw_ref):
    xw_ref[...] = jnp.dot(emb_ref[...], w1_ref[...],
                          preferred_element_type=jnp.float32)


def _xw(emb, W1):
    return pl.pallas_call(
        _xw_body,
        grid=(_GB, 2),
        in_specs=[
            pl.BlockSpec((_BN, D), lambda i, j: (i, 0)),
            pl.BlockSpec((D, D), lambda i, j: (0, j)),
        ],
        out_specs=pl.BlockSpec((_BN, D), lambda i, j: (j * _GB + i, 0)),
        out_shape=jax.ShapeDtypeStruct((2 * N, D), jnp.float32),
    )(emb, W1)


def _scale_body(dega_ref, degb_ref, xw_ref, dinv_ref, xs_ref):
    deg = 1.0 + dega_ref[...][:, :1] + degb_ref[...][:, :1]
    dinv = lax.rsqrt(deg)
    dinv_ref[...] = dinv
    xs_ref[...] = xw_ref[...] * dinv


def _mm1(deg2, xw):
    return pl.pallas_call(
        _scale_body,
        grid=(_GB, 2),
        in_specs=[
            pl.BlockSpec((_BN, D), lambda i, j: (i, 0)),
            pl.BlockSpec((_BN, D), lambda i, j: (i + _GB, 0)),
            pl.BlockSpec((_BN, D), lambda i, j: (j * _GB + i, 0)),
        ],
        out_specs=[
            pl.BlockSpec((_BN, 1), lambda i, j: (i, 0)),
            pl.BlockSpec((_BN, D), lambda i, j: (j * _GB + i, 0)),
        ],
        out_shape=[
            jax.ShapeDtypeStruct((N, 1), jnp.float32),
            jax.ShapeDtypeStruct((2 * N, D), jnp.float32),
        ],
    )(deg2, deg2, xw)


def _mm2_body(y1a_ref, y1b_ref, dinv_ref, b1_ref, w2_ref, xs2_ref):
    dinv = dinv_ref[...]
    b1 = b1_ref[...]
    ha = y1a_ref[...] * dinv + b1[:, :D]
    hb = y1b_ref[...] * dinv + b1[:, D:]
    w2 = w2_ref[...]
    xw = (jnp.dot(ha, w2[:D], preferred_element_type=jnp.float32)
          + jnp.dot(hb, w2[D:], preferred_element_type=jnp.float32))
    xs2_ref[...] = xw * dinv


def _mm2(y1, dinv, b1, W2):
    return pl.pallas_call(
        _mm2_body,
        grid=(_GB,),
        in_specs=[
            pl.BlockSpec((_BN, D), lambda i: (i, 0)),
            pl.BlockSpec((_BN, D), lambda i: (i + _GB, 0)),
            pl.BlockSpec((_BN, 1), lambda i: (i, 0)),
            pl.BlockSpec((1, 2 * D), lambda i: (0, 0)),
            pl.BlockSpec((2 * D, D), lambda i: (0, 0)),
        ],
        out_specs=pl.BlockSpec((_BN, D), lambda i: (i, 0)),
        out_shape=jax.ShapeDtypeStruct((N, D), jnp.float32),
    )(y1, y1, dinv, b1.reshape(1, 2 * D), W2)


def _bn_body(y2_ref, dinv_ref, b2_ref, g_ref, bt_ref, out_ref):
    y2 = y2_ref[...]
    z = (y2[:N] + y2[N:]) * dinv_ref[...] + b2_ref[...]
    mean = jnp.mean(z, axis=0, keepdims=True)
    zc = z - mean
    var = jnp.mean(zc * zc, axis=0, keepdims=True)
    out_ref[...] = zc * lax.rsqrt(var + 1e-5) * g_ref[...] + bt_ref[...]


def _bn(y2, dinv, b2, gamma, beta):
    return pl.pallas_call(
        _bn_body,
        out_shape=jax.ShapeDtypeStruct((N, D), jnp.float32),
    )(y2, dinv, b2.reshape(1, D), gamma.reshape(1, D), beta.reshape(1, D))


def kernel(edge_index, emb, W1, b1, W2, b2, gamma, beta):
    ei = edge_index.astype(jnp.int32)
    src, dst = ei[0], ei[1]
    pad = EP - E
    srcp = jnp.concatenate([src, jnp.zeros((pad,), jnp.int32)])
    dstp = jnp.concatenate([dst, jnp.full((pad,), N, jnp.int32)])
    src2 = jnp.concatenate([srcp, srcp + N])
    dst2 = jnp.concatenate([dstp, dstp])
    eh = E // NC
    ept = eh // NS
    ptile = EPT2 - ept
    src3h = jnp.pad(src.reshape(NC, NS, ept), ((0, 0), (0, 0), (0, ptile)))
    src3 = jnp.concatenate([src3h[0].reshape(-1), src3h[1].reshape(-1) + N])
    dst3 = jnp.pad(dst.reshape(NC * NS, ept), ((0, 0), (0, ptile)),
                   constant_values=N).reshape(-1)

    xw = _xw(emb, W1)
    deg2 = _deg_kernel(dst3, jnp.zeros((CH, D), jnp.float32),
                       jnp.ones((CH, D), jnp.float32))
    dinv, xs1 = _mm1(deg2, xw)
    y1 = _edge_scatter_l1(xs1, src2, dst2)
    xs2 = _mm2(y1, dinv, b1, W2)
    xs2p = jnp.concatenate([xs2, xs2, jnp.zeros((2 * N, D), jnp.float32)])
    y2 = _edge_scatter_l2(xs2p, src3, dst3)
    return _bn(y2, dinv, b2, gamma, beta)

# --- scband reference (transcript-rebuilt; emitter-appended) ---
"""Pipeline reference for scband-graph-nn-10685878632725 (READ-ONLY COPY).

The authoritative reference and input builder live on the scoring server;
editing this copy changes nothing except your own understanding.
"""

import jax, jax.numpy as jnp
import numpy as np

N = 10000
D = 128
E = 320000


def setup_inputs(seed: int = 0) -> dict:
    key = jax.random.key(seed)
    ks = jax.random.split(key, 8)
    edge_index = jax.random.randint(ks[0], (2, E), 0, N)
    # embedding: xavier_normal_, padding_idx=0 row zeroed
    std_emb = float(np.sqrt(2.0 / (N + D)))
    emb = jax.random.normal(ks[1], (N, D), dtype=jnp.float32) * std_emb
    emb = emb.at[0].set(0.0)
    # GCNConv weights: glorot uniform, zero bias (PyG default)
    lim1 = float(np.sqrt(6.0 / (D + 2 * D)))
    W1 = jax.random.uniform(ks[2], (D, 2 * D), minval=-lim1, maxval=lim1, dtype=jnp.float32)
    b1 = jnp.zeros((2 * D,), dtype=jnp.float32)
    lim2 = float(np.sqrt(6.0 / (2 * D + D)))
    W2 = jax.random.uniform(ks[3], (2 * D, D), minval=-lim2, maxval=lim2, dtype=jnp.float32)
    b2 = jnp.zeros((D,), dtype=jnp.float32)
    gamma = jnp.ones((D,), dtype=jnp.float32)
    beta = jnp.zeros((D,), dtype=jnp.float32)
    return {"edge_index": edge_index, "emb": emb, "W1": W1, "b1": b1, "W2": W2, "b2": b2, "gamma": gamma, "beta": beta}


def _gcn_conv(x, edge_index, W, b, num_nodes):
    # GCNConv: x' = D^{-1/2} (A + I) D^{-1/2} X W + b
    xw = x @ W
    src = edge_index[0]
    dst = edge_index[1]
    loop = jnp.arange(num_nodes, dtype=src.dtype)
    src = jnp.concatenate([src, loop])
    dst = jnp.concatenate([dst, loop])
    deg = jnp.zeros((num_nodes,), dtype=xw.dtype).at[dst].add(1.0)
    deg_inv_sqrt = jnp.where(deg > 0, 1.0 / jnp.sqrt(jnp.where(deg > 0, deg, 1.0)), 0.0)
    norm = deg_inv_sqrt[src] * deg_inv_sqrt[dst]
    msgs = xw[src] * norm[:, None]
    out = jnp.zeros((num_nodes, xw.shape[1]), dtype=xw.dtype).at[dst].add(msgs)
    return out + b


def reference(edge_index, emb, W1, b1, W2, b2, gamma, beta):
    h = _gcn_conv(emb, edge_index, W1, b1, N)
    # dropout in eval mode: identity
    out = _gcn_conv(h, edge_index, W2, b2, N)
    # BatchNorm1d (training-mode batch statistics over node dim)
    mean = jnp.mean(out, axis=0)
    var = jnp.var(out, axis=0)
    out = (out - mean) / jnp.sqrt(var + 1e-5) * gamma + beta
    return out

if __name__ == "__main__":
    import jax
    _d = setup_inputs()
    print(jax.jit(kernel)(*tuple(_d.values())))

</pallas_src>

<mosaic_0001>
#map = affine_map<(d0, d1) -> (0, 0)>
#map1 = affine_map<(d0, d1) -> (0)>
module attributes {stable_mosaic.version = 14 : i64} {
  func.func @body(%arg0: i32, %arg1: i32, %arg2: memref<20000x128xf32, #tpu.memory_space<hbm>>, %arg3: memref<647168xi32, #tpu.memory_space<hbm>>, %arg4: memref<647168xi32, #tpu.memory_space<hbm>>, %arg5: memref<20000x128xf32, #tpu.memory_space<hbm>>, %arg6: memref<128xi32, #tpu.memory_space<vmem>>, %arg7: memref<128xi32, #tpu.memory_space<vmem>>, %arg8: memref<128xi32, #tpu.memory_space<vmem>>, %arg9: memref<128xi32, #tpu.memory_space<vmem>>, %arg10: memref<128x128xf32, #tpu.memory_space<vmem>>, %arg11: memref<128x128xf32, #tpu.memory_space<vmem>>, %arg12: memref<10016x128xf32, #tpu.memory_space<vmem_shared>>, %arg13: memref<!tpu.dma_semaphore, #tpu.memory_space<semaphore_mem>>, %arg14: memref<!tpu.dma_semaphore, #tpu.memory_space<semaphore_mem>>, %arg15: memref<!tpu.dma_semaphore, #tpu.memory_space<semaphore_mem>>, %arg16: memref<!tpu.dma_semaphore, #tpu.memory_space<semaphore_mem>>, %arg17: memref<!tpu.dma_semaphore, #tpu.memory_space<semaphore_mem>>, %arg18: memref<!tpu.dma_semaphore, #tpu.memory_space<semaphore_mem>>) attributes {dimension_semantics = [#tpu.dimension_semantics<core_parallel>, #tpu.dimension_semantics<subcore_parallel>], iteration_bounds = array<i64: 2, 16>, scalar_prefetch = 0 : i64, scratch_operands = 13 : i64, tpu.core_type = #tpu.core_type<sc_vector_subcore>, window_params = [{transform_indices = #map}, {transform_indices = #map1}, {transform_indices = #map1}, {transform_indices = #map}]} {
    %mul3A = arith.constant 632 : i32
    %mul3A_0 = arith.muli %arg1, %mul3A : i32
    %lt3A = arith.constant 15 : i32
    %lt3A_1 = arith.cmpi slt, %arg1, %lt3A : i32
    %convert_element_type3A = arith.extui %lt3A_1 : i1 to i32
    %cond3A = arith.constant 0 : i32
    %cond3A_2 = arith.cmpi ne, %convert_element_type3A, %cond3A : i32
    scf.if %cond3A_2 {
      %mul3A_66 = arith.constant 10000 : i32
      %mul3A_67 = arith.muli %arg0, %mul3A_66 : i32
      %mul3A_68 = arith.constant 1 : i32
      %mul3A_69 = arith.muli %mul3A_67, %mul3A_68 : i32
      %add3A_70 = arith.addi %mul3A_69, %mul3A_0 : i32
      "tpu.region"() ({
        %run_scoped3A = tpu.sem_alloc : memref<!tpu.dma_semaphore, #tpu.memory_space<semaphore_mem>>
        %dma_start3A_71 = arith.constant 0 : i32
        %dma_start3A_72 = tpu.memref_slice %arg12[%mul3A_0, %dma_start3A_71] : memref<10016x128xf32, #tpu.memory_space<vmem_shared>> -> memref<632x128xf32, #tpu.memory_space<vmem_shared>>
        %dma_start3A_73 = arith.constant 0 : i32
        %dma_start3A_74 = tpu.memref_slice %arg2[%add3A_70, %dma_start3A_73] : memref<20000x128xf32, #tpu.memory_space<hbm>> -> memref<632x128xf32, #tpu.memory_space<hbm>>
        tpu.enqueue_dma source(%dma_start3A_74 : memref<632x128xf32, #tpu.memory_space<hbm>>) target(%dma_start3A_72 : memref<632x128xf32, #tpu.memory_space<vmem_shared>>) target_semaphore(%run_scoped3A : memref<!tpu.dma_semaphore, #tpu.memory_space<semaphore_mem>>)
        %dma_wait3A_75 = arith.constant 0 : i32
        %dma_wait3A_76 = tpu.memref_slice %arg12[%mul3A_0, %dma_wait3A_75] : memref<10016x128xf32, #tpu.memory_space<vmem_shared>> -> memref<632x128xf32, #tpu.memory_space<vmem_shared>>
        %dma_wait3A_77 = arith.constant 0 : i32
        %dma_wait3A_78 = tpu.memref_slice %arg2[%add3A_70, %dma_wait3A_77] : memref<20000x128xf32, #tpu.memory_space<hbm>> -> memref<632x128xf32, #tpu.memory_space<hbm>>
        tpu.wait_dma2 semaphore(%run_scoped3A : memref<!tpu.dma_semaphore, #tpu.memory_space<semaphore_mem>>) src(%dma_wait3A_78 : memref<632x128xf32, #tpu.memory_space<hbm>>) dst(%dma_wait3A_76 : memref<632x128xf32, #tpu.memory_space<vmem_shared>>)
        tpu.yield
      }) : () -> ()
    } else {
    }
    %eq3A = arith.constant 15 : i32
    %eq3A_3 = arith.cmpi eq, %arg1, %eq3A : i32
    %convert_element_type3A_4 = arith.extui %eq3A_3 : i1 to i32
    %cond3A_5 = arith.constant 0 : i32
    %cond3A_6 = arith.cmpi ne, %convert_element_type3A_4, %cond3A_5 : i32
    scf.if %cond3A_6 {
      %mul3A_66 = arith.constant 10000 : i32
      %mul3A_67 = arith.muli %arg0, %mul3A_66 : i32
      %mul3A_68 = arith.constant 1 : i32
      %mul3A_69 = arith.muli %mul3A_67, %mul3A_68 : i32
      %add3A_70 = arith.addi %mul3A_69, %mul3A_0 : i32
      "tpu.region"() ({
        %run_scoped3A = tpu.sem_alloc : memref<!tpu.dma_semaphore, #tpu.memory_space<semaphore_mem>>
        %dma_start3A_71 = arith.constant 0 : i32
        %dma_start3A_72 = tpu.memref_slice %arg12[%mul3A_0, %dma_start3A_71] : memref<10016x128xf32, #tpu.memory_space<vmem_shared>> -> memref<520x128xf32, #tpu.memory_space<vmem_shared>>
        %dma_start3A_73 = arith.constant 0 : i32
        %dma_start3A_74 = tpu.memref_slice %arg2[%add3A_70, %dma_start3A_73] : memref<20000x128xf32, #tpu.memory_space<hbm>> -> memref<520x128xf32, #tpu.memory_space<hbm>>
        tpu.enqueue_dma source(%dma_start3A_74 : memref<520x128xf32, #tpu.memory_space<hbm>>) target(%dma_start3A_72 : memref<520x128xf32, #tpu.memory_space<vmem_shared>>) target_semaphore(%run_scoped3A : memref<!tpu.dma_semaphore, #tpu.memory_space<semaphore_mem>>)
        %dma_wait3A_75 = arith.constant 0 : i32
        %dma_wait3A_76 = tpu.memref_slice %arg12[%mul3A_0, %dma_wait3A_75] : memref<10016x128xf32, #tpu.memory_space<vmem_shared>> -> memref<520x128xf32, #tpu.memory_space<vmem_shared>>
        %dma_wait3A_77 = arith.constant 0 : i32
        %dma_wait3A_78 = tpu.memref_slice %arg2[%add3A_70, %dma_wait3A_77] : memref<20000x128xf32, #tpu.memory_space<hbm>> -> memref<520x128xf32, #tpu.memory_space<hbm>>
        tpu.wait_dma2 semaphore(%run_scoped3A : memref<!tpu.dma_semaphore, #tpu.memory_space<semaphore_mem>>) src(%dma_wait3A_78 : memref<520x128xf32, #tpu.memory_space<hbm>>) dst(%dma_wait3A_76 : memref<520x128xf32, #tpu.memory_space<vmem_shared>>)
        tpu.yield
      }) : () -> ()
    } else {
    }
    %barrier3A = arith.constant 0 : index
    tpu.barrier barrier_id(%barrier3A)
    %mul3A_7 = arith.constant 16 : i32
    %mul3A_8 = arith.muli %arg0, %mul3A_7 : i32
    %add3A = arith.addi %mul3A_8, %arg1 : i32
    %mul3A_9 = arith.constant 158 : i32
    %mul3A_10 = arith.muli %add3A, %mul3A_9 : i32
    %mul3A_11 = arith.constant 128 : i32
    %mul3A_12 = arith.muli %mul3A_10, %mul3A_11 : i32
    %add3A_13 = arith.constant 0 : i32
    %add3A_14 = arith.addi %mul3A_12, %add3A_13 : i32
    %dma_start3A = tpu.memref_slice %arg3[%add3A_14] : memref<647168xi32, #tpu.memory_space<hbm>> -> memref<128xi32, #tpu.memory_space<hbm>>
    %dma_start3A_15 = tpu.memref_slice %arg3[%add3A_14] : memref<647168xi32, #tpu.memory_space<hbm>> -> memref<128xi32, #tpu.memory_space<hbm>>
    tpu.enqueue_dma source(%dma_start3A_15 : memref<128xi32, #tpu.memory_space<hbm>>) target(%arg6 : memref<128xi32, #tpu.memory_space<vmem>>) target_semaphore(%arg15 : memref<!tpu.dma_semaphore, #tpu.memory_space<semaphore_mem>>)
    %add3A_16 = arith.constant 0 : i32
    %add3A_17 = arith.addi %mul3A_12, %add3A_16 : i32
    %dma_start3A_18 = tpu.memref_slice %arg4[%add3A_17] : memref<647168xi32, #tpu.memory_space<hbm>> -> memref<128xi32, #tpu.memory_space<hbm>>
    %dma_start3A_19 = tpu.memref_slice %arg4[%add3A_17] : memref<647168xi32, #tpu.memory_space<hbm>> -> memref<128xi32, #tpu.memory_space<hbm>>
    tpu.enqueue_dma source(%dma_start3A_19 : memref<128xi32, #tpu.memory_space<hbm>>) target(%arg7 : memref<128xi32, #tpu.memory_space<vmem>>) target_semaphore(%arg16 : memref<!tpu.dma_semaphore, #tpu.memory_space<semaphore_mem>>)
    %dma_wait3A = tpu.memref_slice %arg3[%mul3A_12] : memref<647168xi32, #tpu.memory_space<hbm>> -> memref<128xi32, #tpu.memory_space<hbm>>
    %dma_wait3A_20 = tpu.memref_slice %arg3[%mul3A_12] : memref<647168xi32, #tpu.memory_space<hbm>> -> memref<128xi32, #tpu.memory_space<hbm>>
    tpu.wait_dma2 semaphore(%arg15 : memref<!tpu.dma_semaphore, #tpu.memory_space<semaphore_mem>>) src(%dma_wait3A_20 : memref<128xi32, #tpu.memory_space<hbm>>) dst(%arg6 : memref<128xi32, #tpu.memory_space<vmem>>)
    %dma_wait3A_21 = tpu.memref_slice %arg4[%mul3A_12] : memref<647168xi32, #tpu.memory_space<hbm>> -> memref<128xi32, #tpu.memory_space<hbm>>
    %dma_wait3A_22 = tpu.memref_slice %arg4[%mul3A_12] : memref<647168xi32, #tpu.memory_space<hbm>> -> memref<128xi32, #tpu.memory_space<hbm>>
    tpu.wait_dma2 semaphore(%arg16 : memref<!tpu.dma_semaphore, #tpu.memory_space<semaphore_mem>>) src(%dma_wait3A_22 : memref<128xi32, #tpu.memory_space<hbm>>) dst(%arg7 : memref<128xi32, #tpu.memory_space<vmem>>)
    %dma_start3A_23 = arith.constant 0 : i32
    %dma_start3A_24 = arith.constant 0 : i32
    %dma_start3A_25 = tpu.memref_slice %arg2[%dma_start3A_23, %dma_start3A_24] : memref<20000x128xf32, #tpu.memory_space<hbm>> -> memref<20000x128xf32, #tpu.memory_space<hbm>>
    tpu.enqueue_indirect_dma source(%dma_start3A_25 : memref<20000x128xf32, #tpu.memory_space<hbm>>) target(%arg10 : memref<128x128xf32, #tpu.memory_space<vmem>>) offsets(%arg6 : memref<128xi32, #tpu.memory_space<vmem>>) semaphore(%arg13 : memref<!tpu.dma_semaphore, #tpu.memory_space<semaphore_mem>>)
    %add3A_26 = arith.constant 128 : i32
    %add3A_27 = arith.addi %mul3A_12, %add3A_26 : i32
    %dma_start3A_28 = tpu.memref_slice %arg3[%add3A_27] : memref<647168xi32, #tpu.memory_space<hbm>> -> memref<128xi32, #tpu.memory_space<hbm>>
    %dma_start3A_29 = tpu.memref_slice %arg3[%add3A_27] : memref<647168xi32, #tpu.memory_space<hbm>> -> memref<128xi32, #tpu.memory_space<hbm>>
    tpu.enqueue_dma source(%dma_start3A_29 : memref<128xi32, #tpu.memory_space<hbm>>) target(%arg8 : memref<128xi32, #tpu.memory_space<vmem>>) target_semaphore(%arg17 : memref<!tpu.dma_semaphore, #tpu.memory_space<semaphore_mem>>)
    %add3A_30 = arith.constant 128 : i32
    %add3A_31 = arith.addi %mul3A_12, %add3A_30 : i32
    %dma_start3A_32 = tpu.memref_slice %arg4[%add3A_31] : memref<647168xi32, #tpu.memory_space<hbm>> -> memref<128xi32, #tpu.memory_space<hbm>>
    %dma_start3A_33 = tpu.memref_slice %arg4[%add3A_31] : memref<647168xi32, #tpu.memory_space<hbm>> -> memref<128xi32, #tpu.memory_space<hbm>>
    tpu.enqueue_dma source(%dma_start3A_33 : memref<128xi32, #tpu.memory_space<hbm>>) target(%arg9 : memref<128xi32, #tpu.memory_space<vmem>>) target_semaphore(%arg18 : memref<!tpu.dma_semaphore, #tpu.memory_space<semaphore_mem>>)
    %scan3A = arith.constant 0 : i32
    %scan3A_34 = arith.constant 0 : i32
    %scan3A_35 = arith.constant 78 : i32
    %scan3A_36 = arith.addi %scan3A_34, %scan3A_35 : i32
    %scan3A_37 = arith.constant 1 : i32
    %scan3A_38 = scf.for %scan3A_66 = %scan3A_34 to %scan3A_36 step %scan3A_37 iter_args(%scan3A_67 = %scan3A) -> (i32)  : i32 {
      %dma_wait3A_68 = tpu.memref_slice %arg3[%mul3A_12] : memref<647168xi32, #tpu.memory_space<hbm>> -> memref<128xi32, #tpu.memory_space<hbm>>
      %dma_wait3A_69 = tpu.memref_slice %arg3[%mul3A_12] : memref<647168xi32, #tpu.memory_space<hbm>> -> memref<128xi32, #tpu.memory_space<hbm>>
      tpu.wait_dma2 semaphore(%arg17 : memref<!tpu.dma_semaphore, #tpu.memory_space<semaphore_mem>>) src(%dma_wait3A_69 : memref<128xi32, #tpu.memory_space<hbm>>) dst(%arg8 : memref<128xi32, #tpu.memory_space<vmem>>)
      %dma_wait3A_70 = tpu.memref_slice %arg4[%mul3A_12] : memref<647168xi32, #tpu.memory_space<hbm>> -> memref<128xi32, #tpu.memory_space<hbm>>
      %dma_wait3A_71 = tpu.memref_slice %arg4[%mul3A_12] : memref<647168xi32, #tpu.memory_space<hbm>> -> memref<128xi32, #tpu.memory_space<hbm>>
      tpu.wait_dma2 semaphore(%arg18 : memref<!tpu.dma_semaphore, #tpu.memory_space<semaphore_mem>>) src(%dma_wait3A_71 : memref<128xi32, #tpu.memory_space<hbm>>) dst(%arg9 : memref<128xi32, #tpu.memory_space<vmem>>)
      %dma_wait3A_72 = arith.constant 0 : i32
      %dma_wait3A_73 = arith.constant 0 : i32
      %dma_wait3A_74 = tpu.memref_slice %arg2[%dma_wait3A_72, %dma_wait3A_73] : memref<20000x128xf32, #tpu.memory_space<hbm>> -> memref<20000x128xf32, #tpu.memory_space<hbm>>
      tpu.wait_indirect_dma semaphore(%arg13 : memref<!tpu.dma_semaphore, #tpu.memory_space<semaphore_mem>>) src(%dma_wait3A_74 : memref<20000x128xf32, #tpu.memory_space<hbm>>) dst(%arg10 : memref<128x128xf32, #tpu.memory_space<vmem>>)
      %dma_start3A_75 = arith.constant 0 : i32
      %dma_start3A_76 = arith.constant 0 : i32
      %dma_start3A_77 = tpu.memref_slice %arg2[%dma_start3A_75, %dma_start3A_76] : memref<20000x128xf32, #tpu.memory_space<hbm>> -> memref<20000x128xf32, #tpu.memory_space<hbm>>
      tpu.enqueue_indirect_dma source(%dma_start3A_77 : memref<20000x128xf32, #tpu.memory_space<hbm>>) target(%arg11 : memref<128x128xf32, #tpu.memory_space<vmem>>) offsets(%arg8 : memref<128xi32, #tpu.memory_space<vmem>>) semaphore(%arg14 : memref<!tpu.dma_semaphore, #tpu.memory_space<semaphore_mem>>)
      "tpu.region"() ({
        %run_scoped3A = tpu.sem_alloc : memref<!tpu.dma_semaphore, #tpu.memory_space<semaphore_mem>>
        %dma_start3A_117 = arith.constant 0 : i32
        %dma_start3A_118 = arith.constant 0 : i32
        %dma_start3A_119 = tpu.memref_slice %arg12[%dma_start3A_117, %dma_start3A_118] : memref<10016x128xf32, #tpu.memory_space<vmem_shared>> -> memref<10016x128xf32, #tpu.memory_space<vmem_shared>>
        tpu.enqueue_indirect_dma source(%arg10 : memref<128x128xf32, #tpu.memory_space<vmem>>) target(%dma_start3A_119 : memref<10016x128xf32, #tpu.memory_space<vmem_shared>>) offsets(%arg7 : memref<128xi32, #tpu.memory_space<vmem>>) semaphore(%run_scoped3A : memref<!tpu.dma_semaphore, #tpu.memory_space<semaphore_mem>>) {add = true}
        %dma_wait3A_120 = arith.constant 0 : i32
        %dma_wait3A_121 = arith.constant 0 : i32
        %dma_wait3A_122 = tpu.memref_slice %arg12[%dma_wait3A_120, %dma_wait3A_121] : memref<10016x128xf32, #tpu.memory_space<vmem_shared>> -> memref<10016x128xf32, #tpu.memory_space<vmem_shared>>
        tpu.wait_indirect_dma semaphore(%run_scoped3A : memref<!tpu.dma_semaphore, #tpu.memory_space<semaphore_mem>>) src(%arg10 : memref<128x128xf32, #tpu.memory_space<vmem>>) dst(%dma_wait3A_122 : memref<10016x128xf32, #tpu.memory_space<vmem_shared>>)
        tpu.yield
      }) : () -> ()
      %mul3A_78 = arith.constant 2 : i32
      %mul3A_79 = arith.muli %mul3A_78, %scan3A_66 : i32
      %add3A_80 = arith.constant 2 : i32
      %add3A_81 = arith.addi %mul3A_79, %add3A_80 : i32
      %mul3A_82 = arith.constant 128 : i32
      %mul3A_83 = arith.muli %add3A_81, %mul3A_82 : i32
      %add3A_84 = arith.addi %mul3A_12, %mul3A_83 : i32
      %dma_start3A_85 = tpu.memref_slice %arg3[%add3A_84] : memref<647168xi32, #tpu.memory_space<hbm>> -> memref<128xi32, #tpu.memory_space<hbm>>
      %dma_start3A_86 = tpu.memref_slice %arg3[%add3A_84] : memref<647168xi32, #tpu.memory_space<hbm>> -> memref<128xi32, #tpu.memory_space<hbm>>
      tpu.enqueue_dma source(%dma_start3A_86 : memref<128xi32, #tpu.memory_space<hbm>>) target(%arg6 : memref<128xi32, #tpu.memory_space<vmem>>) target_semaphore(%arg15 : memref<!tpu.dma_semaphore, #tpu.memory_space<semaphore_mem>>)
      %mul3A_87 = arith.constant 128 : i32
      %mul3A_88 = arith.muli %add3A_81, %mul3A_87 : i32
      %add3A_89 = arith.addi %mul3A_12, %mul3A_88 : i32
      %dma_start3A_90 = tpu.memref_slice %arg4[%add3A_89] : memref<647168xi32, #tpu.memory_space<hbm>> -> memref<128xi32, #tpu.memory_space<hbm>>
      %dma_start3A_91 = tpu.memref_slice %arg4[%add3A_89] : memref<647168xi32, #tpu.memory_space<hbm>> -> memref<128xi32, #tpu.memory_space<hbm>>
      tpu.enqueue_dma source(%dma_start3A_91 : memref<128xi32, #tpu.memory_space<hbm>>) target(%arg7 : memref<128xi32, #tpu.memory_space<vmem>>) target_semaphore(%arg16 : memref<!tpu.dma_semaphore, #tpu.memory_space<semaphore_mem>>)
      %dma_wait3A_92 = arith.constant 0 : i32
      %dma_wait3A_93 = arith.constant 0 : i32
      %dma_wait3A_94 = tpu.memref_slice %arg2[%dma_wait3A_92, %dma_wait3A_93] : memref<20000x128xf32, #tpu.memory_space<hbm>> -> memref<20000x128xf32, #tpu.memory_space<hbm>>
      tpu.wait_indirect_dma semaphore(%arg14 : memref<!tpu.dma_semaphore, #tpu.memory_space<semaphore_mem>>) src(%dma_wait3A_94 : memref<20000x128xf32, #tpu.memory_space<hbm>>) dst(%arg11 : memref<128x128xf32, #tpu.memory_space<vmem>>)
      %dma_wait3A_95 = tpu.memref_slice %arg3[%mul3A_12] : memref<647168xi32, #tpu.memory_space<hbm>> -> memref<128xi32, #tpu.memory_space<hbm>>
      %dma_wait3A_96 = tpu.memref_slice %arg3[%mul3A_12] : memref<647168xi32, #tpu.memory_space<hbm>> -> memref<128xi32, #tpu.memory_space<hbm>>
      tpu.wait_dma2 semaphore(%arg15 : memref<!tpu.dma_semaphore, #tpu.memory_space<semaphore_mem>>) src(%dma_wait3A_96 : memref<128xi32, #tpu.memory_space<hbm>>) dst(%arg6 : memref<128xi32, #tpu.memory_space<vmem>>)
      %dma_wait3A_97 = tpu.memref_slice %arg4[%mul3A_12] : memref<647168xi32, #tpu.memory_space<hbm>> -> memref<128xi32, #tpu.memory_space<hbm>>
      %dma_wait3A_98 = tpu.memref_slice %arg4[%mul3A_12] : memref<647168xi32, #tpu.memory_space<hbm>> -> memref<128xi32, #tpu.memory_space<hbm>>
      tpu.wait_dma2 semaphore(%arg16 : memref<!tpu.dma_semaphore, #tpu.memory_space<semaphore_mem>>) src(%dma_wait3A_98 : memref<128xi32, #tpu.memory_space<hbm>>) dst(%arg7 : memref<128xi32, #tpu.memory_space<vmem>>)
      %dma_start3A_99 = arith.constant 0 : i32
      %dma_start3A_100 = arith.constant 0 : i32
      %dma_start3A_101 = tpu.memref_slice %arg2[%dma_start3A_99, %dma_start3A_100] : memref<20000x128xf32, #tpu.memory_space<hbm>> -> memref<20000x128xf32, #tpu.memory_space<hbm>>
      tpu.enqueue_indirect_dma source(%dma_start3A_101 : memref<20000x128xf32, #tpu.memory_space<hbm>>) target(%arg10 : memref<128x128xf32, #tpu.memory_space<vmem>>) offsets(%arg6 : memref<128xi32, #tpu.memory_space<vmem>>) semaphore(%arg13 : memref<!tpu.dma_semaphore, #tpu.memory_space<semaphore_mem>>)
      "tpu.region"() ({
        %run_scoped3A = tpu.sem_alloc : memref<!tpu.dma_semaphore, #tpu.memory_space<semaphore_mem>>
        %dma_start3A_117 = arith.constant 0 : i32
        %dma_start3A_118 = arith.constant 0 : i32
        %dma_start3A_119 = tpu.memref_slice %arg12[%dma_start3A_117, %dma_start3A_118] : memref<10016x128xf32, #tpu.memory_space<vmem_shared>> -> memref<10016x128xf32, #tpu.memory_space<vmem_shared>>
        tpu.enqueue_indirect_dma source(%arg11 : memref<128x128xf32, #tpu.memory_space<vmem>>) target(%dma_start3A_119 : memref<10016x128xf32, #tpu.memory_space<vmem_shared>>) offsets(%arg9 : memref<128xi32, #tpu.memory_space<vmem>>) semaphore(%run_scoped3A : memref<!tpu.dma_semaphore, #tpu.memory_space<semaphore_mem>>) {add = true}
        %dma_wait3A_120 = arith.constant 0 : i32
        %dma_wait3A_121 = arith.constant 0 : i32
        %dma_wait3A_122 = tpu.memref_slice %arg12[%dma_wait3A_120, %dma_wait3A_121] : memref<10016x128xf32, #tpu.memory_space<vmem_shared>> -> memref<10016x128xf32, #tpu.memory_space<vmem_shared>>
        tpu.wait_indirect_dma semaphore(%run_scoped3A : memref<!tpu.dma_semaphore, #tpu.memory_space<semaphore_mem>>) src(%arg11 : memref<128x128xf32, #tpu.memory_space<vmem>>) dst(%dma_wait3A_122 : memref<10016x128xf32, #tpu.memory_space<vmem_shared>>)
        tpu.yield
      }) : () -> ()
      %mul3A_102 = arith.constant 2 : i32
      %mul3A_103 = arith.muli %mul3A_102, %scan3A_66 : i32
      %add3A_104 = arith.constant 3 : i32
      %add3A_105 = arith.addi %mul3A_103, %add3A_104 : i32
      %mul3A_106 = arith.constant 128 : i32
      %mul3A_107 = arith.muli %add3A_105, %mul3A_106 : i32
      %add3A_108 = arith.addi %mul3A_12, %mul3A_107 : i32
      %dma_start3A_109 = tpu.memref_slice %arg3[%add3A_108] : memref<647168xi32, #tpu.memory_space<hbm>> -> memref<128xi32, #tpu.memory_space<hbm>>
      %dma_start3A_110 = tpu.memref_slice %arg3[%add3A_108] : memref<647168xi32, #tpu.memory_space<hbm>> -> memref<128xi32, #tpu.memory_space<hbm>>
      tpu.enqueue_dma source(%dma_start3A_110 : memref<128xi32, #tpu.memory_space<hbm>>) target(%arg8 : memref<128xi32, #tpu.memory_space<vmem>>) target_semaphore(%arg17 : memref<!tpu.dma_semaphore, #tpu.memory_space<semaphore_mem>>)
      %mul3A_111 = arith.constant 128 : i32
      %mul3A_112 = arith.muli %add3A_105, %mul3A_111 : i32
      %add3A_113 = arith.addi %mul3A_12, %mul3A_112 : i32
      %dma_start3A_114 = tpu.memref_slice %arg4[%add3A_113] : memref<647168xi32, #tpu.memory_space<hbm>> -> memref<128xi32, #tpu.memory_space<hbm>>
      %dma_start3A_115 = tpu.memref_slice %arg4[%add3A_113] : memref<647168xi32, #tpu.memory_space<hbm>> -> memref<128xi32, #tpu.memory_space<hbm>>
      tpu.enqueue_dma source(%dma_start3A_115 : memref<128xi32, #tpu.memory_space<hbm>>) target(%arg9 : memref<128xi32, #tpu.memory_space<vmem>>) target_semaphore(%arg18 : memref<!tpu.dma_semaphore, #tpu.memory_space<semaphore_mem>>)
      %scan3A_116 = arith.constant 0 : i32
      scf.yield %scan3A_116 : i32
    }
    %scan3A_39 = arith.constant 78 : i32
    %dma_wait3A_40 = tpu.memref_slice %arg3[%mul3A_12] : memref<647168xi32, #tpu.memory_space<hbm>> -> memref<128xi32, #tpu.memory_space<hbm>>
    %dma_wait3A_41 = tpu.memref_slice %arg3[%mul3A_12] : memref<647168xi32, #tpu.memory_space<hbm>> -> memref<128xi32, #tpu.memory_space<hbm>>
    tpu.wait_dma2 semaphore(%arg17 : memref<!tpu.dma_semaphore, #tpu.memory_space<semaphore_mem>>) src(%dma_wait3A_41 : memref<128xi32, #tpu.memory_space<hbm>>) dst(%arg8 : memref<128xi32, #tpu.memory_space<vmem>>)
    %dma_wait3A_42 = tpu.memref_slice %arg4[%mul3A_12] : memref<647168xi32, #tpu.memory_space<hbm>> -> memref<128xi32, #tpu.memory_space<hbm>>
    %dma_wait3A_43 = tpu.memref_slice %arg4[%mul3A_12] : memref<647168xi32, #tpu.memory_space<hbm>> -> memref<128xi32, #tpu.memory_space<hbm>>
    tpu.wait_dma2 semaphore(%arg18 : memref<!tpu.dma_semaphore, #tpu.memory_space<semaphore_mem>>) src(%dma_wait3A_43 : memref<128xi32, #tpu.memory_space<hbm>>) dst(%arg9 : memref<128xi32, #tpu.memory_space<vmem>>)
    %dma_wait3A_44 = arith.constant 0 : i32
    %dma_wait3A_45 = arith.constant 0 : i32
    %dma_wait3A_46 = tpu.memref_slice %arg2[%dma_wait3A_44, %dma_wait3A_45] : memref<20000x128xf32, #tpu.memory_space<hbm>> -> memref<20000x128xf32, #tpu.memory_space<hbm>>
    tpu.wait_indirect_dma semaphore(%arg13 : memref<!tpu.dma_semaphore, #tpu.memory_space<semaphore_mem>>) src(%dma_wait3A_46 : memref<20000x128xf32, #tpu.memory_space<hbm>>) dst(%arg10 : memref<128x128xf32, #tpu.memory_space<vmem>>)
    %dma_start3A_47 = arith.constant 0 : i32
    %dma_start3A_48 = arith.constant 0 : i32
    %dma_start3A_49 = tpu.memref_slice %arg2[%dma_start3A_47, %dma_start3A_48] : memref<20000x128xf32, #tpu.memory_space<hbm>> -> memref<20000x128xf32, #tpu.memory_space<hbm>>
    tpu.enqueue_indirect_dma source(%dma_start3A_49 : memref<20000x128xf32, #tpu.memory_space<hbm>>) target(%arg11 : memref<128x128xf32, #tpu.memory_space<vmem>>) offsets(%arg8 : memref<128xi32, #tpu.memory_space<vmem>>) semaphore(%arg14 : memref<!tpu.dma_semaphore, #tpu.memory_space<semaphore_mem>>)
    "tpu.region"() ({
      %run_scoped3A = tpu.sem_alloc : memref<!tpu.dma_semaphore, #tpu.memory_space<semaphore_mem>>
      %dma_start3A_66 = arith.constant 0 : i32
      %dma_start3A_67 = arith.constant 0 : i32
      %dma_start3A_68 = tpu.memref_slice %arg12[%dma_start3A_66, %dma_start3A_67] : memref<10016x128xf32, #tpu.memory_space<vmem_shared>> -> memref<10016x128xf32, #tpu.memory_space<vmem_shared>>
      tpu.enqueue_indirect_dma source(%arg10 : memref<128x128xf32, #tpu.memory_space<vmem>>) target(%dma_start3A_68 : memref<10016x128xf32, #tpu.memory_space<vmem_shared>>) offsets(%arg7 : memref<128xi32, #tpu.memory_space<vmem>>) semaphore(%run_scoped3A : memref<!tpu.dma_semaphore, #tpu.memory_space<semaphore_mem>>) {add = true}
      %dma_wait3A_69 = arith.constant 0 : i32
      %dma_wait3A_70 = arith.constant 0 : i32
      %dma_wait3A_71 = tpu.memref_slice %arg12[%dma_wait3A_69, %dma_wait3A_70] : memref<10016x128xf32, #tpu.memory_space<vmem_shared>> -> memref<10016x128xf32, #tpu.memory_space<vmem_shared>>
      tpu.wait_indirect_dma semaphore(%run_scoped3A : memref<!tpu.dma_semaphore, #tpu.memory_space<semaphore_mem>>) src(%arg10 : memref<128x128xf32, #tpu.memory_space<vmem>>) dst(%dma_wait3A_71 : memref<10016x128xf32, #tpu.memory_space<vmem_shared>>)
      tpu.yield
    }) : () -> ()
    %dma_wait3A_50 = arith.constant 0 : i32
    %dma_wait3A_51 = arith.constant 0 : i32
    %dma_wait3A_52 = tpu.memref_slice %arg2[%dma_wait3A_50, %dma_wait3A_51] : memref<20000x128xf32, #tpu.memory_space<hbm>> -> memref<20000x128xf32, #tpu.memory_space<hbm>>
    tpu.wait_indirect_dma semaphore(%arg14 : memref<!tpu.dma_semaphore, #tpu.memory_space<semaphore_mem>>) src(%dma_wait3A_52 : memref<20000x128xf32, #tpu.memory_space<hbm>>) dst(%arg11 : memref<128x128xf32, #tpu.memory_space<vmem>>)
    "tpu.region"() ({
      %run_scoped3A = tpu.sem_alloc : memref<!tpu.dma_semaphore, #tpu.memory_space<semaphore_mem>>
      %dma_start3A_66 = arith.constant 0 : i32
      %dma_start3A_67 = arith.constant 0 : i32
      %dma_start3A_68 = tpu.memref_slice %arg12[%dma_start3A_66, %dma_start3A_67] : memref<10016x128xf32, #tpu.memory_space<vmem_shared>> -> memref<10016x128xf32, #tpu.memory_space<vmem_shared>>
      tpu.enqueue_indirect_dma source(%arg11 : memref<128x128xf32, #tpu.memory_space<vmem>>) target(%dma_start3A_68 : memref<10016x128xf32, #tpu.memory_space<vmem_shared>>) offsets(%arg9 : memref<128xi32, #tpu.memory_space<vmem>>) semaphore(%run_scoped3A : memref<!tpu.dma_semaphore, #tpu.memory_space<semaphore_mem>>) {add = true}
      %dma_wait3A_69 = arith.constant 0 : i32
      %dma_wait3A_70 = arith.constant 0 : i32
      %dma_wait3A_71 = tpu.memref_slice %arg12[%dma_wait3A_69, %dma_wait3A_70] : memref<10016x128xf32, #tpu.memory_space<vmem_shared>> -> memref<10016x128xf32, #tpu.memory_space<vmem_shared>>
      tpu.wait_indirect_dma semaphore(%run_scoped3A : memref<!tpu.dma_semaphore, #tpu.memory_space<semaphore_mem>>) src(%arg11 : memref<128x128xf32, #tpu.memory_space<vmem>>) dst(%dma_wait3A_71 : memref<10016x128xf32, #tpu.memory_space<vmem_shared>>)
      tpu.yield
    }) : () -> ()
    %barrier3A_53 = arith.constant 0 : index
    tpu.barrier barrier_id(%barrier3A_53)
    %mul3A_54 = arith.constant 632 : i32
    %mul3A_55 = arith.muli %arg1, %mul3A_54 : i32
    %lt3A_56 = arith.constant 15 : i32
    %lt3A_57 = arith.cmpi slt, %arg1, %lt3A_56 : i32
    %convert_element_type3A_58 = arith.extui %lt3A_57 : i1 to i32
    %cond3A_59 = arith.constant 0 : i32
    %cond3A_60 = arith.cmpi ne, %convert_element_type3A_58, %cond3A_59 : i32
    scf.if %cond3A_60 {
      %mul3A_66 = arith.constant 10000 : i32
      %mul3A_67 = arith.muli %arg0, %mul3A_66 : i32
      %add3A_68 = arith.addi %mul3A_67, %mul3A_55 : i32
      "tpu.region"() ({
        %run_scoped3A = tpu.sem_alloc : memref<!tpu.dma_semaphore, #tpu.memory_space<semaphore_mem>>
        %dma_start3A_69 = arith.constant 0 : i32
        %dma_start3A_70 = tpu.memref_slice %arg5[%add3A_68, %dma_start3A_69] : memref<20000x128xf32, #tpu.memory_space<hbm>> -> memref<632x128xf32, #tpu.memory_space<hbm>>
        %dma_start3A_71 = arith.constant 0 : i32
        %dma_start3A_72 = tpu.memref_slice %arg12[%mul3A_55, %dma_start3A_71] : memref<10016x128xf32, #tpu.memory_space<vmem_shared>> -> memref<632x128xf32, #tpu.memory_space<vmem_shared>>
        tpu.enqueue_dma source(%dma_start3A_72 : memref<632x128xf32, #tpu.memory_space<vmem_shared>>) target(%dma_start3A_70 : memref<632x128xf32, #tpu.memory_space<hbm>>) target_semaphore(%run_scoped3A : memref<!tpu.dma_semaphore, #tpu.memory_space<semaphore_mem>>)
        %dma_wait3A_73 = arith.constant 0 : i32
        %dma_wait3A_74 = tpu.memref_slice %arg5[%add3A_68, %dma_wait3A_73] : memref<20000x128xf32, #tpu.memory_space<hbm>> -> memref<632x128xf32, #tpu.memory_space<hbm>>
        %dma_wait3A_75 = arith.constant 0 : i32
        %dma_wait3A_76 = tpu.memref_slice %arg12[%mul3A_55, %dma_wait3A_75] : memref<10016x128xf32, #tpu.memory_space<vmem_shared>> -> memref<632x128xf32, #tpu.memory_space<vmem_shared>>
        tpu.wait_dma2 semaphore(%run_scoped3A : memref<!tpu.dma_semaphore, #tpu.memory_space<semaphore_mem>>) src(%dma_wait3A_76 : memref<632x128xf32, #tpu.memory_space<vmem_shared>>) dst(%dma_wait3A_74 : memref<632x128xf32, #tpu.memory_space<hbm>>)
        tpu.yield
      }) : () -> ()
    } else {
    }
    %eq3A_61 = arith.constant 15 : i32
    %eq3A_62 = arith.cmpi eq, %arg1, %eq3A_61 : i32
    %convert_element_type3A_63 = arith.extui %eq3A_62 : i1 to i32
    %cond3A_64 = arith.constant 0 : i32
    %cond3A_65 = arith.cmpi ne, %convert_element_type3A_63, %cond3A_64 : i32
    scf.if %cond3A_65 {
      %mul3A_66 = arith.constant 10000 : i32
      %mul3A_67 = arith.muli %arg0, %mul3A_66 : i32
      %add3A_68 = arith.addi %mul3A_67, %mul3A_55 : i32
      "tpu.region"() ({
        %run_scoped3A = tpu.sem_alloc : memref<!tpu.dma_semaphore, #tpu.memory_space<semaphore_mem>>
        %dma_start3A_69 = arith.constant 0 : i32
        %dma_start3A_70 = tpu.memref_slice %arg5[%add3A_68, %dma_start3A_69] : memref<20000x128xf32, #tpu.memory_space<hbm>> -> memref<520x128xf32, #tpu.memory_space<hbm>>
        %dma_start3A_71 = arith.constant 0 : i32
        %dma_start3A_72 = tpu.memref_slice %arg12[%mul3A_55, %dma_start3A_71] : memref<10016x128xf32, #tpu.memory_space<vmem_shared>> -> memref<520x128xf32, #tpu.memory_space<vmem_shared>>
        tpu.enqueue_dma source(%dma_start3A_72 : memref<520x128xf32, #tpu.memory_space<vmem_shared>>) target(%dma_start3A_70 : memref<520x128xf32, #tpu.memory_space<hbm>>) target_semaphore(%run_scoped3A : memref<!tpu.dma_semaphore, #tpu.memory_space<semaphore_mem>>)
        %dma_wait3A_73 = arith.constant 0 : i32
        %dma_wait3A_74 = tpu.memref_slice %arg5[%add3A_68, %dma_wait3A_73] : memref<20000x128xf32, #tpu.memory_space<hbm>> -> memref<520x128xf32, #tpu.memory_space<hbm>>
        %dma_wait3A_75 = arith.constant 0 : i32
        %dma_wait3A_76 = tpu.memref_slice %arg12[%mul3A_55, %dma_wait3A_75] : memref<10016x128xf32, #tpu.memory_space<vmem_shared>> -> memref<520x128xf32, #tpu.memory_space<vmem_shared>>
        tpu.wait_dma2 semaphore(%run_scoped3A : memref<!tpu.dma_semaphore, #tpu.memory_space<semaphore_mem>>) src(%dma_wait3A_76 : memref<520x128xf32, #tpu.memory_space<vmem_shared>>) dst(%dma_wait3A_74 : memref<520x128xf32, #tpu.memory_space<hbm>>)
        tpu.yield
      }) : () -> ()
    } else {
    }
    return
  }
}

#map = affine_map<(d0, d1) -> (0)>
#map1 = affine_map<(d0, d1) -> (0, 0)>
module attributes {stable_mosaic.version = 14 : i64} {
  func.func @_deg_body(%arg0: i32, %arg1: i32, %arg2: memref<327680xi32, #tpu.memory_space<hbm>>, %arg3: memref<128x128xf32, #tpu.memory_space<hbm>>, %arg4: memref<128x128xf32, #tpu.memory_space<hbm>>, %arg5: memref<20000x128xf32, #tpu.memory_space<hbm>>, %arg6: memref<128xi32, #tpu.memory_space<vmem>>, %arg7: memref<128xi32, #tpu.memory_space<vmem>>, %arg8: memref<128x128xf32, #tpu.memory_space<vmem>>, %arg9: memref<128x128xf32, #tpu.memory_space<vmem>>, %arg10: memref<10016x128xf32, #tpu.memory_space<vmem_shared>>, %arg11: memref<!tpu.dma_semaphore, #tpu.memory_space<semaphore_mem>>, %arg12: memref<!tpu.dma_semaphore, #tpu.memory_space<semaphore_mem>>) attributes {dimension_semantics = [#tpu.dimension_semantics<core_parallel>, #tpu.dimension_semantics<subcore_parallel>], iteration_bounds = array<i64: 2, 16>, scalar_prefetch = 0 : i64, scratch_operands = 7 : i64, tpu.core_type = #tpu.core_type<sc_vector_subcore>, window_params = [{transform_indices = #map}, {transform_indices = #map1}, {transform_indices = #map1}, {transform_indices = #map1}]} {
    "tpu.region"() ({
      %run_scoped3A = tpu.sem_alloc : memref<!tpu.dma_semaphore, #tpu.memory_space<semaphore_mem>>
      tpu.enqueue_dma source(%arg3 : memref<128x128xf32, #tpu.memory_space<hbm>>) target(%arg9 : memref<128x128xf32, #tpu.memory_space<vmem>>) target_semaphore(%run_scoped3A : memref<!tpu.dma_semaphore, #tpu.memory_space<semaphore_mem>>)
      tpu.wait_dma2 semaphore(%run_scoped3A : memref<!tpu.dma_semaphore, #tpu.memory_space<semaphore_mem>>) src(%arg3 : memref<128x128xf32, #tpu.memory_space<hbm>>) dst(%arg9 : memref<128x128xf32, #tpu.memory_space<vmem>>)
      tpu.yield
    }) : () -> ()
    "tpu.region"() ({
      %run_scoped3A = tpu.sem_alloc : memref<!tpu.dma_semaphore, #tpu.memory_space<semaphore_mem>>
      tpu.enqueue_dma source(%arg4 : memref<128x128xf32, #tpu.memory_space<hbm>>) target(%arg8 : memref<128x128xf32, #tpu.memory_space<vmem>>) target_semaphore(%run_scoped3A : memref<!tpu.dma_semaphore, #tpu.memory_space<semaphore_mem>>)
      tpu.wait_dma2 semaphore(%run_scoped3A : memref<!tpu.dma_semaphore, #tpu.memory_space<semaphore_mem>>) src(%arg4 : memref<128x128xf32, #tpu.memory_space<hbm>>) dst(%arg8 : memref<128x128xf32, #tpu.memory_space<vmem>>)
      tpu.yield
    }) : () -> ()
    %mul3A = arith.constant 632 : i32
    %mul3A_0 = arith.muli %arg1, %mul3A : i32
    %lt3A = arith.constant 15 : i32
    %lt3A_1 = arith.cmpi slt, %arg1, %lt3A : i32
    %convert_element_type3A = arith.extui %lt3A_1 : i1 to i32
    %cond3A = arith.constant 0 : i32
    %cond3A_2 = arith.cmpi ne, %convert_element_type3A, %cond3A : i32
    scf.if %cond3A_2 {
      %add3A_46 = arith.constant 0 : i32
      %add3A_47 = arith.addi %mul3A_0, %add3A_46 : i32
      "tpu.region"() ({
        %run_scoped3A = tpu.sem_alloc : memref<!tpu.dma_semaphore, #tpu.memory_space<semaphore_mem>>
        %dma_start3A_56 = arith.constant 0 : i32
        %dma_start3A_57 = arith.constant 0 : i32
        %dma_start3A_58 = tpu.memref_slice %arg9[%dma_start3A_56, %dma_start3A_57] : memref<128x128xf32, #tpu.memory_space<vmem>> -> memref<128x128xf32, #tpu.memory_space<vmem>>
        %dma_start3A_59 = arith.constant 0 : i32
        %dma_start3A_60 = tpu.memref_slice %arg10[%add3A_47, %dma_start3A_59] : memref<10016x128xf32, #tpu.memory_space<vmem_shared>> -> memref<128x128xf32, #tpu.memory_space<vmem_shared>>
        %dma_start3A_61 = arith.constant 0 : i32
        %dma_start3A_62 = tpu.memref_slice %arg10[%add3A_47, %dma_start3A_61] : memref<10016x128xf32, #tpu.memory_space<vmem_shared>> -> memref<128x128xf32, #tpu.memory_space<vmem_shared>>
        %dma_start3A_63 = arith.constant 0 : i32
        %dma_start3A_64 = arith.constant 0 : i32
        %dma_start3A_65 = tpu.memref_slice %arg9[%dma_start3A_63, %dma_start3A_64] : memref<128x128xf32, #tpu.memory_space<vmem>> -> memref<128x128xf32, #tpu.memory_space<vmem>>
        tpu.enqueue_dma source(%dma_start3A_65 : memref<128x128xf32, #tpu.memory_space<vmem>>) target(%dma_start3A_62 : memref<128x128xf32, #tpu.memory_space<vmem_shared>>) target_semaphore(%run_scoped3A : memref<!tpu.dma_semaphore, #tpu.memory_space<semaphore_mem>>)
        %dma_wait3A_66 = arith.constant 0 : i32
        %dma_wait3A_67 = arith.constant 0 : i32
        %dma_wait3A_68 = tpu.memref_slice %arg9[%dma_wait3A_66, %dma_wait3A_67] : memref<128x128xf32, #tpu.memory_space<vmem>> -> memref<128x128xf32, #tpu.memory_space<vmem>>
        %dma_wait3A_69 = arith.constant 0 : i32
        %dma_wait3A_70 = tpu.memref_slice %arg10[%add3A_47, %dma_wait3A_69] : memref<10016x128xf32, #tpu.memory_space<vmem_shared>> -> memref<128x128xf32, #tpu.memory_space<vmem_shared>>
        %dma_wait3A_71 = arith.constant 0 : i32
        %dma_wait3A_72 = tpu.memref_slice %arg10[%add3A_47, %dma_wait3A_71] : memref<10016x128xf32, #tpu.memory_space<vmem_shared>> -> memref<128x128xf32, #tpu.memory_space<vmem_shared>>
        %dma_wait3A_73 = arith.constant 0 : i32
        %dma_wait3A_74 = arith.constant 0 : i32
        %dma_wait3A_75 = tpu.memref_slice %arg9[%dma_wait3A_73, %dma_wait3A_74] : memref<128x128xf32, #tpu.memory_space<vmem>> -> memref<128x128xf32, #tpu.memory_space<vmem>>
        tpu.wait_dma2 semaphore(%run_scoped3A : memref<!tpu.dma_semaphore, #tpu.memory_space<semaphore_mem>>) src(%dma_wait3A_75 : memref<128x128xf32, #tpu.memory_space<vmem>>) dst(%dma_wait3A_72 : memref<128x128xf32, #tpu.memory_space<vmem_shared>>)
        tpu.yield
      }) : () -> ()
      %add3A_48 = arith.constant 128 : i32
      %add3A_49 = arith.addi %mul3A_0, %add3A_48 : i32
      "tpu.region"() ({
        %run_scoped3A = tpu.sem_alloc : memref<!tpu.dma_semaphore, #tpu.memory_space<semaphore_mem>>
        %dma_start3A_56 = arith.constant 0 : i32
        %dma_start3A_57 = arith.constant 0 : i32
        %dma_start3A_58 = tpu.memref_slice %arg9[%dma_start3A_56, %dma_start3A_57] : memref<128x128xf32, #tpu.memory_space<vmem>> -> memref<128x128xf32, #tpu.memory_space<vmem>>
        %dma_start3A_59 = arith.constant 0 : i32
        %dma_start3A_60 = tpu.memref_slice %arg10[%add3A_49, %dma_start3A_59] : memref<10016x128xf32, #tpu.memory_space<vmem_shared>> -> memref<128x128xf32, #tpu.memory_space<vmem_shared>>
        %dma_start3A_61 = arith.constant 0 : i32
        %dma_start3A_62 = tpu.memref_slice %arg10[%add3A_49, %dma_start3A_61] : memref<10016x128xf32, #tpu.memory_space<vmem_shared>> -> memref<128x128xf32, #tpu.memory_space<vmem_shared>>
        %dma_start3A_63 = arith.constant 0 : i32
        %dma_start3A_64 = arith.constant 0 : i32
        %dma_start3A_65 = tpu.memref_slice %arg9[%dma_start3A_63, %dma_start3A_64] : memref<128x128xf32, #tpu.memory_space<vmem>> -> memref<128x128xf32, #tpu.memory_space<vmem>>
        tpu.enqueue_dma source(%dma_start3A_65 : memref<128x128xf32, #tpu.memory_space<vmem>>) target(%dma_start3A_62 : memref<128x128xf32, #tpu.memory_space<vmem_shared>>) target_semaphore(%run_scoped3A : memref<!tpu.dma_semaphore, #tpu.memory_space<semaphore_mem>>)
        %dma_wait3A_66 = arith.constant 0 : i32
        %dma_wait3A_67 = arith.constant 0 : i32
        %dma_wait3A_68 = tpu.memref_slice %arg9[%dma_wait3A_66, %dma_wait3A_67] : memref<128x128xf32, #tpu.memory_space<vmem>> -> memref<128x128xf32, #tpu.memory_space<vmem>>
        %dma_wait3A_69 = arith.constant 0 : i32
        %dma_wait3A_70 = tpu.memref_slice %arg10[%add3A_49, %dma_wait3A_69] : memref<10016x128xf32, #tpu.memory_space<vmem_shared>> -> memref<128x128xf32, #tpu.memory_space<vmem_shared>>
        %dma_wait3A_71 = arith.constant 0 : i32
        %dma_wait3A_72 = tpu.memref_slice %arg10[%add3A_49, %dma_wait3A_71] : memref<10016x128xf32, #tpu.memory_space<vmem_shared>> -> memref<128x128xf32, #tpu.memory_space<vmem_shared>>
        %dma_wait3A_73 = arith.constant 0 : i32
        %dma_wait3A_74 = arith.constant 0 : i32
        %dma_wait3A_75 = tpu.memref_slice %arg9[%dma_wait3A_73, %dma_wait3A_74] : memref<128x128xf32, #tpu.memory_space<vmem>> -> memref<128x128xf32, #tpu.memory_space<vmem>>
        tpu.wait_dma2 semaphore(%run_scoped3A : memref<!tpu.dma_semaphore, #tpu.memory_space<semaphore_mem>>) src(%dma_wait3A_75 : memref<128x128xf32, #tpu.memory_space<vmem>>) dst(%dma_wait3A_72 : memref<128x128xf32, #tpu.memory_space<vmem_shared>>)
        tpu.yield
      }) : () -> ()
      %add3A_50 = arith.constant 256 : i32
      %add3A_51 = arith.addi %mul3A_0, %add3A_50 : i32
      "tpu.region"() ({
        %run_scoped3A = tpu.sem_alloc : memref<!tpu.dma_semaphore, #tpu.memory_space<semaphore_mem>>
        %dma_start3A_56 = arith.constant 0 : i32
        %dma_start3A_57 = arith.constant 0 : i32
        %dma_start3A_58 = tpu.memref_slice %arg9[%dma_start3A_56, %dma_start3A_57] : memref<128x128xf32, #tpu.memory_space<vmem>> -> memref<128x128xf32, #tpu.memory_space<vmem>>
        %dma_start3A_59 = arith.constant 0 : i32
        %dma_start3A_60 = tpu.memref_slice %arg10[%add3A_51, %dma_start3A_59] : memref<10016x128xf32, #tpu.memory_space<vmem_shared>> -> memref<128x128xf32, #tpu.memory_space<vmem_shared>>
        %dma_start3A_61 = arith.constant 0 : i32
        %dma_start3A_62 = tpu.memref_slice %arg10[%add3A_51, %dma_start3A_61] : memref<10016x128xf32, #tpu.memory_space<vmem_shared>> -> memref<128x128xf32, #tpu.memory_space<vmem_shared>>
        %dma_start3A_63 = arith.constant 0 : i32
        %dma_start3A_64 = arith.constant 0 : i32
        %dma_start3A_65 = tpu.memref_slice %arg9[%dma_start3A_63, %dma_start3A_64] : memref<128x128xf32, #tpu.memory_space<vmem>> -> memref<128x128xf32, #tpu.memory_space<vmem>>
        tpu.enqueue_dma source(%dma_start3A_65 : memref<128x128xf32, #tpu.memory_space<vmem>>) target(%dma_start3A_62 : memref<128x128xf32, #tpu.memory_space<vmem_shared>>) target_semaphore(%run_scoped3A : memref<!tpu.dma_semaphore, #tpu.memory_space<semaphore_mem>>)
        %dma_wait3A_66 = arith.constant 0 : i32
        %dma_wait3A_67 = arith.constant 0 : i32
        %dma_wait3A_68 = tpu.memref_slice %arg9[%dma_wait3A_66, %dma_wait3A_67] : memref<128x128xf32, #tpu.memory_space<vmem>> -> memref<128x128xf32, #tpu.memory_space<vmem>>
        %dma_wait3A_69 = arith.constant 0 : i32
        %dma_wait3A_70 = tpu.memref_slice %arg10[%add3A_51, %dma_wait3A_69] : memref<10016x128xf32, #tpu.memory_space<vmem_shared>> -> memref<128x128xf32, #tpu.memory_space<vmem_shared>>
        %dma_wait3A_71 = arith.constant 0 : i32
        %dma_wait3A_72 = tpu.memref_slice %arg10[%add3A_51, %dma_wait3A_71] : memref<10016x128xf32, #tpu.memory_space<vmem_shared>> -> memref<128x128xf32, #tpu.memory_space<vmem_shared>>
        %dma_wait3A_73 = arith.constant 0 : i32
        %dma_wait3A_74 = arith.constant 0 : i32
        %dma_wait3A_75 = tpu.memref_slice %arg9[%dma_wait3A_73, %dma_wait3A_74] : memref<128x128xf32, #tpu.memory_space<vmem>> -> memref<128x128xf32, #tpu.memory_space<vmem>>
        tpu.wait_dma2 semaphore(%run_scoped3A : memref<!tpu.dma_semaphore, #tpu.memory_space<semaphore_mem>>) src(%dma_wait3A_75 : memref<128x128xf32, #tpu.memory_space<vmem>>) dst(%dma_wait3A_72 : memref<128x128xf32, #tpu.memory_space<vmem_shared>>)
        tpu.yield
      }) : () -> ()
      %add3A_52 = arith.constant 384 : i32
      %add3A_53 = arith.addi %mul3A_0, %add3A_52 : i32
      "tpu.region"() ({
        %run_scoped3A = tpu.sem_alloc : memref<!tpu.dma_semaphore, #tpu.memory_space<semaphore_mem>>
        %dma_start3A_56 = arith.constant 0 : i32
        %dma_start3A_57 = arith.constant 0 : i32
        %dma_start3A_58 = tpu.memref_slice %arg9[%dma_start3A_56, %dma_start3A_57] : memref<128x128xf32, #tpu.memory_space<vmem>> -> memref<128x128xf32, #tpu.memory_space<vmem>>
        %dma_start3A_59 = arith.constant 0 : i32
        %dma_start3A_60 = tpu.memref_slice %arg10[%add3A_53, %dma_start3A_59] : memref<10016x128xf32, #tpu.memory_space<vmem_shared>> -> memref<128x128xf32, #tpu.memory_space<vmem_shared>>
        %dma_start3A_61 = arith.constant 0 : i32
        %dma_start3A_62 = tpu.memref_slice %arg10[%add3A_53, %dma_start3A_61] : memref<10016x128xf32, #tpu.memory_space<vmem_shared>> -> memref<128x128xf32, #tpu.memory_space<vmem_shared>>
        %dma_start3A_63 = arith.constant 0 : i32
        %dma_start3A_64 = arith.constant 0 : i32
        %dma_start3A_65 = tpu.memref_slice %arg9[%dma_start3A_63, %dma_start3A_64] : memref<128x128xf32, #tpu.memory_space<vmem>> -> memref<128x128xf32, #tpu.memory_space<vmem>>
        tpu.enqueue_dma source(%dma_start3A_65 : memref<128x128xf32, #tpu.memory_space<vmem>>) target(%dma_start3A_62 : memref<128x128xf32, #tpu.memory_space<vmem_shared>>) target_semaphore(%run_scoped3A : memref<!tpu.dma_semaphore, #tpu.memory_space<semaphore_mem>>)
        %dma_wait3A_66 = arith.constant 0 : i32
        %dma_wait3A_67 = arith.constant 0 : i32
        %dma_wait3A_68 = tpu.memref_slice %arg9[%dma_wait3A_66, %dma_wait3A_67] : memref<128x128xf32, #tpu.memory_space<vmem>> -> memref<128x128xf32, #tpu.memory_space<vmem>>
        %dma_wait3A_69 = arith.constant 0 : i32
        %dma_wait3A_70 = tpu.memref_slice %arg10[%add3A_53, %dma_wait3A_69] : memref<10016x128xf32, #tpu.memory_space<vmem_shared>> -> memref<128x128xf32, #tpu.memory_space<vmem_shared>>
        %dma_wait3A_71 = arith.constant 0 : i32
        %dma_wait3A_72 = tpu.memref_slice %arg10[%add3A_53, %dma_wait3A_71] : memref<10016x128xf32, #tpu.memory_space<vmem_shared>> -> memref<128x128xf32, #tpu.memory_space<vmem_shared>>
        %dma_wait3A_73 = arith.constant 0 : i32
        %dma_wait3A_74 = arith.constant 0 : i32
        %dma_wait3A_75 = tpu.memref_slice %arg9[%dma_wait3A_73, %dma_wait3A_74] : memref<128x128xf32, #tpu.memory_space<vmem>> -> memref<128x128xf32, #tpu.memory_space<vmem>>
        tpu.wait_dma2 semaphore(%run_scoped3A : memref<!tpu.dma_semaphore, #tpu.memory_space<semaphore_mem>>) src(%dma_wait3A_75 : memref<128x128xf32, #tpu.memory_space<vmem>>) dst(%dma_wait3A_72 : memref<128x128xf32, #tpu.memory_space<vmem_shared>>)
        tpu.yield
      }) : () -> ()
      %add3A_54 = arith.constant 512 : i32
      %add3A_55 = arith.addi %mul3A_0, %add3A_54 : i32
      "tpu.region"() ({
        %run_scoped3A = tpu.sem_alloc : memref<!tpu.dma_semaphore, #tpu.memory_space<semaphore_mem>>
        %dma_start3A_56 = arith.constant 0 : i32
        %dma_start3A_57 = arith.constant 0 : i32
        %dma_start3A_58 = tpu.memref_slice %arg9[%dma_start3A_56, %dma_start3A_57] : memref<128x128xf32, #tpu.memory_space<vmem>> -> memref<120x128xf32, #tpu.memory_space<vmem>>
        %dma_start3A_59 = arith.constant 0 : i32
        %dma_start3A_60 = tpu.memref_slice %arg10[%add3A_55, %dma_start3A_59] : memref<10016x128xf32, #tpu.memory_space<vmem_shared>> -> memref<120x128xf32, #tpu.memory_space<vmem_shared>>
        %dma_start3A_61 = arith.constant 0 : i32
        %dma_start3A_62 = tpu.memref_slice %arg10[%add3A_55, %dma_start3A_61] : memref<10016x128xf32, #tpu.memory_space<vmem_shared>> -> memref<120x128xf32, #tpu.memory_space<vmem_shared>>
        %dma_start3A_63 = arith.constant 0 : i32
        %dma_start3A_64 = arith.constant 0 : i32
        %dma_start3A_65 = tpu.memref_slice %arg9[%dma_start3A_63, %dma_start3A_64] : memref<128x128xf32, #tpu.memory_space<vmem>> -> memref<120x128xf32, #tpu.memory_space<vmem>>
        tpu.enqueue_dma source(%dma_start3A_65 : memref<120x128xf32, #tpu.memory_space<vmem>>) target(%dma_start3A_62 : memref<120x128xf32, #tpu.memory_space<vmem_shared>>) target_semaphore(%run_scoped3A : memref<!tpu.dma_semaphore, #tpu.memory_space<semaphore_mem>>)
        %dma_wait3A_66 = arith.constant 0 : i32
        %dma_wait3A_67 = arith.constant 0 : i32
        %dma_wait3A_68 = tpu.memref_slice %arg9[%dma_wait3A_66, %dma_wait3A_67] : memref<128x128xf32, #tpu.memory_space<vmem>> -> memref<120x128xf32, #tpu.memory_space<vmem>>
        %dma_wait3A_69 = arith.constant 0 : i32
        %dma_wait3A_70 = tpu.memref_slice %arg10[%add3A_55, %dma_wait3A_69] : memref<10016x128xf32, #tpu.memory_space<vmem_shared>> -> memref<120x128xf32, #tpu.memory_space<vmem_shared>>
        %dma_wait3A_71 = arith.constant 0 : i32
        %dma_wait3A_72 = tpu.memref_slice %arg10[%add3A_55, %dma_wait3A_71] : memref<10016x128xf32, #tpu.memory_space<vmem_shared>> -> memref<120x128xf32, #tpu.memory_space<vmem_shared>>
        %dma_wait3A_73 = arith.constant 0 : i32
        %dma_wait3A_74 = arith.constant 0 : i32
        %dma_wait3A_75 = tpu.memref_slice %arg9[%dma_wait3A_73, %dma_wait3A_74] : memref<128x128xf32, #tpu.memory_space<vmem>> -> memref<120x128xf32, #tpu.memory_space<vmem>>
        tpu.wait_dma2 semaphore(%run_scoped3A : memref<!tpu.dma_semaphore, #tpu.memory_space<semaphore_mem>>) src(%dma_wait3A_75 : memref<120x128xf32, #tpu.memory_space<vmem>>) dst(%dma_wait3A_72 : memref<120x128xf32, #tpu.memory_space<vmem_shared>>)
        tpu.yield
      }) : () -> ()
    } else {
    }
    %eq3A = arith.constant 15 : i32
    %eq3A_3 = arith.cmpi eq, %arg1, %eq3A : i32
    %convert_element_type3A_4 = arith.extui %eq3A_3 : i1 to i32
    %cond3A_5 = arith.constant 0 : i32
    %cond3A_6 = arith.cmpi ne, %convert_element_type3A_4, %cond3A_5 : i32
    scf.if %cond3A_6 {
      %add3A_46 = arith.constant 0 : i32
      %add3A_47 = arith.addi %mul3A_0, %add3A_46 : i32
      "tpu.region"() ({
        %run_scoped3A = tpu.sem_alloc : memref<!tpu.dma_semaphore, #tpu.memory_space<semaphore_mem>>
        %dma_start3A_56 = arith.constant 0 : i32
        %dma_start3A_57 = arith.constant 0 : i32
        %dma_start3A_58 = tpu.memref_slice %arg9[%dma_start3A_56, %dma_start3A_57] : memref<128x128xf32, #tpu.memory_space<vmem>> -> memref<128x128xf32, #tpu.memory_space<vmem>>
        %dma_start3A_59 = arith.constant 0 : i32
        %dma_start3A_60 = tpu.memref_slice %arg10[%add3A_47, %dma_start3A_59] : memref<10016x128xf32, #tpu.memory_space<vmem_shared>> -> memref<128x128xf32, #tpu.memory_space<vmem_shared>>
        %dma_start3A_61 = arith.constant 0 : i32
        %dma_start3A_62 = tpu.memref_slice %arg10[%add3A_47, %dma_start3A_61] : memref<10016x128xf32, #tpu.memory_space<vmem_shared>> -> memref<128x128xf32, #tpu.memory_space<vmem_shared>>
        %dma_start3A_63 = arith.constant 0 : i32
        %dma_start3A_64 = arith.constant 0 : i32
        %dma_start3A_65 = tpu.memref_slice %arg9[%dma_start3A_63, %dma_start3A_64] : memref<128x128xf32, #tpu.memory_space<vmem>> -> memref<128x128xf32, #tpu.memory_space<vmem>>
        tpu.enqueue_dma source(%dma_start3A_65 : memref<128x128xf32, #tpu.memory_space<vmem>>) target(%dma_start3A_62 : memref<128x128xf32, #tpu.memory_space<vmem_shared>>) target_semaphore(%run_scoped3A : memref<!tpu.dma_semaphore, #tpu.memory_space<semaphore_mem>>)
        %dma_wait3A_66 = arith.constant 0 : i32
        %dma_wait3A_67 = arith.constant 0 : i32
        %dma_wait3A_68 = tpu.memref_slice %arg9[%dma_wait3A_66, %dma_wait3A_67] : memref<128x128xf32, #tpu.memory_space<vmem>> -> memref<128x128xf32, #tpu.memory_space<vmem>>
        %dma_wait3A_69 = arith.constant 0 : i32
        %dma_wait3A_70 = tpu.memref_slice %arg10[%add3A_47, %dma_wait3A_69] : memref<10016x128xf32, #tpu.memory_space<vmem_shared>> -> memref<128x128xf32, #tpu.memory_space<vmem_shared>>
        %dma_wait3A_71 = arith.constant 0 : i32
        %dma_wait3A_72 = tpu.memref_slice %arg10[%add3A_47, %dma_wait3A_71] : memref<10016x128xf32, #tpu.memory_space<vmem_shared>> -> memref<128x128xf32, #tpu.memory_space<vmem_shared>>
        %dma_wait3A_73 = arith.constant 0 : i32
        %dma_wait3A_74 = arith.constant 0 : i32
        %dma_wait3A_75 = tpu.memref_slice %arg9[%dma_wait3A_73, %dma_wait3A_74] : memref<128x128xf32, #tpu.memory_space<vmem>> -> memref<128x128xf32, #tpu.memory_space<vmem>>
        tpu.wait_dma2 semaphore(%run_scoped3A : memref<!tpu.dma_semaphore, #tpu.memory_space<semaphore_mem>>) src(%dma_wait3A_75 : memref<128x128xf32, #tpu.memory_space<vmem>>) dst(%dma_wait3A_72 : memref<128x128xf32, #tpu.memory_space<vmem_shared>>)
        tpu.yield
      }) : () -> ()
      %add3A_48 = arith.constant 128 : i32
      %add3A_49 = arith.addi %mul3A_0, %add3A_48 : i32
      "tpu.region"() ({
        %run_scoped3A = tpu.sem_alloc : memref<!tpu.dma_semaphore, #tpu.memory_space<semaphore_mem>>
        %dma_start3A_56 = arith.constant 0 : i32
        %dma_start3A_57 = arith.constant 0 : i32
        %dma_start3A_58 = tpu.memref_slice %arg9[%dma_start3A_56, %dma_start3A_57] : memref<128x128xf32, #tpu.memory_space<vmem>> -> memref<128x128xf32, #tpu.memory_space<vmem>>
        %dma_start3A_59 = arith.constant 0 : i32
        %dma_start3A_60 = tpu.memref_slice %arg10[%add3A_49, %dma_start3A_59] : memref<10016x128xf32, #tpu.memory_space<vmem_shared>> -> memref<128x128xf32, #tpu.memory_space<vmem_shared>>
        %dma_start3A_61 = arith.constant 0 : i32
        %dma_start3A_62 = tpu.memref_slice %arg10[%add3A_49, %dma_start3A_61] : memref<10016x128xf32, #tpu.memory_space<vmem_shared>> -> memref<128x128xf32, #tpu.memory_space<vmem_shared>>
        %dma_start3A_63 = arith.constant 0 : i32
        %dma_start3A_64 = arith.constant 0 : i32
        %dma_start3A_65 = tpu.memref_slice %arg9[%dma_start3A_63, %dma_start3A_64] : memref<128x128xf32, #tpu.memory_space<vmem>> -> memref<128x128xf32, #tpu.memory_space<vmem>>
        tpu.enqueue_dma source(%dma_start3A_65 : memref<128x128xf32, #tpu.memory_space<vmem>>) target(%dma_start3A_62 : memref<128x128xf32, #tpu.memory_space<vmem_shared>>) target_semaphore(%run_scoped3A : memref<!tpu.dma_semaphore, #tpu.memory_space<semaphore_mem>>)
        %dma_wait3A_66 = arith.constant 0 : i32
        %dma_wait3A_67 = arith.constant 0 : i32
        %dma_wait3A_68 = tpu.memref_slice %arg9[%dma_wait3A_66, %dma_wait3A_67] : memref<128x128xf32, #tpu.memory_space<vmem>> -> memref<128x128xf32, #tpu.memory_space<vmem>>
        %dma_wait3A_69 = arith.constant 0 : i32
        %dma_wait3A_70 = tpu.memref_slice %arg10[%add3A_49, %dma_wait3A_69] : memref<10016x128xf32, #tpu.memory_space<vmem_shared>> -> memref<128x128xf32, #tpu.memory_space<vmem_shared>>
        %dma_wait3A_71 = arith.constant 0 : i32
        %dma_wait3A_72 = tpu.memref_slice %arg10[%add3A_49, %dma_wait3A_71] : memref<10016x128xf32, #tpu.memory_space<vmem_shared>> -> memref<128x128xf32, #tpu.memory_space<vmem_shared>>
        %dma_wait3A_73 = arith.constant 0 : i32
        %dma_wait3A_74 = arith.constant 0 : i32
        %dma_wait3A_75 = tpu.memref_slice %arg9[%dma_wait3A_73, %dma_wait3A_74] : memref<128x128xf32, #tpu.memory_space<vmem>> -> memref<128x128xf32, #tpu.memory_space<vmem>>
        tpu.wait_dma2 semaphore(%run_scoped3A : memref<!tpu.dma_semaphore, #tpu.memory_space<semaphore_mem>>) src(%dma_wait3A_75 : memref<128x128xf32, #tpu.memory_space<vmem>>) dst(%dma_wait3A_72 : memref<128x128xf32, #tpu.memory_space<vmem_shared>>)
        tpu.yield
      }) : () -> ()
      %add3A_50 = arith.constant 256 : i32
      %add3A_51 = arith.addi %mul3A_0, %add3A_50 : i32
      "tpu.region"() ({
        %run_scoped3A = tpu.sem_alloc : memref<!tpu.dma_semaphore, #tpu.memory_space<semaphore_mem>>
        %dma_start3A_56 = arith.constant 0 : i32
        %dma_start3A_57 = arith.constant 0 : i32
        %dma_start3A_58 = tpu.memref_slice %arg9[%dma_start3A_56, %dma_start3A_57] : memref<128x128xf32, #tpu.memory_space<vmem>> -> memref<128x128xf32, #tpu.memory_space<vmem>>
        %dma_start3A_59 = arith.constant 0 : i32
        %dma_start3A_60 = tpu.memref_slice %arg10[%add3A_51, %dma_start3A_59] : memref<10016x128xf32, #tpu.memory_space<vmem_shared>> -> memref<128x128xf32, #tpu.memory_space<vmem_shared>>
        %dma_start3A_61 = arith.constant 0 : i32
        %dma_start3A_62 = tpu.memref_slice %arg10[%add3A_51, %dma_start3A_61] : memref<10016x128xf32, #tpu.memory_space<vmem_shared>> -> memref<128x128xf32, #tpu.memory_space<vmem_shared>>
        %dma_start3A_63 = arith.constant 0 : i32
        %dma_start3A_64 = arith.constant 0 : i32
        %dma_start3A_65 = tpu.memref_slice %arg9[%dma_start3A_63, %dma_start3A_64] : memref<128x128xf32, #tpu.memory_space<vmem>> -> memref<128x128xf32, #tpu.memory_space<vmem>>
        tpu.enqueue_dma source(%dma_start3A_65 : memref<128x128xf32, #tpu.memory_space<vmem>>) target(%dma_start3A_62 : memref<128x128xf32, #tpu.memory_space<vmem_shared>>) target_semaphore(%run_scoped3A : memref<!tpu.dma_semaphore, #tpu.memory_space<semaphore_mem>>)
        %dma_wait3A_66 = arith.constant 0 : i32
        %dma_wait3A_67 = arith.constant 0 : i32
        %dma_wait3A_68 = tpu.memref_slice %arg9[%dma_wait3A_66, %dma_wait3A_67] : memref<128x128xf32, #tpu.memory_space<vmem>> -> memref<128x128xf32, #tpu.memory_space<vmem>>
        %dma_wait3A_69 = arith.constant 0 : i32
        %dma_wait3A_70 = tpu.memref_slice %arg10[%add3A_51, %dma_wait3A_69] : memref<10016x128xf32, #tpu.memory_space<vmem_shared>> -> memref<128x128xf32, #tpu.memory_space<vmem_shared>>
        %dma_wait3A_71 = arith.constant 0 : i32
        %dma_wait3A_72 = tpu.memref_slice %arg10[%add3A_51, %dma_wait3A_71] : memref<10016x128xf32, #tpu.memory_space<vmem_shared>> -> memref<128x128xf32, #tpu.memory_space<vmem_shared>>
        %dma_wait3A_73 = arith.constant 0 : i32
        %dma_wait3A_74 = arith.constant 0 : i32
        %dma_wait3A_75 = tpu.memref_slice %arg9[%dma_wait3A_73, %dma_wait3A_74] : memref<128x128xf32, #tpu.memory_space<vmem>> -> memref<128x128xf32, #tpu.memory_space<vmem>>
        tpu.wait_dma2 semaphore(%run_scoped3A : memref<!tpu.dma_semaphore, #tpu.memory_space<semaphore_mem>>) src(%dma_wait3A_75 : memref<128x128xf32, #tpu.memory_space<vmem>>) dst(%dma_wait3A_72 : memref<128x128xf32, #tpu.memory_space<vmem_shared>>)
        tpu.yield
      }) : () -> ()
      %add3A_52 = arith.constant 384 : i32
      %add3A_53 = arith.addi %mul3A_0, %add3A_52 : i32
      "tpu.region"() ({
        %run_scoped3A = tpu.sem_alloc : memref<!tpu.dma_semaphore, #tpu.memory_space<semaphore_mem>>
        %dma_start3A_56 = arith.constant 0 : i32
        %dma_start3A_57 = arith.constant 0 : i32
        %dma_start3A_58 = tpu.memref_slice %arg9[%dma_start3A_56, %dma_start3A_57] : memref<128x128xf32, #tpu.memory_space<vmem>> -> memref<128x128xf32, #tpu.memory_space<vmem>>
        %dma_start3A_59 = arith.constant 0 : i32
        %dma_start3A_60 = tpu.memref_slice %arg10[%add3A_53, %dma_start3A_59] : memref<10016x128xf32, #tpu.memory_space<vmem_shared>> -> memref<128x128xf32, #tpu.memory_space<vmem_shared>>
        %dma_start3A_61 = arith.constant 0 : i32
        %dma_start3A_62 = tpu.memref_slice %arg10[%add3A_53, %dma_start3A_61] : memref<10016x128xf32, #tpu.memory_space<vmem_shared>> -> memref<128x128xf32, #tpu.memory_space<vmem_shared>>
        %dma_start3A_63 = arith.constant 0 : i32
        %dma_start3A_64 = arith.constant 0 : i32
        %dma_start3A_65 = tpu.memref_slice %arg9[%dma_start3A_63, %dma_start3A_64] : memref<128x128xf32, #tpu.memory_space<vmem>> -> memref<128x128xf32, #tpu.memory_space<vmem>>
        tpu.enqueue_dma source(%dma_start3A_65 : memref<128x128xf32, #tpu.memory_space<vmem>>) target(%dma_start3A_62 : memref<128x128xf32, #tpu.memory_space<vmem_shared>>) target_semaphore(%run_scoped3A : memref<!tpu.dma_semaphore, #tpu.memory_space<semaphore_mem>>)
        %dma_wait3A_66 = arith.constant 0 : i32
        %dma_wait3A_67 = arith.constant 0 : i32
        %dma_wait3A_68 = tpu.memref_slice %arg9[%dma_wait3A_66, %dma_wait3A_67] : memref<128x128xf32, #tpu.memory_space<vmem>> -> memref<128x128xf32, #tpu.memory_space<vmem>>
        %dma_wait3A_69 = arith.constant 0 : i32
        %dma_wait3A_70 = tpu.memref_slice %arg10[%add3A_53, %dma_wait3A_69] : memref<10016x128xf32, #tpu.memory_space<vmem_shared>> -> memref<128x128xf32, #tpu.memory_space<vmem_shared>>
        %dma_wait3A_71 = arith.constant 0 : i32
        %dma_wait3A_72 = tpu.memref_slice %arg10[%add3A_53, %dma_wait3A_71] : memref<10016x128xf32, #tpu.memory_space<vmem_shared>> -> memref<128x128xf32, #tpu.memory_space<vmem_shared>>
        %dma_wait3A_73 = arith.constant 0 : i32
        %dma_wait3A_74 = arith.constant 0 : i32
        %dma_wait3A_75 = tpu.memref_slice %arg9[%dma_wait3A_73, %dma_wait3A_74] : memref<128x128xf32, #tpu.memory_space<vmem>> -> memref<128x128xf32, #tpu.memory_space<vmem>>
        tpu.wait_dma2 semaphore(%run_scoped3A : memref<!tpu.dma_semaphore, #tpu.memory_space<semaphore_mem>>) src(%dma_wait3A_75 : memref<128x128xf32, #tpu.memory_space<vmem>>) dst(%dma_wait3A_72 : memref<128x128xf32, #tpu.memory_space<vmem_shared>>)
        tpu.yield
      }) : () -> ()
      %add3A_54 = arith.constant 512 : i32
      %add3A_55 = arith.addi %mul3A_0, %add3A_54 : i32
      "tpu.region"() ({
        %run_scoped3A = tpu.sem_alloc : memref<!tpu.dma_semaphore, #tpu.memory_space<semaphore_mem>>
        %dma_start3A_56 = arith.constant 0 : i32
        %dma_start3A_57 = arith.constant 0 : i32
        %dma_start3A_58 = tpu.memref_slice %arg9[%dma_start3A_56, %dma_start3A_57] : memref<128x128xf32, #tpu.memory_space<vmem>> -> memref<24x128xf32, #tpu.memory_space<vmem>>
        %dma_start3A_59 = arith.constant 0 : i32
        %dma_start3A_60 = tpu.memref_slice %arg10[%add3A_55, %dma_start3A_59] : memref<10016x128xf32, #tpu.memory_space<vmem_shared>> -> memref<24x128xf32, #tpu.memory_space<vmem_shared>>
        %dma_start3A_61 = arith.constant 0 : i32
        %dma_start3A_62 = tpu.memref_slice %arg10[%add3A_55, %dma_start3A_61] : memref<10016x128xf32, #tpu.memory_space<vmem_shared>> -> memref<24x128xf32, #tpu.memory_space<vmem_shared>>
        %dma_start3A_63 = arith.constant 0 : i32
        %dma_start3A_64 = arith.constant 0 : i32
        %dma_start3A_65 = tpu.memref_slice %arg9[%dma_start3A_63, %dma_start3A_64] : memref<128x128xf32, #tpu.memory_space<vmem>> -> memref<24x128xf32, #tpu.memory_space<vmem>>
        tpu.enqueue_dma source(%dma_start3A_65 : memref<24x128xf32, #tpu.memory_space<vmem>>) target(%dma_start3A_62 : memref<24x128xf32, #tpu.memory_space<vmem_shared>>) target_semaphore(%run_scoped3A : memref<!tpu.dma_semaphore, #tpu.memory_space<semaphore_mem>>)
        %dma_wait3A_66 = arith.constant 0 : i32
        %dma_wait3A_67 = arith.constant 0 : i32
        %dma_wait3A_68 = tpu.memref_slice %arg9[%dma_wait3A_66, %dma_wait3A_67] : memref<128x128xf32, #tpu.memory_space<vmem>> -> memref<24x128xf32, #tpu.memory_space<vmem>>
        %dma_wait3A_69 = arith.constant 0 : i32
        %dma_wait3A_70 = tpu.memref_slice %arg10[%add3A_55, %dma_wait3A_69] : memref<10016x128xf32, #tpu.memory_space<vmem_shared>> -> memref<24x128xf32, #tpu.memory_space<vmem_shared>>
        %dma_wait3A_71 = arith.constant 0 : i32
        %dma_wait3A_72 = tpu.memref_slice %arg10[%add3A_55, %dma_wait3A_71] : memref<10016x128xf32, #tpu.memory_space<vmem_shared>> -> memref<24x128xf32, #tpu.memory_space<vmem_shared>>
        %dma_wait3A_73 = arith.constant 0 : i32
        %dma_wait3A_74 = arith.constant 0 : i32
        %dma_wait3A_75 = tpu.memref_slice %arg9[%dma_wait3A_73, %dma_wait3A_74] : memref<128x128xf32, #tpu.memory_space<vmem>> -> memref<24x128xf32, #tpu.memory_space<vmem>>
        tpu.wait_dma2 semaphore(%run_scoped3A : memref<!tpu.dma_semaphore, #tpu.memory_space<semaphore_mem>>) src(%dma_wait3A_75 : memref<24x128xf32, #tpu.memory_space<vmem>>) dst(%dma_wait3A_72 : memref<24x128xf32, #tpu.memory_space<vmem_shared>>)
        tpu.yield
      }) : () -> ()
    } else {
    }
    %barrier3A = arith.constant 0 : index
    tpu.barrier barrier_id(%barrier3A)
    %mul3A_7 = arith.constant 16 : i32
    %mul3A_8 = arith.muli %arg0, %mul3A_7 : i32
    %add3A = arith.addi %mul3A_8, %arg1 : i32
    %mul3A_9 = arith.constant 80 : i32
    %mul3A_10 = arith.muli %add3A, %mul3A_9 : i32
    %mul3A_11 = arith.constant 128 : i32
    %mul3A_12 = arith.muli %mul3A_10, %mul3A_11 : i32
    %add3A_13 = arith.constant 0 : i32
    %add3A_14 = arith.addi %mul3A_12, %add3A_13 : i32
    %dma_start3A = tpu.memref_slice %arg2[%add3A_14] : memref<327680xi32, #tpu.memory_space<hbm>> -> memref<128xi32, #tpu.memory_space<hbm>>
    %dma_start3A_15 = tpu.memref_slice %arg2[%add3A_14] : memref<327680xi32, #tpu.memory_space<hbm>> -> memref<128xi32, #tpu.memory_space<hbm>>
    tpu.enqueue_dma source(%dma_start3A_15 : memref<128xi32, #tpu.memory_space<hbm>>) target(%arg6 : memref<128xi32, #tpu.memory_space<vmem>>) target_semaphore(%arg11 : memref<!tpu.dma_semaphore, #tpu.memory_space<semaphore_mem>>)
    %scan3A = arith.constant 0 : i32
    %scan3A_16 = arith.constant 0 : i32
    %scan3A_17 = arith.constant 39 : i32
    %scan3A_18 = arith.addi %scan3A_16, %scan3A_17 : i32
    %scan3A_19 = arith.constant 1 : i32
    %scan3A_20 = scf.for %scan3A_46 = %scan3A_16 to %scan3A_18 step %scan3A_19 iter_args(%scan3A_47 = %scan3A) -> (i32)  : i32 {
      %mul3A_48 = arith.constant 2 : i32
      %mul3A_49 = arith.muli %mul3A_48, %scan3A_46 : i32
      %add3A_50 = arith.constant 1 : i32
      %add3A_51 = arith.addi %mul3A_49, %add3A_50 : i32
      %mul3A_52 = arith.constant 128 : i32
      %mul3A_53 = arith.muli %add3A_51, %mul3A_52 : i32
      %add3A_54 = arith.addi %mul3A_12, %mul3A_53 : i32
      %dma_start3A_55 = tpu.memref_slice %arg2[%add3A_54] : memref<327680xi32, #tpu.memory_space<hbm>> -> memref<128xi32, #tpu.memory_space<hbm>>
      %dma_start3A_56 = tpu.memref_slice %arg2[%add3A_54] : memref<327680xi32, #tpu.memory_space<hbm>> -> memref<128xi32, #tpu.memory_space<hbm>>
      tpu.enqueue_dma source(%dma_start3A_56 : memref<128xi32, #tpu.memory_space<hbm>>) target(%arg7 : memref<128xi32, #tpu.memory_space<vmem>>) target_semaphore(%arg12 : memref<!tpu.dma_semaphore, #tpu.memory_space<semaphore_mem>>)
      %mul3A_57 = arith.constant 2 : i32
      %mul3A_58 = arith.muli %mul3A_57, %scan3A_46 : i32
      %mul3A_59 = arith.constant 128 : i32
      %mul3A_60 = arith.muli %mul3A_58, %mul3A_59 : i32
      %add3A_61 = arith.addi %mul3A_12, %mul3A_60 : i32
      %dma_wait3A_62 = tpu.memref_slice %arg2[%add3A_61] : memref<327680xi32, #tpu.memory_space<hbm>> -> memref<128xi32, #tpu.memory_space<hbm>>
      %dma_wait3A_63 = tpu.memref_slice %arg2[%add3A_61] : memref<327680xi32, #tpu.memory_space<hbm>> -> memref<128xi32, #tpu.memory_space<hbm>>
      tpu.wait_dma2 semaphore(%arg11 : memref<!tpu.dma_semaphore, #tpu.memory_space<semaphore_mem>>) src(%dma_wait3A_63 : memref<128xi32, #tpu.memory_space<hbm>>) dst(%arg6 : memref<128xi32, #tpu.memory_space<vmem>>)
      "tpu.region"() ({
        %run_scoped3A = tpu.sem_alloc : memref<!tpu.dma_semaphore, #tpu.memory_space<semaphore_mem>>
        %dma_start3A_83 = arith.constant 0 : i32
        %dma_start3A_84 = arith.constant 0 : i32
        %dma_start3A_85 = tpu.memref_slice %arg10[%dma_start3A_83, %dma_start3A_84] : memref<10016x128xf32, #tpu.memory_space<vmem_shared>> -> memref<10016x128xf32, #tpu.memory_space<vmem_shared>>
        tpu.enqueue_indirect_dma source(%arg8 : memref<128x128xf32, #tpu.memory_space<vmem>>) target(%dma_start3A_85 : memref<10016x128xf32, #tpu.memory_space<vmem_shared>>) offsets(%arg6 : memref<128xi32, #tpu.memory_space<vmem>>) semaphore(%run_scoped3A : memref<!tpu.dma_semaphore, #tpu.memory_space<semaphore_mem>>) {add = true}
        %dma_wait3A_86 = arith.constant 0 : i32
        %dma_wait3A_87 = arith.constant 0 : i32
        %dma_wait3A_88 = tpu.memref_slice %arg10[%dma_wait3A_86, %dma_wait3A_87] : memref<10016x128xf32, #tpu.memory_space<vmem_shared>> -> memref<10016x128xf32, #tpu.memory_space<vmem_shared>>
        tpu.wait_indirect_dma semaphore(%run_scoped3A : memref<!tpu.dma_semaphore, #tpu.memory_space<semaphore_mem>>) src(%arg8 : memref<128x128xf32, #tpu.memory_space<vmem>>) dst(%dma_wait3A_88 : memref<10016x128xf32, #tpu.memory_space<vmem_shared>>)
        tpu.yield
      }) : () -> ()
      %mul3A_64 = arith.constant 2 : i32
      %mul3A_65 = arith.muli %mul3A_64, %scan3A_46 : i32
      %add3A_66 = arith.constant 2 : i32
      %add3A_67 = arith.addi %mul3A_65, %add3A_66 : i32
      %mul3A_68 = arith.constant 128 : i32
      %mul3A_69 = arith.muli %add3A_67, %mul3A_68 : i32
      %add3A_70 = arith.addi %mul3A_12, %mul3A_69 : i32
      %dma_start3A_71 = tpu.memref_slice %arg2[%add3A_70] : memref<327680xi32, #tpu.memory_space<hbm>> -> memref<128xi32, #tpu.memory_space<hbm>>
      %dma_start3A_72 = tpu.memref_slice %arg2[%add3A_70] : memref<327680xi32, #tpu.memory_space<hbm>> -> memref<128xi32, #tpu.memory_space<hbm>>
      tpu.enqueue_dma source(%dma_start3A_72 : memref<128xi32, #tpu.memory_space<hbm>>) target(%arg6 : memref<128xi32, #tpu.memory_space<vmem>>) target_semaphore(%arg11 : memref<!tpu.dma_semaphore, #tpu.memory_space<semaphore_mem>>)
      %mul3A_73 = arith.constant 2 : i32
      %mul3A_74 = arith.muli %mul3A_73, %scan3A_46 : i32
      %add3A_75 = arith.constant 1 : i32
      %add3A_76 = arith.addi %mul3A_74, %add3A_75 : i32
      %mul3A_77 = arith.constant 128 : i32
      %mul3A_78 = arith.muli %add3A_76, %mul3A_77 : i32
      %add3A_79 = arith.addi %mul3A_12, %mul3A_78 : i32
      %dma_wait3A_80 = tpu.memref_slice %arg2[%add3A_79] : memref<327680xi32, #tpu.memory_space<hbm>> -> memref<128xi32, #tpu.memory_space<hbm>>
      %dma_wait3A_81 = tpu.memref_slice %arg2[%add3A_79] : memref<327680xi32, #tpu.memory_space<hbm>> -> memref<128xi32, #tpu.memory_space<hbm>>
      tpu.wait_dma2 semaphore(%arg12 : memref<!tpu.dma_semaphore, #tpu.memory_space<semaphore_mem>>) src(%dma_wait3A_81 : memref<128xi32, #tpu.memory_space<hbm>>) dst(%arg7 : memref<128xi32, #tpu.memory_space<vmem>>)
      "tpu.region"() ({
        %run_scoped3A = tpu.sem_alloc : memref<!tpu.dma_semaphore, #tpu.memory_space<semaphore_mem>>
        %dma_start3A_83 = arith.constant 0 : i32
        %dma_start3A_84 = arith.constant 0 : i32
        %dma_start3A_85 = tpu.memref_slice %arg10[%dma_start3A_83, %dma_start3A_84] : memref<10016x128xf32, #tpu.memory_space<vmem_shared>> -> memref<10016x128xf32, #tpu.memory_space<vmem_shared>>
        tpu.enqueue_indirect_dma source(%arg8 : memref<128x128xf32, #tpu.memory_space<vmem>>) target(%dma_start3A_85 : memref<10016x128xf32, #tpu.memory_space<vmem_shared>>) offsets(%arg7 : memref<128xi32, #tpu.memory_space<vmem>>) semaphore(%run_scoped3A : memref<!tpu.dma_semaphore, #tpu.memory_space<semaphore_mem>>) {add = true}
        %dma_wait3A_86 = arith.constant 0 : i32
        %dma_wait3A_87 = arith.constant 0 : i32
        %dma_wait3A_88 = tpu.memref_slice %arg10[%dma_wait3A_86, %dma_wait3A_87] : memref<10016x128xf32, #tpu.memory_space<vmem_shared>> -> memref<10016x128xf32, #tpu.memory_space<vmem_shared>>
        tpu.wait_indirect_dma semaphore(%run_scoped3A : memref<!tpu.dma_semaphore, #tpu.memory_space<semaphore_mem>>) src(%arg8 : memref<128x128xf32, #tpu.memory_space<vmem>>) dst(%dma_wait3A_88 : memref<10016x128xf32, #tpu.memory_space<vmem_shared>>)
        tpu.yield
      }) : () -> ()
      %scan3A_82 = arith.constant 0 : i32
      scf.yield %scan3A_82 : i32
    }
    %scan3A_21 = arith.constant 39 : i32
    %add3A_22 = arith.constant 10112 : i32
    %add3A_23 = arith.addi %mul3A_12, %add3A_22 : i32
    %dma_start3A_24 = tpu.memref_slice %arg2[%add3A_23] : memref<327680xi32, #tpu.memory_space<hbm>> -> memref<128xi32, #tpu.memory_space<hbm>>
    %dma_start3A_25 = tpu.memref_slice %arg2[%add3A_23] : memref<327680xi32, #tpu.memory_space<hbm>> -> memref<128xi32, #tpu.memory_space<hbm>>
    tpu.enqueue_dma source(%dma_start3A_25 : memref<128xi32, #tpu.memory_space<hbm>>) target(%arg7 : memref<128xi32, #tpu.memory_space<vmem>>) target_semaphore(%arg12 : memref<!tpu.dma_semaphore, #tpu.memory_space<semaphore_mem>>)
    %add3A_26 = arith.constant 9984 : i32
    %add3A_27 = arith.addi %mul3A_12, %add3A_26 : i32
    %dma_wait3A = tpu.memref_slice %arg2[%add3A_27] : memref<327680xi32, #tpu.memory_space<hbm>> -> memref<128xi32, #tpu.memory_space<hbm>>
    %dma_wait3A_28 = tpu.memref_slice %arg2[%add3A_27] : memref<327680xi32, #tpu.memory_space<hbm>> -> memref<128xi32, #tpu.memory_space<hbm>>
    tpu.wait_dma2 semaphore(%arg11 : memref<!tpu.dma_semaphore, #tpu.memory_space<semaphore_mem>>) src(%dma_wait3A_28 : memref<128xi32, #tpu.memory_space<hbm>>) dst(%arg6 : memref<128xi32, #tpu.memory_space<vmem>>)
    "tpu.region"() ({
      %run_scoped3A = tpu.sem_alloc : memref<!tpu.dma_semaphore, #tpu.memory_space<semaphore_mem>>
      %dma_start3A_46 = arith.constant 0 : i32
      %dma_start3A_47 = arith.constant 0 : i32
      %dma_start3A_48 = tpu.memref_slice %arg10[%dma_start3A_46, %dma_start3A_47] : memref<10016x128xf32, #tpu.memory_space<vmem_shared>> -> memref<10016x128xf32, #tpu.memory_space<vmem_shared>>
      tpu.enqueue_indirect_dma source(%arg8 : memref<128x128xf32, #tpu.memory_space<vmem>>) target(%dma_start3A_48 : memref<10016x128xf32, #tpu.memory_space<vmem_shared>>) offsets(%arg6 : memref<128xi32, #tpu.memory_space<vmem>>) semaphore(%run_scoped3A : memref<!tpu.dma_semaphore, #tpu.memory_space<semaphore_mem>>) {add = true}
      %dma_wait3A_49 = arith.constant 0 : i32
      %dma_wait3A_50 = arith.constant 0 : i32
      %dma_wait3A_51 = tpu.memref_slice %arg10[%dma_wait3A_49, %dma_wait3A_50] : memref<10016x128xf32, #tpu.memory_space<vmem_shared>> -> memref<10016x128xf32, #tpu.memory_space<vmem_shared>>
      tpu.wait_indirect_dma semaphore(%run_scoped3A : memref<!tpu.dma_semaphore, #tpu.memory_space<semaphore_mem>>) src(%arg8 : memref<128x128xf32, #tpu.memory_space<vmem>>) dst(%dma_wait3A_51 : memref<10016x128xf32, #tpu.memory_space<vmem_shared>>)
      tpu.yield
    }) : () -> ()
    %add3A_29 = arith.constant 10112 : i32
    %add3A_30 = arith.addi %mul3A_12, %add3A_29 : i32
    %dma_wait3A_31 = tpu.memref_slice %arg2[%add3A_30] : memref<327680xi32, #tpu.memory_space<hbm>> -> memref<128xi32, #tpu.memory_space<hbm>>
    %dma_wait3A_32 = tpu.memref_slice %arg2[%add3A_30] : memref<327680xi32, #tpu.memory_space<hbm>> -> memref<128xi32, #tpu.memory_space<hbm>>
    tpu.wait_dma2 semaphore(%arg12 : memref<!tpu.dma_semaphore, #tpu.memory_space<semaphore_mem>>) src(%dma_wait3A_32 : memref<128xi32, #tpu.memory_space<hbm>>) dst(%arg7 : memref<128xi32, #tpu.memory_space<vmem>>)
    "tpu.region"() ({
      %run_scoped3A = tpu.sem_alloc : memref<!tpu.dma_semaphore, #tpu.memory_space<semaphore_mem>>
      %dma_start3A_46 = arith.constant 0 : i32
      %dma_start3A_47 = arith.constant 0 : i32
      %dma_start3A_48 = tpu.memref_slice %arg10[%dma_start3A_46, %dma_start3A_47] : memref<10016x128xf32, #tpu.memory_space<vmem_shared>> -> memref<10016x128xf32, #tpu.memory_space<vmem_shared>>
      tpu.enqueue_indirect_dma source(%arg8 : memref<128x128xf32, #tpu.memory_space<vmem>>) target(%dma_start3A_48 : memref<10016x128xf32, #tpu.memory_space<vmem_shared>>) offsets(%arg7 : memref<128xi32, #tpu.memory_space<vmem>>) semaphore(%run_scoped3A : memref<!tpu.dma_semaphore, #tpu.memory_space<semaphore_mem>>) {add = true}
      %dma_wait3A_49 = arith.constant 0 : i32
      %dma_wait3A_50 = arith.constant 0 : i32
      %dma_wait3A_51 = tpu.memref_slice %arg10[%dma_wait3A_49, %dma_wait3A_50] : memref<10016x128xf32, #tpu.memory_space<vmem_shared>> -> memref<10016x128xf32, #tpu.memory_space<vmem_shared>>
      tpu.wait_indirect_dma semaphore(%run_scoped3A : memref<!tpu.dma_semaphore, #tpu.memory_space<semaphore_mem>>) src(%arg8 : memref<128x128xf32, #tpu.memory_space<vmem>>) dst(%dma_wait3A_51 : memref<10016x128xf32, #tpu.memory_space<vmem_shared>>)
      tpu.yield
    }) : () -> ()
    %barrier3A_33 = arith.constant 0 : index
    tpu.barrier barrier_id(%barrier3A_33)
    %mul3A_34 = arith.constant 632 : i32
    %mul3A_35 = arith.muli %arg1, %mul3A_34 : i32
    %lt3A_36 = arith.constant 15 : i32
    %lt3A_37 = arith.cmpi slt, %arg1, %lt3A_36 : i32
    %convert_element_type3A_38 = arith.extui %lt3A_37 : i1 to i32
    %cond3A_39 = arith.constant 0 : i32
    %cond3A_40 = arith.cmpi ne, %convert_element_type3A_38, %cond3A_39 : i32
    scf.if %cond3A_40 {
      %mul3A_46 = arith.constant 10000 : i32
      %mul3A_47 = arith.muli %arg0, %mul3A_46 : i32
      %add3A_48 = arith.addi %mul3A_47, %mul3A_35 : i32
      "tpu.region"() ({
        %run_scoped3A = tpu.sem_alloc : memref<!tpu.dma_semaphore, #tpu.memory_space<semaphore_mem>>
        %dma_start3A_49 = arith.constant 0 : i32
        %dma_start3A_50 = tpu.memref_slice %arg5[%add3A_48, %dma_start3A_49] : memref<20000x128xf32, #tpu.memory_space<hbm>> -> memref<632x128xf32, #tpu.memory_space<hbm>>
        %dma_start3A_51 = arith.constant 0 : i32
        %dma_start3A_52 = tpu.memref_slice %arg10[%mul3A_35, %dma_start3A_51] : memref<10016x128xf32, #tpu.memory_space<vmem_shared>> -> memref<632x128xf32, #tpu.memory_space<vmem_shared>>
        tpu.enqueue_dma source(%dma_start3A_52 : memref<632x128xf32, #tpu.memory_space<vmem_shared>>) target(%dma_start3A_50 : memref<632x128xf32, #tpu.memory_space<hbm>>) target_semaphore(%run_scoped3A : memref<!tpu.dma_semaphore, #tpu.memory_space<semaphore_mem>>)
        %dma_wait3A_53 = arith.constant 0 : i32
        %dma_wait3A_54 = tpu.memref_slice %arg5[%add3A_48, %dma_wait3A_53] : memref<20000x128xf32, #tpu.memory_space<hbm>> -> memref<632x128xf32, #tpu.memory_space<hbm>>
        %dma_wait3A_55 = arith.constant 0 : i32
        %dma_wait3A_56 = tpu.memref_slice %arg10[%mul3A_35, %dma_wait3A_55] : memref<10016x128xf32, #tpu.memory_space<vmem_shared>> -> memref<632x128xf32, #tpu.memory_space<vmem_shared>>
        tpu.wait_dma2 semaphore(%run_scoped3A : memref<!tpu.dma_semaphore, #tpu.memory_space<semaphore_mem>>) src(%dma_wait3A_56 : memref<632x128xf32, #tpu.memory_space<vmem_shared>>) dst(%dma_wait3A_54 : memref<632x128xf32, #tpu.memory_space<hbm>>)
        tpu.yield
      }) : () -> ()
    } else {
    }
    %eq3A_41 = arith.constant 15 : i32
    %eq3A_42 = arith.cmpi eq, %arg1, %eq3A_41 : i32
    %convert_element_type3A_43 = arith.extui %eq3A_42 : i1 to i32
    %cond3A_44 = arith.constant 0 : i32
    %cond3A_45 = arith.cmpi ne, %convert_element_type3A_43, %cond3A_44 : i32
    scf.if %cond3A_45 {
      %mul3A_46 = arith.constant 10000 : i32
      %mul3A_47 = arith.muli %arg0, %mul3A_46 : i32
      %add3A_48 = arith.addi %mul3A_47, %mul3A_35 : i32
      "tpu.region"() ({
        %run_scoped3A = tpu.sem_alloc : memref<!tpu.dma_semaphore, #tpu.memory_space<semaphore_mem>>
        %dma_start3A_49 = arith.constant 0 : i32
        %dma_start3A_50 = tpu.memref_slice %arg5[%add3A_48, %dma_start3A_49] : memref<20000x128xf32, #tpu.memory_space<hbm>> -> memref<520x128xf32, #tpu.memory_space<hbm>>
        %dma_start3A_51 = arith.constant 0 : i32
        %dma_start3A_52 = tpu.memref_slice %arg10[%mul3A_35, %dma_start3A_51] : memref<10016x128xf32, #tpu.memory_space<vmem_shared>> -> memref<520x128xf32, #tpu.memory_space<vmem_shared>>
        tpu.enqueue_dma source(%dma_start3A_52 : memref<520x128xf32, #tpu.memory_space<vmem_shared>>) target(%dma_start3A_50 : memref<520x128xf32, #tpu.memory_space<hbm>>) target_semaphore(%run_scoped3A : memref<!tpu.dma_semaphore, #tpu.memory_space<semaphore_mem>>)
        %dma_wait3A_53 = arith.constant 0 : i32
        %dma_wait3A_54 = tpu.memref_slice %arg5[%add3A_48, %dma_wait3A_53] : memref<20000x128xf32, #tpu.memory_space<hbm>> -> memref<520x128xf32, #tpu.memory_space<hbm>>
        %dma_wait3A_55 = arith.constant 0 : i32
        %dma_wait3A_56 = tpu.memref_slice %arg10[%mul3A_35, %dma_wait3A_55] : memref<10016x128xf32, #tpu.memory_space<vmem_shared>> -> memref<520x128xf32, #tpu.memory_space<vmem_shared>>
        tpu.wait_dma2 semaphore(%run_scoped3A : memref<!tpu.dma_semaphore, #tpu.memory_space<semaphore_mem>>) src(%dma_wait3A_56 : memref<520x128xf32, #tpu.memory_space<vmem_shared>>) dst(%dma_wait3A_54 : memref<520x128xf32, #tpu.memory_space<hbm>>)
        tpu.yield
      }) : () -> ()
    } else {
    }
    return
  }
}

#map = affine_map<(d0, d1) -> (0, 0)>
#map1 = affine_map<(d0, d1) -> (0)>
module attributes {stable_mosaic.version = 14 : i64} {
  func.func @body(%arg0: i32, %arg1: i32, %arg2: memref<40000x128xf32, #tpu.memory_space<hbm>>, %arg3: memref<327680xi32, #tpu.memory_space<hbm>>, %arg4: memref<327680xi32, #tpu.memory_space<hbm>>, %arg5: memref<20000x128xf32, #tpu.memory_space<hbm>>, %arg6: memref<128xi32, #tpu.memory_space<vmem>>, %arg7: memref<128xi32, #tpu.memory_space<vmem>>, %arg8: memref<128xi32, #tpu.memory_space<vmem>>, %arg9: memref<128xi32, #tpu.memory_space<vmem>>, %arg10: memref<128x128xf32, #tpu.memory_space<vmem>>, %arg11: memref<128x128xf32, #tpu.memory_space<vmem>>, %arg12: memref<10016x128xf32, #tpu.memory_space<vmem_shared>>, %arg13: memref<!tpu.dma_semaphore, #tpu.memory_space<semaphore_mem>>, %arg14: memref<!tpu.dma_semaphore, #tpu.memory_space<semaphore_mem>>, %arg15: memref<!tpu.dma_semaphore, #tpu.memory_space<semaphore_mem>>, %arg16: memref<!tpu.dma_semaphore, #tpu.memory_space<semaphore_mem>>, %arg17: memref<!tpu.dma_semaphore, #tpu.memory_space<semaphore_mem>>, %arg18: memref<!tpu.dma_semaphore, #tpu.memory_space<semaphore_mem>>) attributes {dimension_semantics = [#tpu.dimension_semantics<core_parallel>, #tpu.dimension_semantics<subcore_parallel>], iteration_bounds = array<i64: 2, 16>, scalar_prefetch = 0 : i64, scratch_operands = 13 : i64, tpu.core_type = #tpu.core_type<sc_vector_subcore>, window_params = [{transform_indices = #map}, {transform_indices = #map1}, {transform_indices = #map1}, {transform_indices = #map}]} {
    %mul3A = arith.constant 632 : i32
    %mul3A_0 = arith.muli %arg1, %mul3A : i32
    %lt3A = arith.constant 15 : i32
    %lt3A_1 = arith.cmpi slt, %arg1, %lt3A : i32
    %convert_element_type3A = arith.extui %lt3A_1 : i1 to i32
    %cond3A = arith.constant 0 : i32
    %cond3A_2 = arith.cmpi ne, %convert_element_type3A, %cond3A : i32
    scf.if %cond3A_2 {
      %mul3A_66 = arith.constant 10000 : i32
      %mul3A_67 = arith.muli %arg0, %mul3A_66 : i32
      %mul3A_68 = arith.constant 2 : i32
      %mul3A_69 = arith.muli %mul3A_67, %mul3A_68 : i32
      %add3A_70 = arith.addi %mul3A_69, %mul3A_0 : i32
      "tpu.region"() ({
        %run_scoped3A = tpu.sem_alloc : memref<!tpu.dma_semaphore, #tpu.memory_space<semaphore_mem>>
        %dma_start3A_71 = arith.constant 0 : i32
        %dma_start3A_72 = tpu.memref_slice %arg12[%mul3A_0, %dma_start3A_71] : memref<10016x128xf32, #tpu.memory_space<vmem_shared>> -> memref<632x128xf32, #tpu.memory_space<vmem_shared>>
        %dma_start3A_73 = arith.constant 0 : i32
        %dma_start3A_74 = tpu.memref_slice %arg2[%add3A_70, %dma_start3A_73] : memref<40000x128xf32, #tpu.memory_space<hbm>> -> memref<632x128xf32, #tpu.memory_space<hbm>>
        tpu.enqueue_dma source(%dma_start3A_74 : memref<632x128xf32, #tpu.memory_space<hbm>>) target(%dma_start3A_72 : memref<632x128xf32, #tpu.memory_space<vmem_shared>>) target_semaphore(%run_scoped3A : memref<!tpu.dma_semaphore, #tpu.memory_space<semaphore_mem>>)
        %dma_wait3A_75 = arith.constant 0 : i32
        %dma_wait3A_76 = tpu.memref_slice %arg12[%mul3A_0, %dma_wait3A_75] : memref<10016x128xf32, #tpu.memory_space<vmem_shared>> -> memref<632x128xf32, #tpu.memory_space<vmem_shared>>
        %dma_wait3A_77 = arith.constant 0 : i32
        %dma_wait3A_78 = tpu.memref_slice %arg2[%add3A_70, %dma_wait3A_77] : memref<40000x128xf32, #tpu.memory_space<hbm>> -> memref<632x128xf32, #tpu.memory_space<hbm>>
        tpu.wait_dma2 semaphore(%run_scoped3A : memref<!tpu.dma_semaphore, #tpu.memory_space<semaphore_mem>>) src(%dma_wait3A_78 : memref<632x128xf32, #tpu.memory_space<hbm>>) dst(%dma_wait3A_76 : memref<632x128xf32, #tpu.memory_space<vmem_shared>>)
        tpu.yield
      }) : () -> ()
    } else {
    }
    %eq3A = arith.constant 15 : i32
    %eq3A_3 = arith.cmpi eq, %arg1, %eq3A : i32
    %convert_element_type3A_4 = arith.extui %eq3A_3 : i1 to i32
    %cond3A_5 = arith.constant 0 : i32
    %cond3A_6 = arith.cmpi ne, %convert_element_type3A_4, %cond3A_5 : i32
    scf.if %cond3A_6 {
      %mul3A_66 = arith.constant 10000 : i32
      %mul3A_67 = arith.muli %arg0, %mul3A_66 : i32
      %mul3A_68 = arith.constant 2 : i32
      %mul3A_69 = arith.muli %mul3A_67, %mul3A_68 : i32
      %add3A_70 = arith.addi %mul3A_69, %mul3A_0 : i32
      "tpu.region"() ({
        %run_scoped3A = tpu.sem_alloc : memref<!tpu.dma_semaphore, #tpu.memory_space<semaphore_mem>>
        %dma_start3A_71 = arith.constant 0 : i32
        %dma_start3A_72 = tpu.memref_slice %arg12[%mul3A_0, %dma_start3A_71] : memref<10016x128xf32, #tpu.memory_space<vmem_shared>> -> memref<520x128xf32, #tpu.memory_space<vmem_shared>>
        %dma_start3A_73 = arith.constant 0 : i32
        %dma_start3A_74 = tpu.memref_slice %arg2[%add3A_70, %dma_start3A_73] : memref<40000x128xf32, #tpu.memory_space<hbm>> -> memref<520x128xf32, #tpu.memory_space<hbm>>
        tpu.enqueue_dma source(%dma_start3A_74 : memref<520x128xf32, #tpu.memory_space<hbm>>) target(%dma_start3A_72 : memref<520x128xf32, #tpu.memory_space<vmem_shared>>) target_semaphore(%run_scoped3A : memref<!tpu.dma_semaphore, #tpu.memory_space<semaphore_mem>>)
        %dma_wait3A_75 = arith.constant 0 : i32
        %dma_wait3A_76 = tpu.memref_slice %arg12[%mul3A_0, %dma_wait3A_75] : memref<10016x128xf32, #tpu.memory_space<vmem_shared>> -> memref<520x128xf32, #tpu.memory_space<vmem_shared>>
        %dma_wait3A_77 = arith.constant 0 : i32
        %dma_wait3A_78 = tpu.memref_slice %arg2[%add3A_70, %dma_wait3A_77] : memref<40000x128xf32, #tpu.memory_space<hbm>> -> memref<520x128xf32, #tpu.memory_space<hbm>>
        tpu.wait_dma2 semaphore(%run_scoped3A : memref<!tpu.dma_semaphore, #tpu.memory_space<semaphore_mem>>) src(%dma_wait3A_78 : memref<520x128xf32, #tpu.memory_space<hbm>>) dst(%dma_wait3A_76 : memref<520x128xf32, #tpu.memory_space<vmem_shared>>)
        tpu.yield
      }) : () -> ()
    } else {
    }
    %barrier3A = arith.constant 0 : index
    tpu.barrier barrier_id(%barrier3A)
    %mul3A_7 = arith.constant 16 : i32
    %mul3A_8 = arith.muli %arg0, %mul3A_7 : i32
    %add3A = arith.addi %mul3A_8, %arg1 : i32
    %mul3A_9 = arith.constant 80 : i32
    %mul3A_10 = arith.muli %add3A, %mul3A_9 : i32
    %mul3A_11 = arith.constant 128 : i32
    %mul3A_12 = arith.muli %mul3A_10, %mul3A_11 : i32
    %add3A_13 = arith.constant 0 : i32
    %add3A_14 = arith.addi %mul3A_12, %add3A_13 : i32
    %dma_start3A = tpu.memref_slice %arg3[%add3A_14] : memref<327680xi32, #tpu.memory_space<hbm>> -> memref<128xi32, #tpu.memory_space<hbm>>
    %dma_start3A_15 = tpu.memref_slice %arg3[%add3A_14] : memref<327680xi32, #tpu.memory_space<hbm>> -> memref<128xi32, #tpu.memory_space<hbm>>
    tpu.enqueue_dma source(%dma_start3A_15 : memref<128xi32, #tpu.memory_space<hbm>>) target(%arg6 : memref<128xi32, #tpu.memory_space<vmem>>) target_semaphore(%arg15 : memref<!tpu.dma_semaphore, #tpu.memory_space<semaphore_mem>>)
    %add3A_16 = arith.constant 0 : i32
    %add3A_17 = arith.addi %mul3A_12, %add3A_16 : i32
    %dma_start3A_18 = tpu.memref_slice %arg4[%add3A_17] : memref<327680xi32, #tpu.memory_space<hbm>> -> memref<128xi32, #tpu.memory_space<hbm>>
    %dma_start3A_19 = tpu.memref_slice %arg4[%add3A_17] : memref<327680xi32, #tpu.memory_space<hbm>> -> memref<128xi32, #tpu.memory_space<hbm>>
    tpu.enqueue_dma source(%dma_start3A_19 : memref<128xi32, #tpu.memory_space<hbm>>) target(%arg7 : memref<128xi32, #tpu.memory_space<vmem>>) target_semaphore(%arg16 : memref<!tpu.dma_semaphore, #tpu.memory_space<semaphore_mem>>)
    %dma_wait3A = tpu.memref_slice %arg3[%mul3A_12] : memref<327680xi32, #tpu.memory_space<hbm>> -> memref<128xi32, #tpu.memory_space<hbm>>
    %dma_wait3A_20 = tpu.memref_slice %arg3[%mul3A_12] : memref<327680xi32, #tpu.memory_space<hbm>> -> memref<128xi32, #tpu.memory_space<hbm>>
    tpu.wait_dma2 semaphore(%arg15 : memref<!tpu.dma_semaphore, #tpu.memory_space<semaphore_mem>>) src(%dma_wait3A_20 : memref<128xi32, #tpu.memory_space<hbm>>) dst(%arg6 : memref<128xi32, #tpu.memory_space<vmem>>)
    %dma_wait3A_21 = tpu.memref_slice %arg4[%mul3A_12] : memref<327680xi32, #tpu.memory_space<hbm>> -> memref<128xi32, #tpu.memory_space<hbm>>
    %dma_wait3A_22 = tpu.memref_slice %arg4[%mul3A_12] : memref<327680xi32, #tpu.memory_space<hbm>> -> memref<128xi32, #tpu.memory_space<hbm>>
    tpu.wait_dma2 semaphore(%arg16 : memref<!tpu.dma_semaphore, #tpu.memory_space<semaphore_mem>>) src(%dma_wait3A_22 : memref<128xi32, #tpu.memory_space<hbm>>) dst(%arg7 : memref<128xi32, #tpu.memory_space<vmem>>)
    %dma_start3A_23 = arith.constant 0 : i32
    %dma_start3A_24 = arith.constant 0 : i32
    %dma_start3A_25 = tpu.memref_slice %arg2[%dma_start3A_23, %dma_start3A_24] : memref<40000x128xf32, #tpu.memory_space<hbm>> -> memref<40000x128xf32, #tpu.memory_space<hbm>>
    tpu.enqueue_indirect_dma source(%dma_start3A_25 : memref<40000x128xf32, #tpu.memory_space<hbm>>) target(%arg10 : memref<128x128xf32, #tpu.memory_space<vmem>>) offsets(%arg6 : memref<128xi32, #tpu.memory_space<vmem>>) semaphore(%arg13 : memref<!tpu.dma_semaphore, #tpu.memory_space<semaphore_mem>>)
    %add3A_26 = arith.constant 128 : i32
    %add3A_27 = arith.addi %mul3A_12, %add3A_26 : i32
    %dma_start3A_28 = tpu.memref_slice %arg3[%add3A_27] : memref<327680xi32, #tpu.memory_space<hbm>> -> memref<128xi32, #tpu.memory_space<hbm>>
    %dma_start3A_29 = tpu.memref_slice %arg3[%add3A_27] : memref<327680xi32, #tpu.memory_space<hbm>> -> memref<128xi32, #tpu.memory_space<hbm>>
    tpu.enqueue_dma source(%dma_start3A_29 : memref<128xi32, #tpu.memory_space<hbm>>) target(%arg8 : memref<128xi32, #tpu.memory_space<vmem>>) target_semaphore(%arg17 : memref<!tpu.dma_semaphore, #tpu.memory_space<semaphore_mem>>)
    %add3A_30 = arith.constant 128 : i32
    %add3A_31 = arith.addi %mul3A_12, %add3A_30 : i32
    %dma_start3A_32 = tpu.memref_slice %arg4[%add3A_31] : memref<327680xi32, #tpu.memory_space<hbm>> -> memref<128xi32, #tpu.memory_space<hbm>>
    %dma_start3A_33 = tpu.memref_slice %arg4[%add3A_31] : memref<327680xi32, #tpu.memory_space<hbm>> -> memref<128xi32, #tpu.memory_space<hbm>>
    tpu.enqueue_dma source(%dma_start3A_33 : memref<128xi32, #tpu.memory_space<hbm>>) target(%arg9 : memref<128xi32, #tpu.memory_space<vmem>>) target_semaphore(%arg18 : memref<!tpu.dma_semaphore, #tpu.memory_space<semaphore_mem>>)
    %scan3A = arith.constant 0 : i32
    %scan3A_34 = arith.constant 0 : i32
    %scan3A_35 = arith.constant 39 : i32
    %scan3A_36 = arith.addi %scan3A_34, %scan3A_35 : i32
    %scan3A_37 = arith.constant 1 : i32
    %scan3A_38 = scf.for %scan3A_66 = %scan3A_34 to %scan3A_36 step %scan3A_37 iter_args(%scan3A_67 = %scan3A) -> (i32)  : i32 {
      %dma_wait3A_68 = tpu.memref_slice %arg3[%mul3A_12] : memref<327680xi32, #tpu.memory_space<hbm>> -> memref<128xi32, #tpu.memory_space<hbm>>
      %dma_wait3A_69 = tpu.memref_slice %arg3[%mul3A_12] : memref<327680xi32, #tpu.memory_space<hbm>> -> memref<128xi32, #tpu.memory_space<hbm>>
      tpu.wait_dma2 semaphore(%arg17 : memref<!tpu.dma_semaphore, #tpu.memory_space<semaphore_mem>>) src(%dma_wait3A_69 : memref<128xi32, #tpu.memory_space<hbm>>) dst(%arg8 : memref<128xi32, #tpu.memory_space<vmem>>)
      %dma_wait3A_70 = tpu.memref_slice %arg4[%mul3A_12] : memref<327680xi32, #tpu.memory_space<hbm>> -> memref<128xi32, #tpu.memory_space<hbm>>
      %dma_wait3A_71 = tpu.memref_slice %arg4[%mul3A_12] : memref<327680xi32, #tpu.memory_space<hbm>> -> memref<128xi32, #tpu.memory_space<hbm>>
      tpu.wait_dma2 semaphore(%arg18 : memref<!tpu.dma_semaphore, #tpu.memory_space<semaphore_mem>>) src(%dma_wait3A_71 : memref<128xi32, #tpu.memory_space<hbm>>) dst(%arg9 : memref<128xi32, #tpu.memory_space<vmem>>)
      %dma_wait3A_72 = arith.constant 0 : i32
      %dma_wait3A_73 = arith.constant 0 : i32
      %dma_wait3A_74 = tpu.memref_slice %arg2[%dma_wait3A_72, %dma_wait3A_73] : memref<40000x128xf32, #tpu.memory_space<hbm>> -> memref<40000x128xf32, #tpu.memory_space<hbm>>
      tpu.wait_indirect_dma semaphore(%arg13 : memref<!tpu.dma_semaphore, #tpu.memory_space<semaphore_mem>>) src(%dma_wait3A_74 : memref<40000x128xf32, #tpu.memory_space<hbm>>) dst(%arg10 : memref<128x128xf32, #tpu.memory_space<vmem>>)
      %dma_start3A_75 = arith.constant 0 : i32
      %dma_start3A_76 = arith.constant 0 : i32
      %dma_start3A_77 = tpu.memref_slice %arg2[%dma_start3A_75, %dma_start3A_76] : memref<40000x128xf32, #tpu.memory_space<hbm>> -> memref<40000x128xf32, #tpu.memory_space<hbm>>
      tpu.enqueue_indirect_dma source(%dma_start3A_77 : memref<40000x128xf32, #tpu.memory_space<hbm>>) target(%arg11 : memref<128x128xf32, #tpu.memory_space<vmem>>) offsets(%arg8 : memref<128xi32, #tpu.memory_space<vmem>>) semaphore(%arg14 : memref<!tpu.dma_semaphore, #tpu.memory_space<semaphore_mem>>)
      "tpu.region"() ({
        %run_scoped3A = tpu.sem_alloc : memref<!tpu.dma_semaphore, #tpu.memory_space<semaphore_mem>>
        %dma_start3A_117 = arith.constant 0 : i32
        %dma_start3A_118 = arith.constant 0 : i32
        %dma_start3A_119 = tpu.memref_slice %arg12[%dma_start3A_117, %dma_start3A_118] : memref<10016x128xf32, #tpu.memory_space<vmem_shared>> -> memref<10016x128xf32, #tpu.memory_space<vmem_shared>>
        tpu.enqueue_indirect_dma source(%arg10 : memref<128x128xf32, #tpu.memory_space<vmem>>) target(%dma_start3A_119 : memref<10016x128xf32, #tpu.memory_space<vmem_shared>>) offsets(%arg7 : memref<128xi32, #tpu.memory_space<vmem>>) semaphore(%run_scoped3A : memref<!tpu.dma_semaphore, #tpu.memory_space<semaphore_mem>>) {add = true}
        %dma_wait3A_120 = arith.constant 0 : i32
        %dma_wait3A_121 = arith.constant 0 : i32
        %dma_wait3A_122 = tpu.memref_slice %arg12[%dma_wait3A_120, %dma_wait3A_121] : memref<10016x128xf32, #tpu.memory_space<vmem_shared>> -> memref<10016x128xf32, #tpu.memory_space<vmem_shared>>
        tpu.wait_indirect_dma semaphore(%run_scoped3A : memref<!tpu.dma_semaphore, #tpu.memory_space<semaphore_mem>>) src(%arg10 : memref<128x128xf32, #tpu.memory_space<vmem>>) dst(%dma_wait3A_122 : memref<10016x128xf32, #tpu.memory_space<vmem_shared>>)
        tpu.yield
      }) : () -> ()
      %mul3A_78 = arith.constant 2 : i32
      %mul3A_79 = arith.muli %mul3A_78, %scan3A_66 : i32
      %add3A_80 = arith.constant 2 : i32
      %add3A_81 = arith.addi %mul3A_79, %add3A_80 : i32
      %mul3A_82 = arith.constant 128 : i32
      %mul3A_83 = arith.muli %add3A_81, %mul3A_82 : i32
      %add3A_84 = arith.addi %mul3A_12, %mul3A_83 : i32
      %dma_start3A_85 = tpu.memref_slice %arg3[%add3A_84] : memref<327680xi32, #tpu.memory_space<hbm>> -> memref<128xi32, #tpu.memory_space<hbm>>
      %dma_start3A_86 = tpu.memref_slice %arg3[%add3A_84] : memref<327680xi32, #tpu.memory_space<hbm>> -> memref<128xi32, #tpu.memory_space<hbm>>
      tpu.enqueue_dma source(%dma_start3A_86 : memref<128xi32, #tpu.memory_space<hbm>>) target(%arg6 : memref<128xi32, #tpu.memory_space<vmem>>) target_semaphore(%arg15 : memref<!tpu.dma_semaphore, #tpu.memory_space<semaphore_mem>>)
      %mul3A_87 = arith.constant 128 : i32
      %mul3A_88 = arith.muli %add3A_81, %mul3A_87 : i32
      %add3A_89 = arith.addi %mul3A_12, %mul3A_88 : i32
      %dma_start3A_90 = tpu.memref_slice %arg4[%add3A_89] : memref<327680xi32, #tpu.memory_space<hbm>> -> memref<128xi32, #tpu.memory_space<hbm>>
      %dma_start3A_91 = tpu.memref_slice %arg4[%add3A_89] : memref<327680xi32, #tpu.memory_space<hbm>> -> memref<128xi32, #tpu.memory_space<hbm>>
      tpu.enqueue_dma source(%dma_start3A_91 : memref<128xi32, #tpu.memory_space<hbm>>) target(%arg7 : memref<128xi32, #tpu.memory_space<vmem>>) target_semaphore(%arg16 : memref<!tpu.dma_semaphore, #tpu.memory_space<semaphore_mem>>)
      %dma_wait3A_92 = arith.constant 0 : i32
      %dma_wait3A_93 = arith.constant 0 : i32
      %dma_wait3A_94 = tpu.memref_slice %arg2[%dma_wait3A_92, %dma_wait3A_93] : memref<40000x128xf32, #tpu.memory_space<hbm>> -> memref<40000x128xf32, #tpu.memory_space<hbm>>
      tpu.wait_indirect_dma semaphore(%arg14 : memref<!tpu.dma_semaphore, #tpu.memory_space<semaphore_mem>>) src(%dma_wait3A_94 : memref<40000x128xf32, #tpu.memory_space<hbm>>) dst(%arg11 : memref<128x128xf32, #tpu.memory_space<vmem>>)
      %dma_wait3A_95 = tpu.memref_slice %arg3[%mul3A_12] : memref<327680xi32, #tpu.memory_space<hbm>> -> memref<128xi32, #tpu.memory_space<hbm>>
      %dma_wait3A_96 = tpu.memref_slice %arg3[%mul3A_12] : memref<327680xi32, #tpu.memory_space<hbm>> -> memref<128xi32, #tpu.memory_space<hbm>>
      tpu.wait_dma2 semaphore(%arg15 : memref<!tpu.dma_semaphore, #tpu.memory_space<semaphore_mem>>) src(%dma_wait3A_96 : memref<128xi32, #tpu.memory_space<hbm>>) dst(%arg6 : memref<128xi32, #tpu.memory_space<vmem>>)
      %dma_wait3A_97 = tpu.memref_slice %arg4[%mul3A_12] : memref<327680xi32, #tpu.memory_space<hbm>> -> memref<128xi32, #tpu.memory_space<hbm>>
      %dma_wait3A_98 = tpu.memref_slice %arg4[%mul3A_12] : memref<327680xi32, #tpu.memory_space<hbm>> -> memref<128xi32, #tpu.memory_space<hbm>>
      tpu.wait_dma2 semaphore(%arg16 : memref<!tpu.dma_semaphore, #tpu.memory_space<semaphore_mem>>) src(%dma_wait3A_98 : memref<128xi32, #tpu.memory_space<hbm>>) dst(%arg7 : memref<128xi32, #tpu.memory_space<vmem>>)
      %dma_start3A_99 = arith.constant 0 : i32
      %dma_start3A_100 = arith.constant 0 : i32
      %dma_start3A_101 = tpu.memref_slice %arg2[%dma_start3A_99, %dma_start3A_100] : memref<40000x128xf32, #tpu.memory_space<hbm>> -> memref<40000x128xf32, #tpu.memory_space<hbm>>
      tpu.enqueue_indirect_dma source(%dma_start3A_101 : memref<40000x128xf32, #tpu.memory_space<hbm>>) target(%arg10 : memref<128x128xf32, #tpu.memory_space<vmem>>) offsets(%arg6 : memref<128xi32, #tpu.memory_space<vmem>>) semaphore(%arg13 : memref<!tpu.dma_semaphore, #tpu.memory_space<semaphore_mem>>)
      "tpu.region"() ({
        %run_scoped3A = tpu.sem_alloc : memref<!tpu.dma_semaphore, #tpu.memory_space<semaphore_mem>>
        %dma_start3A_117 = arith.constant 0 : i32
        %dma_start3A_118 = arith.constant 0 : i32
        %dma_start3A_119 = tpu.memref_slice %arg12[%dma_start3A_117, %dma_start3A_118] : memref<10016x128xf32, #tpu.memory_space<vmem_shared>> -> memref<10016x128xf32, #tpu.memory_space<vmem_shared>>
        tpu.enqueue_indirect_dma source(%arg11 : memref<128x128xf32, #tpu.memory_space<vmem>>) target(%dma_start3A_119 : memref<10016x128xf32, #tpu.memory_space<vmem_shared>>) offsets(%arg9 : memref<128xi32, #tpu.memory_space<vmem>>) semaphore(%run_scoped3A : memref<!tpu.dma_semaphore, #tpu.memory_space<semaphore_mem>>) {add = true}
        %dma_wait3A_120 = arith.constant 0 : i32
        %dma_wait3A_121 = arith.constant 0 : i32
        %dma_wait3A_122 = tpu.memref_slice %arg12[%dma_wait3A_120, %dma_wait3A_121] : memref<10016x128xf32, #tpu.memory_space<vmem_shared>> -> memref<10016x128xf32, #tpu.memory_space<vmem_shared>>
        tpu.wait_indirect_dma semaphore(%run_scoped3A : memref<!tpu.dma_semaphore, #tpu.memory_space<semaphore_mem>>) src(%arg11 : memref<128x128xf32, #tpu.memory_space<vmem>>) dst(%dma_wait3A_122 : memref<10016x128xf32, #tpu.memory_space<vmem_shared>>)
        tpu.yield
      }) : () -> ()
      %mul3A_102 = arith.constant 2 : i32
      %mul3A_103 = arith.muli %mul3A_102, %scan3A_66 : i32
      %add3A_104 = arith.constant 3 : i32
      %add3A_105 = arith.addi %mul3A_103, %add3A_104 : i32
      %mul3A_106 = arith.constant 128 : i32
      %mul3A_107 = arith.muli %add3A_105, %mul3A_106 : i32
      %add3A_108 = arith.addi %mul3A_12, %mul3A_107 : i32
      %dma_start3A_109 = tpu.memref_slice %arg3[%add3A_108] : memref<327680xi32, #tpu.memory_space<hbm>> -> memref<128xi32, #tpu.memory_space<hbm>>
      %dma_start3A_110 = tpu.memref_slice %arg3[%add3A_108] : memref<327680xi32, #tpu.memory_space<hbm>> -> memref<128xi32, #tpu.memory_space<hbm>>
      tpu.enqueue_dma source(%dma_start3A_110 : memref<128xi32, #tpu.memory_space<hbm>>) target(%arg8 : memref<128xi32, #tpu.memory_space<vmem>>) target_semaphore(%arg17 : memref<!tpu.dma_semaphore, #tpu.memory_space<semaphore_mem>>)
      %mul3A_111 = arith.constant 128 : i32
      %mul3A_112 = arith.muli %add3A_105, %mul3A_111 : i32
      %add3A_113 = arith.addi %mul3A_12, %mul3A_112 : i32
      %dma_start3A_114 = tpu.memref_slice %arg4[%add3A_113] : memref<327680xi32, #tpu.memory_space<hbm>> -> memref<128xi32, #tpu.memory_space<hbm>>
      %dma_start3A_115 = tpu.memref_slice %arg4[%add3A_113] : memref<327680xi32, #tpu.memory_space<hbm>> -> memref<128xi32, #tpu.memory_space<hbm>>
      tpu.enqueue_dma source(%dma_start3A_115 : memref<128xi32, #tpu.memory_space<hbm>>) target(%arg9 : memref<128xi32, #tpu.memory_space<vmem>>) target_semaphore(%arg18 : memref<!tpu.dma_semaphore, #tpu.memory_space<semaphore_mem>>)
      %scan3A_116 = arith.constant 0 : i32
      scf.yield %scan3A_116 : i32
    }
    %scan3A_39 = arith.constant 39 : i32
    %dma_wait3A_40 = tpu.memref_slice %arg3[%mul3A_12] : memref<327680xi32, #tpu.memory_space<hbm>> -> memref<128xi32, #tpu.memory_space<hbm>>
    %dma_wait3A_41 = tpu.memref_slice %arg3[%mul3A_12] : memref<327680xi32, #tpu.memory_space<hbm>> -> memref<128xi32, #tpu.memory_space<hbm>>
    tpu.wait_dma2 semaphore(%arg17 : memref<!tpu.dma_semaphore, #tpu.memory_space<semaphore_mem>>) src(%dma_wait3A_41 : memref<128xi32, #tpu.memory_space<hbm>>) dst(%arg8 : memref<128xi32, #tpu.memory_space<vmem>>)
    %dma_wait3A_42 = tpu.memref_slice %arg4[%mul3A_12] : memref<327680xi32, #tpu.memory_space<hbm>> -> memref<128xi32, #tpu.memory_space<hbm>>
    %dma_wait3A_43 = tpu.memref_slice %arg4[%mul3A_12] : memref<327680xi32, #tpu.memory_space<hbm>> -> memref<128xi32, #tpu.memory_space<hbm>>
    tpu.wait_dma2 semaphore(%arg18 : memref<!tpu.dma_semaphore, #tpu.memory_space<semaphore_mem>>) src(%dma_wait3A_43 : memref<128xi32, #tpu.memory_space<hbm>>) dst(%arg9 : memref<128xi32, #tpu.memory_space<vmem>>)
    %dma_wait3A_44 = arith.constant 0 : i32
    %dma_wait3A_45 = arith.constant 0 : i32
    %dma_wait3A_46 = tpu.memref_slice %arg2[%dma_wait3A_44, %dma_wait3A_45] : memref<40000x128xf32, #tpu.memory_space<hbm>> -> memref<40000x128xf32, #tpu.memory_space<hbm>>
    tpu.wait_indirect_dma semaphore(%arg13 : memref<!tpu.dma_semaphore, #tpu.memory_space<semaphore_mem>>) src(%dma_wait3A_46 : memref<40000x128xf32, #tpu.memory_space<hbm>>) dst(%arg10 : memref<128x128xf32, #tpu.memory_space<vmem>>)
    %dma_start3A_47 = arith.constant 0 : i32
    %dma_start3A_48 = arith.constant 0 : i32
    %dma_start3A_49 = tpu.memref_slice %arg2[%dma_start3A_47, %dma_start3A_48] : memref<40000x128xf32, #tpu.memory_space<hbm>> -> memref<40000x128xf32, #tpu.memory_space<hbm>>
    tpu.enqueue_indirect_dma source(%dma_start3A_49 : memref<40000x128xf32, #tpu.memory_space<hbm>>) target(%arg11 : memref<128x128xf32, #tpu.memory_space<vmem>>) offsets(%arg8 : memref<128xi32, #tpu.memory_space<vmem>>) semaphore(%arg14 : memref<!tpu.dma_semaphore, #tpu.memory_space<semaphore_mem>>)
    "tpu.region"() ({
      %run_scoped3A = tpu.sem_alloc : memref<!tpu.dma_semaphore, #tpu.memory_space<semaphore_mem>>
      %dma_start3A_66 = arith.constant 0 : i32
      %dma_start3A_67 = arith.constant 0 : i32
      %dma_start3A_68 = tpu.memref_slice %arg12[%dma_start3A_66, %dma_start3A_67] : memref<10016x128xf32, #tpu.memory_space<vmem_shared>> -> memref<10016x128xf32, #tpu.memory_space<vmem_shared>>
      tpu.enqueue_indirect_dma source(%arg10 : memref<128x128xf32, #tpu.memory_space<vmem>>) target(%dma_start3A_68 : memref<10016x128xf32, #tpu.memory_space<vmem_shared>>) offsets(%arg7 : memref<128xi32, #tpu.memory_space<vmem>>) semaphore(%run_scoped3A : memref<!tpu.dma_semaphore, #tpu.memory_space<semaphore_mem>>) {add = true}
      %dma_wait3A_69 = arith.constant 0 : i32
      %dma_wait3A_70 = arith.constant 0 : i32
      %dma_wait3A_71 = tpu.memref_slice %arg12[%dma_wait3A_69, %dma_wait3A_70] : memref<10016x128xf32, #tpu.memory_space<vmem_shared>> -> memref<10016x128xf32, #tpu.memory_space<vmem_shared>>
      tpu.wait_indirect_dma semaphore(%run_scoped3A : memref<!tpu.dma_semaphore, #tpu.memory_space<semaphore_mem>>) src(%arg10 : memref<128x128xf32, #tpu.memory_space<vmem>>) dst(%dma_wait3A_71 : memref<10016x128xf32, #tpu.memory_space<vmem_shared>>)
      tpu.yield
    }) : () -> ()
    %dma_wait3A_50 = arith.constant 0 : i32
    %dma_wait3A_51 = arith.constant 0 : i32
    %dma_wait3A_52 = tpu.memref_slice %arg2[%dma_wait3A_50, %dma_wait3A_51] : memref<40000x128xf32, #tpu.memory_space<hbm>> -> memref<40000x128xf32, #tpu.memory_space<hbm>>
    tpu.wait_indirect_dma semaphore(%arg14 : memref<!tpu.dma_semaphore, #tpu.memory_space<semaphore_mem>>) src(%dma_wait3A_52 : memref<40000x128xf32, #tpu.memory_space<hbm>>) dst(%arg11 : memref<128x128xf32, #tpu.memory_space<vmem>>)
    "tpu.region"() ({
      %run_scoped3A = tpu.sem_alloc : memref<!tpu.dma_semaphore, #tpu.memory_space<semaphore_mem>>
      %dma_start3A_66 = arith.constant 0 : i32
      %dma_start3A_67 = arith.constant 0 : i32
      %dma_start3A_68 = tpu.memref_slice %arg12[%dma_start3A_66, %dma_start3A_67] : memref<10016x128xf32, #tpu.memory_space<vmem_shared>> -> memref<10016x128xf32, #tpu.memory_space<vmem_shared>>
      tpu.enqueue_indirect_dma source(%arg11 : memref<128x128xf32, #tpu.memory_space<vmem>>) target(%dma_start3A_68 : memref<10016x128xf32, #tpu.memory_space<vmem_shared>>) offsets(%arg9 : memref<128xi32, #tpu.memory_space<vmem>>) semaphore(%run_scoped3A : memref<!tpu.dma_semaphore, #tpu.memory_space<semaphore_mem>>) {add = true}
      %dma_wait3A_69 = arith.constant 0 : i32
      %dma_wait3A_70 = arith.constant 0 : i32
      %dma_wait3A_71 = tpu.memref_slice %arg12[%dma_wait3A_69, %dma_wait3A_70] : memref<10016x128xf32, #tpu.memory_space<vmem_shared>> -> memref<10016x128xf32, #tpu.memory_space<vmem_shared>>
      tpu.wait_indirect_dma semaphore(%run_scoped3A : memref<!tpu.dma_semaphore, #tpu.memory_space<semaphore_mem>>) src(%arg11 : memref<128x128xf32, #tpu.memory_space<vmem>>) dst(%dma_wait3A_71 : memref<10016x128xf32, #tpu.memory_space<vmem_shared>>)
      tpu.yield
    }) : () -> ()
    %barrier3A_53 = arith.constant 0 : index
    tpu.barrier barrier_id(%barrier3A_53)
    %mul3A_54 = arith.constant 632 : i32
    %mul3A_55 = arith.muli %arg1, %mul3A_54 : i32
    %lt3A_56 = arith.constant 15 : i32
    %lt3A_57 = arith.cmpi slt, %arg1, %lt3A_56 : i32
    %convert_element_type3A_58 = arith.extui %lt3A_57 : i1 to i32
    %cond3A_59 = arith.constant 0 : i32
    %cond3A_60 = arith.cmpi ne, %convert_element_type3A_58, %cond3A_59 : i32
    scf.if %cond3A_60 {
      %mul3A_66 = arith.constant 10000 : i32
      %mul3A_67 = arith.muli %arg0, %mul3A_66 : i32
      %add3A_68 = arith.addi %mul3A_67, %mul3A_55 : i32
      "tpu.region"() ({
        %run_scoped3A = tpu.sem_alloc : memref<!tpu.dma_semaphore, #tpu.memory_space<semaphore_mem>>
        %dma_start3A_69 = arith.constant 0 : i32
        %dma_start3A_70 = tpu.memref_slice %arg5[%add3A_68, %dma_start3A_69] : memref<20000x128xf32, #tpu.memory_space<hbm>> -> memref<632x128xf32, #tpu.memory_space<hbm>>
        %dma_start3A_71 = arith.constant 0 : i32
        %dma_start3A_72 = tpu.memref_slice %arg12[%mul3A_55, %dma_start3A_71] : memref<10016x128xf32, #tpu.memory_space<vmem_shared>> -> memref<632x128xf32, #tpu.memory_space<vmem_shared>>
        tpu.enqueue_dma source(%dma_start3A_72 : memref<632x128xf32, #tpu.memory_space<vmem_shared>>) target(%dma_start3A_70 : memref<632x128xf32, #tpu.memory_space<hbm>>) target_semaphore(%run_scoped3A : memref<!tpu.dma_semaphore, #tpu.memory_space<semaphore_mem>>)
        %dma_wait3A_73 = arith.constant 0 : i32
        %dma_wait3A_74 = tpu.memref_slice %arg5[%add3A_68, %dma_wait3A_73] : memref<20000x128xf32, #tpu.memory_space<hbm>> -> memref<632x128xf32, #tpu.memory_space<hbm>>
        %dma_wait3A_75 = arith.constant 0 : i32
        %dma_wait3A_76 = tpu.memref_slice %arg12[%mul3A_55, %dma_wait3A_75] : memref<10016x128xf32, #tpu.memory_space<vmem_shared>> -> memref<632x128xf32, #tpu.memory_space<vmem_shared>>
        tpu.wait_dma2 semaphore(%run_scoped3A : memref<!tpu.dma_semaphore, #tpu.memory_space<semaphore_mem>>) src(%dma_wait3A_76 : memref<632x128xf32, #tpu.memory_space<vmem_shared>>) dst(%dma_wait3A_74 : memref<632x128xf32, #tpu.memory_space<hbm>>)
        tpu.yield
      }) : () -> ()
    } else {
    }
    %eq3A_61 = arith.constant 15 : i32
    %eq3A_62 = arith.cmpi eq, %arg1, %eq3A_61 : i32
    %convert_element_type3A_63 = arith.extui %eq3A_62 : i1 to i32
    %cond3A_64 = arith.constant 0 : i32
    %cond3A_65 = arith.cmpi ne, %convert_element_type3A_63, %cond3A_64 : i32
    scf.if %cond3A_65 {
      %mul3A_66 = arith.constant 10000 : i32
      %mul3A_67 = arith.muli %arg0, %mul3A_66 : i32
      %add3A_68 = arith.addi %mul3A_67, %mul3A_55 : i32
      "tpu.region"() ({
        %run_scoped3A = tpu.sem_alloc : memref<!tpu.dma_semaphore, #tpu.memory_space<semaphore_mem>>
        %dma_start3A_69 = arith.constant 0 : i32
        %dma_start3A_70 = tpu.memref_slice %arg5[%add3A_68, %dma_start3A_69] : memref<20000x128xf32, #tpu.memory_space<hbm>> -> memref<520x128xf32, #tpu.memory_space<hbm>>
        %dma_start3A_71 = arith.constant 0 : i32
        %dma_start3A_72 = tpu.memref_slice %arg12[%mul3A_55, %dma_start3A_71] : memref<10016x128xf32, #tpu.memory_space<vmem_shared>> -> memref<520x128xf32, #tpu.memory_space<vmem_shared>>
        tpu.enqueue_dma source(%dma_start3A_72 : memref<520x128xf32, #tpu.memory_space<vmem_shared>>) target(%dma_start3A_70 : memref<520x128xf32, #tpu.memory_space<hbm>>) target_semaphore(%run_scoped3A : memref<!tpu.dma_semaphore, #tpu.memory_space<semaphore_mem>>)
        %dma_wait3A_73 = arith.constant 0 : i32
        %dma_wait3A_74 = tpu.memref_slice %arg5[%add3A_68, %dma_wait3A_73] : memref<20000x128xf32, #tpu.memory_space<hbm>> -> memref<520x128xf32, #tpu.memory_space<hbm>>
        %dma_wait3A_75 = arith.constant 0 : i32
        %dma_wait3A_76 = tpu.memref_slice %arg12[%mul3A_55, %dma_wait3A_75] : memref<10016x128xf32, #tpu.memory_space<vmem_shared>> -> memref<520x128xf32, #tpu.memory_space<vmem_shared>>
        tpu.wait_dma2 semaphore(%run_scoped3A : memref<!tpu.dma_semaphore, #tpu.memory_space<semaphore_mem>>) src(%dma_wait3A_76 : memref<520x128xf32, #tpu.memory_space<vmem_shared>>) dst(%dma_wait3A_74 : memref<520x128xf32, #tpu.memory_space<hbm>>)
        tpu.yield
      }) : () -> ()
    } else {
    }
    return
  }
}

module attributes {stable_mosaic.version = 14 : i64} {
  func.func @_xw_body(%arg0: i32, %arg1: i32, %arg2: memref<1000x128xf32, #tpu.memory_space<vmem>>, %arg3: memref<128x128xf32, #tpu.memory_space<vmem>>, %arg4: memref<1000x128xf32, #tpu.memory_space<vmem>>) attributes {dimension_semantics = [#tpu.dimension_semantics<arbitrary>, #tpu.dimension_semantics<arbitrary>], iteration_bounds = array<i64: 10, 2>, scalar_prefetch = 0 : i64, scratch_operands = 0 : i64, tpu.core_type = #tpu.core_type<tc>, window_params = [{transform_indices = @transform_0, window_bounds = array<i64: 1000, 128>}, {transform_indices = @transform_1, window_bounds = array<i64: 128, 128>}, {transform_indices = @transform_2, window_bounds = array<i64: 1000, 128>}]} {
    %get3A = arith.constant 0 : index
    %get3A_0 = arith.constant 0 : index
    %get3A_1 = vector.load %arg2[%get3A, %get3A_0] : memref<1000x128xf32, #tpu.memory_space<vmem>>, vector<1000x128xf32>
    %get3A_2 = arith.constant 0 : index
    %get3A_3 = arith.constant 0 : index
    %get3A_4 = vector.load %arg3[%get3A_2, %get3A_3] : memref<128x128xf32, #tpu.memory_space<vmem>>, vector<128x128xf32>
    %dot_general3A = arith.constant dense<0.000000e+00> : vector<1000x128xf32>
    %dot_general3A_5 = tpu.matmul %get3A_1, %get3A_4, %dot_general3A {dimension_numbers = #tpu.dot_dimension_numbers<[1], [0], [0], [1], [0, 0, 1, 1], [], []>, transpose_lhs_hint = false} : vector<1000x128xf32>, vector<128x128xf32>, vector<1000x128xf32> -> vector<1000x128xf32>
    %swap3A = arith.constant 0 : index
    %swap3A_6 = arith.constant 0 : index
    %swap3A_7 = vector.load %arg4[%swap3A, %swap3A_6] : memref<1000x128xf32, #tpu.memory_space<vmem>>, vector<1000x128xf32>
    tpu.vector_store %arg4[%swap3A, %swap3A_6], %dot_general3A_5 {strides = array<i32>} : memref<1000x128xf32, #tpu.memory_space<vmem>>, vector<1000x128xf32>,
    return
  }
  func.func @transform_0(%arg0: i32, %arg1: i32) -> (i32, i32) {
    %c0_i32 = arith.constant 0 : i32
    %c0_i32_0 = arith.constant 0 : i32
    return %arg0, %c0_i32 : i32, i32
  }
  func.func @transform_1(%arg0: i32, %arg1: i32) -> (i32, i32) {
    %c0_i32 = arith.constant 0 : i32
    %c0_i32_0 = arith.constant 0 : i32
    return %c0_i32, %arg1 : i32, i32
  }
  func.func @transform_2(%arg0: i32, %arg1: i32) -> (i32, i32) {
    %mul3A = arith.constant 10 : i32
    %mul3A_0 = arith.muli %arg1, %mul3A : i32
    %add3A = arith.addi %mul3A_0, %arg0 : i32
    %c0_i32 = arith.constant 0 : i32
    %c0_i32_1 = arith.constant 0 : i32
    return %add3A, %c0_i32 : i32, i32
  }
}

module attributes {stable_mosaic.version = 14 : i64} {
  func.func @_scale_body(%arg0: i32, %arg1: i32, %arg2: memref<1000x128xf32, #tpu.memory_space<vmem>>, %arg3: memref<1000x128xf32, #tpu.memory_space<vmem>>, %arg4: memref<1000x128xf32, #tpu.memory_space<vmem>>, %arg5: memref<1000x1xf32, #tpu.memory_space<vmem>>, %arg6: memref<1000x128xf32, #tpu.memory_space<vmem>>) attributes {dimension_semantics = [#tpu.dimension_semantics<arbitrary>, #tpu.dimension_semantics<arbitrary>], iteration_bounds = array<i64: 10, 2>, scalar_prefetch = 0 : i64, scratch_operands = 0 : i64, tpu.core_type = #tpu.core_type<tc>, window_params = [{transform_indices = @transform_0, window_bounds = array<i64: 1000, 128>}, {transform_indices = @transform_1, window_bounds = array<i64: 1000, 128>}, {transform_indices = @transform_2, window_bounds = array<i64: 1000, 128>}, {transform_indices = @transform_3, window_bounds = array<i64: 1000, 1>}, {transform_indices = @transform_4, window_bounds = array<i64: 1000, 128>}]} {
    %get3A = arith.constant 0 : index
    %get3A_0 = arith.constant 0 : index
    %get3A_1 = vector.load %arg2[%get3A, %get3A_0] : memref<1000x128xf32, #tpu.memory_space<vmem>>, vector<1000x128xf32>
    %slice3A = vector.extract_strided_slice %get3A_1 {offsets = [0, 0], sizes = [1000, 1], strides = [1, 1]} : vector<1000x128xf32> to vector<1000x1xf32>
    %add3A = arith.constant 1.000000e+00 : f32
    %add3A_2 = vector.broadcast %add3A : f32 to vector<1000x1xf32>
    %add3A_3 = arith.addf %add3A_2, %slice3A : vector<1000x1xf32>
    %get3A_4 = arith.constant 0 : index
    %get3A_5 = arith.constant 0 : index
    %get3A_6 = vector.load %arg3[%get3A_4, %get3A_5] : memref<1000x128xf32, #tpu.memory_space<vmem>>, vector<1000x128xf32>
    %slice3A_7 = vector.extract_strided_slice %get3A_6 {offsets = [0, 0], sizes = [1000, 1], strides = [1, 1]} : vector<1000x128xf32> to vector<1000x1xf32>
    %add3A_8 = arith.addf %add3A_3, %slice3A_7 : vector<1000x1xf32>
    %rsqrt3A = math.rsqrt %add3A_8 : vector<1000x1xf32>
    %swap3A = arith.constant 0 : index
    %swap3A_9 = arith.constant 0 : index
    %swap3A_10 = vector.load %arg5[%swap3A, %swap3A_9] : memref<1000x1xf32, #tpu.memory_space<vmem>>, vector<1000x1xf32>
    tpu.vector_store %arg5[%swap3A, %swap3A_9], %rsqrt3A {strides = array<i32>} : memref<1000x1xf32, #tpu.memory_space<vmem>>, vector<1000x1xf32>,
    %get3A_11 = arith.constant 0 : index
    %get3A_12 = arith.constant 0 : index
    %get3A_13 = vector.load %arg4[%get3A_11, %get3A_12] : memref<1000x128xf32, #tpu.memory_space<vmem>>, vector<1000x128xf32>
    %mul3A = vector.broadcast %rsqrt3A : vector<1000x1xf32> to vector<1000x128xf32>
    %mul3A_14 = arith.mulf %get3A_13, %mul3A : vector<1000x128xf32>
    %swap3A_15 = arith.constant 0 : index
    %swap3A_16 = arith.constant 0 : index
    %swap3A_17 = vector.load %arg6[%swap3A_15, %swap3A_16] : memref<1000x128xf32, #tpu.memory_space<vmem>>, vector<1000x128xf32>
    tpu.vector_store %arg6[%swap3A_15, %swap3A_16], %mul3A_14 {strides = array<i32>} : memref<1000x128xf32, #tpu.memory_space<vmem>>, vector<1000x128xf32>,
    return
  }
  func.func @transform_0(%arg0: i32, %arg1: i32) -> (i32, i32) {
    %c0_i32 = arith.constant 0 : i32
    %c0_i32_0 = arith.constant 0 : i32
    return %arg0, %c0_i32 : i32, i32
  }
  func.func @transform_1(%arg0: i32, %arg1: i32) -> (i32, i32) {
    %add3A = arith.constant 10 : i32
    %add3A_0 = arith.addi %arg0, %add3A : i32
    %c0_i32 = arith.constant 0 : i32
    %c0_i32_1 = arith.constant 0 : i32
    return %add3A_0, %c0_i32 : i32, i32
  }
  func.func @transform_2(%arg0: i32, %arg1: i32) -> (i32, i32) {
    %mul3A = arith.constant 10 : i32
    %mul3A_0 = arith.muli %arg1, %mul3A : i32
    %add3A = arith.addi %mul3A_0, %arg0 : i32
    %c0_i32 = arith.constant 0 : i32
    %c0_i32_1 = arith.constant 0 : i32
    return %add3A, %c0_i32 : i32, i32
  }
  func.func @transform_3(%arg0: i32, %arg1: i32) -> (i32, i32) {
    %c0_i32 = arith.constant 0 : i32
    %c0_i32_0 = arith.constant 0 : i32
    return %arg0, %c0_i32 : i32, i32
  }
  func.func @transform_4(%arg0: i32, %arg1: i32) -> (i32, i32) {
    %mul3A = arith.constant 10 : i32
    %mul3A_0 = arith.muli %arg1, %mul3A : i32
    %add3A = arith.addi %mul3A_0, %arg0 : i32
    %c0_i32 = arith.constant 0 : i32
    %c0_i32_1 = arith.constant 0 : i32
    return %add3A, %c0_i32 : i32, i32
  }
}

module attributes {stable_mosaic.version = 14 : i64} {
  func.func @_mm2_body(%arg0: i32, %arg1: memref<1000x128xf32, #tpu.memory_space<vmem>>, %arg2: memref<1000x128xf32, #tpu.memory_space<vmem>>, %arg3: memref<1000x1xf32, #tpu.memory_space<vmem>>, %arg4: memref<1x256xf32, #tpu.memory_space<vmem>>, %arg5: memref<256x128xf32, #tpu.memory_space<vmem>>, %arg6: memref<1000x128xf32, #tpu.memory_space<vmem>>) attributes {dimension_semantics = [#tpu.dimension_semantics<arbitrary>], iteration_bounds = array<i64: 10>, scalar_prefetch = 0 : i64, scratch_operands = 0 : i64, tpu.core_type = #tpu.core_type<tc>, window_params = [{transform_indices = @transform_0, window_bounds = array<i64: 1000, 128>}, {transform_indices = @transform_1, window_bounds = array<i64: 1000, 128>}, {transform_indices = @transform_2, window_bounds = array<i64: 1000, 1>}, {pipeline_mode = #tpu.pipeline_mode<synchronous>, transform_indices = @transform_3, window_bounds = array<i64: 1, 256>}, {pipeline_mode = #tpu.pipeline_mode<synchronous>, transform_indices = @transform_4, window_bounds = array<i64: 256, 128>}, {transform_indices = @transform_5, window_bounds = array<i64: 1000, 128>}]} {
    %get3A = arith.constant 0 : index
    %get3A_0 = arith.constant 0 : index
    %get3A_1 = vector.load %arg3[%get3A, %get3A_0] : memref<1000x1xf32, #tpu.memory_space<vmem>>, vector<1000x1xf32>
    %get3A_2 = arith.constant 0 : index
    %get3A_3 = arith.constant 0 : index
    %get3A_4 = vector.load %arg4[%get3A_2, %get3A_3] : memref<1x256xf32, #tpu.memory_space<vmem>>, vector<1x256xf32>
    %get3A_5 = arith.constant 0 : index
    %get3A_6 = arith.constant 0 : index
    %get3A_7 = vector.load %arg1[%get3A_5, %get3A_6] : memref<1000x128xf32, #tpu.memory_space<vmem>>, vector<1000x128xf32>
    %mul3A = vector.broadcast %get3A_1 : vector<1000x1xf32> to vector<1000x128xf32>
    %mul3A_8 = arith.mulf %get3A_7, %mul3A : vector<1000x128xf32>
    %slice3A = vector.extract_strided_slice %get3A_4 {offsets = [0, 0], sizes = [1, 128], strides = [1, 1]} : vector<1x256xf32> to vector<1x128xf32>
    %add3A = vector.broadcast %slice3A : vector<1x128xf32> to vector<1000x128xf32>
    %add3A_9 = arith.addf %mul3A_8, %add3A : vector<1000x128xf32>
    %get3A_10 = arith.constant 0 : index
    %get3A_11 = arith.constant 0 : index
    %get3A_12 = vector.load %arg2[%get3A_10, %get3A_11] : memref<1000x128xf32, #tpu.memory_space<vmem>>, vector<1000x128xf32>
    %mul3A_13 = vector.broadcast %get3A_1 : vector<1000x1xf32> to vector<1000x128xf32>
    %mul3A_14 = arith.mulf %get3A_12, %mul3A_13 : vector<1000x128xf32>
    %slice3A_15 = vector.extract_strided_slice %get3A_4 {offsets = [0, 128], sizes = [1, 128], strides = [1, 1]} : vector<1x256xf32> to vector<1x128xf32>
    %add3A_16 = vector.broadcast %slice3A_15 : vector<1x128xf32> to vector<1000x128xf32>
    %add3A_17 = arith.addf %mul3A_14, %add3A_16 : vector<1000x128xf32>
    %get3A_18 = arith.constant 0 : index
    %get3A_19 = arith.constant 0 : index
    %get3A_20 = vector.load %arg5[%get3A_18, %get3A_19] : memref<256x128xf32, #tpu.memory_space<vmem>>, vector<256x128xf32>
    %slice3A_21 = vector.extract_strided_slice %get3A_20 {offsets = [0, 0], sizes = [128, 128], strides = [1, 1]} : vector<256x128xf32> to vector<128x128xf32>
    %dot_general3A = arith.constant dense<0.000000e+00> : vector<1000x128xf32>
    %dot_general3A_22 = tpu.matmul %add3A_9, %slice3A_21, %dot_general3A {dimension_numbers = #tpu.dot_dimension_numbers<[1], [0], [0], [1], [0, 0, 1, 1], [], []>, transpose_lhs_hint = false} : vector<1000x128xf32>, vector<128x128xf32>, vector<1000x128xf32> -> vector<1000x128xf32>
    %slice3A_23 = vector.extract_strided_slice %get3A_20 {offsets = [128, 0], sizes = [128, 128], strides = [1, 1]} : vector<256x128xf32> to vector<128x128xf32>
    %dot_general3A_24 = arith.constant dense<0.000000e+00> : vector<1000x128xf32>
    %dot_general3A_25 = tpu.matmul %add3A_17, %slice3A_23, %dot_general3A_24 {dimension_numbers = #tpu.dot_dimension_numbers<[1], [0], [0], [1], [0, 0, 1, 1], [], []>, transpose_lhs_hint = false} : vector<1000x128xf32>, vector<128x128xf32>, vector<1000x128xf32> -> vector<1000x128xf32>
    %add3A_26 = arith.addf %dot_general3A_22, %dot_general3A_25 : vector<1000x128xf32>
    %mul3A_27 = vector.broadcast %get3A_1 : vector<1000x1xf32> to vector<1000x128xf32>
    %mul3A_28 = arith.mulf %add3A_26, %mul3A_27 : vector<1000x128xf32>
    %swap3A = arith.constant 0 : index
    %swap3A_29 = arith.constant 0 : index
    %swap3A_30 = vector.load %arg6[%swap3A, %swap3A_29] : memref<1000x128xf32, #tpu.memory_space<vmem>>, vector<1000x128xf32>
    tpu.vector_store %arg6[%swap3A, %swap3A_29], %mul3A_28 {strides = array<i32>} : memref<1000x128xf32, #tpu.memory_space<vmem>>, vector<1000x128xf32>,
    return
  }
  func.func @transform_0(%arg0: i32) -> (i32, i32) {
    %c0_i32 = arith.constant 0 : i32
    %c0_i32_0 = arith.constant 0 : i32
    return %arg0, %c0_i32 : i32, i32
  }
  func.func @transform_1(%arg0: i32) -> (i32, i32) {
    %add3A = arith.constant 10 : i32
    %add3A_0 = arith.addi %arg0, %add3A : i32
    %c0_i32 = arith.constant 0 : i32
    %c0_i32_1 = arith.constant 0 : i32
    return %add3A_0, %c0_i32 : i32, i32
  }
  func.func @transform_2(%arg0: i32) -> (i32, i32) {
    %c0_i32 = arith.constant 0 : i32
    %c0_i32_0 = arith.constant 0 : i32
    return %arg0, %c0_i32 : i32, i32
  }
  func.func @transform_3(%arg0: i32) -> (i32, i32) {
    %c0_i32 = arith.constant 0 : i32
    %c0_i32_0 = arith.constant 0 : i32
    %c0_i32_1 = arith.constant 0 : i32
    return %c0_i32, %c0_i32_0 : i32, i32
  }
  func.func @transform_4(%arg0: i32) -> (i32, i32) {
    %c0_i32 = arith.constant 0 : i32
    %c0_i32_0 = arith.constant 0 : i32
    %c0_i32_1 = arith.constant 0 : i32
    return %c0_i32, %c0_i32_0 : i32, i32
  }
  func.func @transform_5(%arg0: i32) -> (i32, i32) {
    %c0_i32 = arith.constant 0 : i32
    %c0_i32_0 = arith.constant 0 : i32
    return %arg0, %c0_i32 : i32, i32
  }
}

module attributes {stable_mosaic.version = 14 : i64} {
  func.func @_bn_body(%arg0: memref<20000x128xf32, #tpu.memory_space<vmem>>, %arg1: memref<10000x1xf32, #tpu.memory_space<vmem>>, %arg2: memref<1x128xf32, #tpu.memory_space<vmem>>, %arg3: memref<1x128xf32, #tpu.memory_space<vmem>>, %arg4: memref<1x128xf32, #tpu.memory_space<vmem>>, %arg5: memref<10000x128xf32, #tpu.memory_space<vmem>>) attributes {dimension_semantics = [], scalar_prefetch = 0 : i64, scratch_operands = 0 : i64, tpu.core_type = #tpu.core_type<tc>} {
    %get3A = arith.constant 0 : index
    %get3A_0 = arith.constant 0 : index
    %get3A_1 = vector.load %arg0[%get3A, %get3A_0] : memref<20000x128xf32, #tpu.memory_space<vmem>>, vector<20000x128xf32>
    %slice3A = vector.extract_strided_slice %get3A_1 {offsets = [0, 0], sizes = [10000, 128], strides = [1, 1]} : vector<20000x128xf32> to vector<10000x128xf32>
    %slice3A_2 = vector.extract_strided_slice %get3A_1 {offsets = [10000, 0], sizes = [10000, 128], strides = [1, 1]} : vector<20000x128xf32> to vector<10000x128xf32>
    %add3A = arith.addf %slice3A, %slice3A_2 : vector<10000x128xf32>
    %get3A_3 = arith.constant 0 : index
    %get3A_4 = arith.constant 0 : index
    %get3A_5 = vector.load %arg1[%get3A_3, %get3A_4] : memref<10000x1xf32, #tpu.memory_space<vmem>>, vector<10000x1xf32>
    %mul3A = vector.broadcast %get3A_5 : vector<10000x1xf32> to vector<10000x128xf32>
    %mul3A_6 = arith.mulf %add3A, %mul3A : vector<10000x128xf32>
    %get3A_7 = arith.constant 0 : index
    %get3A_8 = arith.constant 0 : index
    %get3A_9 = vector.load %arg2[%get3A_7, %get3A_8] : memref<1x128xf32, #tpu.memory_space<vmem>>, vector<1x128xf32>
    %add3A_10 = vector.broadcast %get3A_9 : vector<1x128xf32> to vector<10000x128xf32>
    %add3A_11 = arith.addf %mul3A_6, %add3A_10 : vector<10000x128xf32>
    %reduce_sum3A = arith.constant dense<0.000000e+00> : vector<128xf32>
    %reduce_sum3A_12 = vector.multi_reduction <add>, %add3A_11, %reduce_sum3A [0] : vector<10000x128xf32> to vector<128xf32>
    %broadcast_in_dim3A = vector.shape_cast %reduce_sum3A_12 : vector<128xf32> to vector<1x128xf32>
    %div3A = arith.constant 1.000000e+04 : f32
    %div3A_13 = vector.broadcast %div3A : f32 to vector<1x128xf32>
    %div3A_14 = arith.divf %broadcast_in_dim3A, %div3A_13 : vector<1x128xf32>
    %sub3A = vector.broadcast %div3A_14 : vector<1x128xf32> to vector<10000x128xf32>
    %sub3A_15 = arith.subf %add3A_11, %sub3A : vector<10000x128xf32>
    %mul3A_16 = arith.mulf %sub3A_15, %sub3A_15 : vector<10000x128xf32>
    %reduce_sum3A_17 = arith.constant dense<0.000000e+00> : vector<128xf32>
    %reduce_sum3A_18 = vector.multi_reduction <add>, %mul3A_16, %reduce_sum3A_17 [0] : vector<10000x128xf32> to vector<128xf32>
    %broadcast_in_dim3A_19 = vector.shape_cast %reduce_sum3A_18 : vector<128xf32> to vector<1x128xf32>
    %div3A_20 = arith.constant 1.000000e+04 : f32
    %div3A_21 = vector.broadcast %div3A_20 : f32 to vector<1x128xf32>
    %div3A_22 = arith.divf %broadcast_in_dim3A_19, %div3A_21 : vector<1x128xf32>
    %add3A_23 = arith.constant 9.99999974E-6 : f32
    %add3A_24 = vector.broadcast %add3A_23 : f32 to vector<1x128xf32>
    %add3A_25 = arith.addf %div3A_22, %add3A_24 : vector<1x128xf32>
    %rsqrt3A = math.rsqrt %add3A_25 : vector<1x128xf32>
    %mul3A_26 = vector.broadcast %rsqrt3A : vector<1x128xf32> to vector<10000x128xf32>
    %mul3A_27 = arith.mulf %sub3A_15, %mul3A_26 : vector<10000x128xf32>
    %get3A_28 = arith.constant 0 : index
    %get3A_29 = arith.constant 0 : index
    %get3A_30 = vector.load %arg3[%get3A_28, %get3A_29] : memref<1x128xf32, #tpu.memory_space<vmem>>, vector<1x128xf32>
    %mul3A_31 = vector.broadcast %get3A_30 : vector<1x128xf32> to vector<10000x128xf32>
    %mul3A_32 = arith.mulf %mul3A_27, %mul3A_31 : vector<10000x128xf32>
    %get3A_33 = arith.constant 0 : index
    %get3A_34 = arith.constant 0 : index
    %get3A_35 = vector.load %arg4[%get3A_33, %get3A_34] : memref<1x128xf32, #tpu.memory_space<vmem>>, vector<1x128xf32>
    %add3A_36 = vector.broadcast %get3A_35 : vector<1x128xf32> to vector<10000x128xf32>
    %add3A_37 = arith.addf %mul3A_32, %add3A_36 : vector<10000x128xf32>
    %swap3A = arith.constant 0 : index
    %swap3A_38 = arith.constant 0 : index
    %swap3A_39 = vector.load %arg5[%swap3A, %swap3A_38] : memref<10000x128xf32, #tpu.memory_space<vmem>>, vector<10000x128xf32>
    tpu.vector_store %arg5[%swap3A, %swap3A_38], %add3A_37 {strides = array<i32>} : memref<10000x128xf32, #tpu.memory_space<vmem>>, vector<10000x128xf32>,
    return
  }
}

</mosaic_0001>

<sc_bundles>
// kernel: kernel.12.cloned.1.call-start
scs
__scs_entry_jumppad:
0x0: {  	(pc) =	sbr.rel $0x88, $3  }
0x1: {  	(tag) =	ssettag $0x0;
	lr =	simm.s32 $0x1  }
0x2: {  	[smem:$0x3F99] =	sst lr;
	_ =	strace $0xD0000000  }
0x3: {  	_ = 	snop  }
0x4: {  	_ = 	snop  }
0x5: {  	_ = 	snop  }
0x6: {  	_ = 	snop  }
0x7: {  	_ = 	snop  }
__scs_overlays_trampoline_lowered:
0x8: {  	[smem:$0x3FA8] =	sst s0  }
0x9: {  	[smem:$0x3FA9] =	sst s1  }
0xa: {  	[smem:$0x3FAA] =	sst s2  }
0xb: {  	[smem:$0x3FAB] =	sst s3  }
0xc: {  	[smem:$0x3FAC] =	sst s4  }
0xd: {  	[smem:$0x3FAD] =	sst s5  }
0xe: {  	[smem:$0x3FAE] =	sst s6  }
0xf: {  	[smem:$0x3FAF] =	sst s7  }
0x10: {  	[smem:$0x3FB0] =	sst s8  }
0x11: {  	[smem:$0x3FB1] =	sst s9;
	s0 =	simm.s32 @!p0 $0x0  }
0x12: {  	s1 =	sld [smem:$0x3F97];
	s0 =	simm.s32 @p0 $0x1  }
0x13: {  	[smem:$0x3FB2] =	sst s0;
	s0 =	simm.s32 @!p1 $0x0  }
0x14: {  	s2 =	sld [smem:$0x3F96];
	s0 =	simm.s32 @p1 $0x1  }
0x15: {  	[smem:$0x3FB3] =	sst s0;
	s0 =	simm.s32 @!p2 $0x0  }
0x16: {  	s3 =	sld [smem:$0x3FDB];
	s0 =	simm.s32 @p2 $0x1  }
0x17: {  	s4 =	simm.s32 $0x1BF5;
	[smem:$0x3FB5] =	sst s0  }
0x18: {  	s0 =	sld [smem:$0x3F98];
	_ =	swait.ge [sflag:s4], $0x0  }
0x19: {  	s7 =	sld [smem:$0x3F99]  }
0x1a: {  	s8 =	sadd.s32 $0xFFFFE003, lr  }
0x1b: {  	s9 =	sadd.s32 $0xFFFFFEF7, lr;
	s5 =	simm.s32 $0xFFFFFFFF;
	p2 =	slt.u32 s8, $0xFFFFF086  }
0x1c: {  	p1 =	slt.u32 s9, $0xF7A;
	s5 =	simm.s32 @!p2 $0x0  }
0x1d: {  	s5 =	simm.s32 @p1 $0x1;
	p0 =	seq.s32 s7, s2  }
0x1e: {  	s7 =	smul.u32 @!p0 $0xF7A, s2;
	p2 =	seq.s32 @!p0 s5, $0x0  }
0x1f: {  	s9 =	smul.u32 $0xF7A, s1;
	s8 =	simm.s32 @!p0 $0x1BF5;
	p2 =	por !p2, p0  }
0x20: {  	[sflag:s8] =	ssyncset.s32 @!p0 $0xFFFFF086;
	s6 =	sadd.s32 @!p0 s3, s7;
	s7 =	simm.s32 @!p0 $0x108  }
0x21: {  	s3 =	sadd.s32 s3, s9;
	s6 =	sadd.s32 @!p0 $0x88, s6;
	s7 =	simm.s32 @p2 $0x1082  }
0x22: {  	[simem:s7], [sflag:s8] =	dma.local @!p0 [hbm:s6], $0xF7A  }
0x23: {  	s9 =	sor.u32 $0xD0000000, s2;
	s6 =	simm.s32 $0x108;
	_ =	swait.ge @!p0 [sflag:s8], $0x0  }
0x24: {  	s3 =	sadd.s32 $0x88, s3;
	s6 =	simm.s32 @!p1 $0x1082;
	[sflag:s4] =	ssyncset.s32 $0xFFFFF086  }
0x25: {  	[simem:s6], [sflag:s4] =	dma.local [hbm:s3], $0xF7A  }
0x26: {  	[smem:$0x3F99] =	sst s1;
	(tag) =	ssettag s2;
	_ =	strace s9  }
0x27: {  	s1 =	sld [smem:$0x3FA9]  }
0x28: {  	s2 =	sld [smem:$0x3FAA]  }
0x29: {  	s4 =	sld [smem:$0x3FAC]  }
0x2a: {  	p0 =	seq.s32 s5, $0x0;
	s5 =	sld [smem:$0x3FAD]  }
0x2b: {  	s6 =	sld [smem:$0x3FAE]  }
0x2c: {  	s7 =	sld [smem:$0x3FAF]  }
0x2d: {  	s3 =	simm.s32 $0x108;
	s8 =	sld [smem:$0x3FB0]  }
0x2e: {  	s3 =	simm.s32 @!p0 $0x1082;
	s9 =	sld [smem:$0x3FB1]  }
0x2f: {  	lr =	sadd.s32 s0, s3;
	s0 =	sld [smem:$0x3FA8]  }
0x30: {  	s3 =	sld [smem:$0x3FAB]  }
0x31: {  	[smem:$0x3FB4] =	sst s10  }
0x32: {  	s10 =	sld [smem:$0x3FB2];
	_ =	sdelay $0x3  }
0x33: {  	p0 =	seq.s32 s10, $0x1;
	s10 =	sld [smem:$0x3FB4];
	_ =	sdelay $0x3  }
0x34: {  	[smem:$0x3FB4] =	sst s10  }
0x35: {  	s10 =	sld [smem:$0x3FB3];
	_ =	sdelay $0x3  }
0x36: {  	p1 =	seq.s32 s10, $0x1;
	s10 =	sld [smem:$0x3FB4];
	_ =	sdelay $0x3  }
0x37: {  	[smem:$0x3FB4] =	sst s10  }
0x38: {  	s10 =	sld [smem:$0x3FB5]  }
0x39: {  	_ = 	snop;
	(pc) =	sbr.ind lr, $3  }
0x3a: {  	_ = 	snop  }
0x3b: {  	_ = 	snop  }
0x3c: {  	p2 =	seq.s32 s10, $0x1;
	s10 =	sld [smem:$0x3FB4]  }
0x3d: {  	_ =	shalt  }
0x3e: {  	_ =	shalt  }
0x3f: {  	_ =	shalt  }
0x40: {  	_ =	shalt  }
0x41: {  	_ =	shalt  }
0x42: {  	_ =	shalt  }
0x43: {  	_ =	shalt  }
0x44: {  	_ =	shalt  }
0x45: {  	_ =	shalt  }
0x46: {  	_ =	shalt  }
0x47: {  	_ =	shalt  }
0x48: {  	_ =	shalt  }
0x49: {  	_ =	shalt  }
0x4a: {  	_ =	shalt  }
0x4b: {  	_ =	shalt  }
0x4c: {  	_ =	shalt  }
0x4d: {  	_ =	shalt  }
0x4e: {  	_ =	shalt  }
0x4f: {  	_ =	shalt  }
0x50: {  	_ =	shalt  }
0x51: {  	_ =	shalt  }
0x52: {  	_ =	shalt  }
0x53: {  	_ =	shalt  }
0x54: {  	_ =	shalt  }
0x55: {  	_ =	shalt  }
0x56: {  	_ =	shalt  }
0x57: {  	_ =	shalt  }
0x58: {  	_ =	shalt  }
0x59: {  	_ =	shalt  }
0x5a: {  	_ =	shalt  }
0x5b: {  	_ =	shalt  }
0x5c: {  	_ =	shalt  }
0x5d: {  	_ =	shalt  }
0x5e: {  	_ =	shalt  }
0x5f: {  	_ =	shalt  }
0x60: {  	_ =	shalt  }
0x61: {  	_ =	shalt  }
0x62: {  	_ =	shalt  }
0x63: {  	_ =	shalt  }
0x64: {  	_ =	shalt  }
0x65: {  	_ =	shalt  }
0x66: {  	_ =	shalt  }
0x67: {  	_ =	shalt  }
0x68: {  	_ =	shalt  }
0x69: {  	_ =	shalt  }
0x6a: {  	_ =	shalt  }
0x6b: {  	_ =	shalt  }
0x6c: {  	_ =	shalt  }
0x6d: {  	_ =	shalt  }
0x6e: {  	_ =	shalt  }
0x6f: {  	_ =	shalt  }
0x70: {  	_ =	shalt  }
0x71: {  	_ =	shalt  }
0x72: {  	_ =	shalt  }
0x73: {  	_ =	shalt  }
0x74: {  	_ =	shalt  }
0x75: {  	_ =	shalt  }
0x76: {  	_ =	shalt  }
0x77: {  	_ =	shalt  }
0x78: {  	_ =	shalt  }
0x79: {  	_ =	shalt  }
0x7a: {  	_ =	shalt  }
0x7b: {  	_ =	shalt  }
0x7c: {  	_ =	shalt  }
0x7d: {  	_ =	shalt  }
0x7e: {  	_ =	shalt  }
0x7f: {  	_ =	shalt  }
0x80: {  	_ =	shalt  }
0x81: {  	_ =	shalt  }
0x82: {  	_ =	shalt  }
0x83: {  	_ =	shalt  }
0x84: {  	_ =	shalt  }
0x85: {  	_ =	shalt  }
0x86: {  	_ =	shalt  }
0x87: {  	_ =	shalt  }
.Lfunc_end0:
.L_simem_size_0:
called_computation.1_lowered:
.L_overlay_start_0:
0x88: {  	s2 =	sld [smem:$0x3FD9]  }
0x89: {  	s3 =	sld [smem:$0x3FFE];
	_ =	sdelay $0x1  }
0x8a: {  	s1 =	srdreg.scid  }
0x8b: {  	s0 =	sand.u32 $0x1, s1  }
0x8c: {  	s17 =	sshll.u32 s0, $0xA;
	s2 =	sadd.s32 s3, s2  }
0x8d: {  	s2 =	sadd.s32 s2, s17  }
0x8e: {  	[smem:$0x3FC0] =	sst s2  }
0x8f: {  	_ = 	snop  }
0x90: {  	s2 =	sld [smem:$0x3FD0];
	(tm) =	ssettm $0x1  }
0x91: {  	s18 =	sld [smem:$0x3FFB];
	_ =	sdelay $0x3  }
0x92: {  	_ =	strace s18  }
0x93: {  	s3 =	sld [smem:$0x3FFC];
	_ =	sdelay $0x3  }
0x94: {  	_ =	strace s3  }
0x95: {  	s3 =	sld [smem:$0x3FFD];
	_ =	sdelay $0x3  }
0x96: {  	_ =	strace s3  }
0x97: {  	_ =	strace $0x8FFFFFFF  }
0x98: {  	s19 =	sld [smem:$0x3FDB];
	_ =	sdelay $0x1  }
0x99: {  	s4 =	simm.s32 $_scs_section_size  }
0x9a: {  	s5 =	simm.s32 $_size__tile_overlayer_lowered;
	s6 =	simm.s32 $_tile_overlayer_lowered  }
0x9b: {  	s22 =	simm.s32 $0x1BFF;
	s21 =	sshll.u32 s6, $0x1;
	s3 =	sadd.s32 s4, s19  }
0x9c: {  	s7 =	simm.s32 $0x0;
	s20 =	sshll.u32 s5, $0x1;
	s5 =	sadd.s32 s21, s3  }
0x9d: {  	[timem:s7], [sflag:s22] =	dma.local [hbm:s5], s20  }
0x9e: {  	_ =	swait.ge [sflag:s22], s20  }
0x9f: {  	s4 =	ssub.s32 $0x0, s20;
	[sflag:s22] =	ssyncset.done $0x0  }
0xa0: {  	[sflag:s22] =	ssyncadd.s32 s4;
	_ =	sdelay $0x1  }
0xa1: {  	s23 =	simm.s32 $0x1B8B  }
0xa2: {  	_ =	swait.ge [sflag:s23], $0x1  }
0xa3: {  	[sflag:s23] =	ssyncset.done $0x0  }
0xa4: {  	s25 =	simm.s32 $0x1B8E;
	s24 =	sld [smem:$0x3FFE];
	[sflag:s23] =	ssyncadd.s32 $0xFFFFFFFF  }
0xa5: {  	s26 =	simm.s32 $execute0_lowered;
	[smem:$0x3FD2] =	sst s25  }
0xa6: {  	s5 =	sshll.u32 s26, $0x1;
	_ =	strace $0x80000049;
	[dreg:$0x1] =	wrdreg $0xFFFFFFFF  }
0xa7: {  	s28 =	simm.s32 $_size_execute0_lowered;
	s3 =	sadd.s32 s3, s5;
	[dreg:$0x0] =	wrdreg $0x0  }
0xa8: {  	s5 =	sshll.u32 s28, $0x1;
	[dreg:$0x2] =	wrdreg s3  }
0xa9: {  	[dreg:$0x3] =	wrdreg s5  }
0xaa: {  	[dreg:$0x4] =	wrdreg $0xC0  }
0xab: {  	_ =	task [dreg:s7], $0x5FFFF  }
0xac: {  	[dreg:$0x1] =	wrdreg $0xFFFFFFFF  }
0xad: {  	[dreg:$0x0] =	wrdreg $0x60  }
0xae: {  	[dreg:$0x2] =	wrdreg s24  }
0xaf: {  	[dreg:$0x3] =	wrdreg s2  }
0xb0: {  	[dreg:$0x4] =	wrdreg $0x82000  }
0xb1: {  	[dreg:$0x5] =	wrdreg $0x9  }
0xb2: {  	_ =	task.clear_ibuf [dreg:s7], $0x6FFFF;
	_ =	strace $0x90000049  }
0xb3: {  	s29 =	simm.s32 $0x9;
	_ =	strace $0x8000004B  }
0xb4: {  	_ =	swait.ge [sflag:s29], $0x1  }
0xb5: {  	[sflag:s29] =	ssyncadd.s32 $0xFFFFFFFF  }
0xb6: {  	_ =	strace $0x9000004B  }
0xb7: {  	_ =	sfence  }
0xb8: {  	s30 =	sld [smem:$0x0];
	_ =	sdelay $0x2  }
0xb9: {  	s31 =	sshll.u32 s1, $0xD;
	s1 =	sshrl.u32 s1, $0x2  }
0xba: {  	s3 =	sand.u32 $0x4000, s31;
	s1 =	sadd.s32 s1, s30  }
0xbb: {  	s0 =	sor.u32 s3, s0;
	s1 =	sshll.u32 s1, $0x11  }
0xbc: {  	s0 =	sor.u32 s1, s0  }
0xbd: {  	s0 =	sadd.s32 $0x8F2B, s0  }
0xbe: {  	[sflag:s0] =	ssyncadd.remote.s32 $0x1  }
0xbf: {  	_ =	sfence.sel $0xFFFF  }
0xc0: {  	[dreg:$0x0] =	wrdreg $0xFFFFFFFF;
	(pc) =	sbr.abs _section_cstart, $3  }
0xc1: {  	[dreg:$0x1] =	wrdreg $0xFFFFFFFF  }
0xc2: {  	_ =	task.clear_ibuf [dreg:s7], $0x2FFFF;
	_ =	strace $0x9FFFFFFF  }
0xc3: {  	(tm) =	ssettm $0x7FFFFFFF  }
tec
execute0_lowered:
.L_overlay_start_1:
0x0: {  	(tag) =	ssettag $0x1  }
0x1: {  	s0 =	rddreg [dreg:$0x0]  }
0x2: {  	s1 =	rddreg [dreg:$0x1]  }
0x3: {  	s2 =	rddreg [dreg:$0x2];
	s4 =	simm.s32 $0x0;
	s3 =	srdreg.scid  }
0x4: {  	s12 =	stileid.u32;
	s28 =	simm.s32 $0x5;
	s29 =	simm.s32 $0x6  }
0x5: {  	s31 =	simm.s32 $0x4200;
	[smem:$0x7FF] =	sst s4;
	s7 =	smul.u32 $0x278, s12  }
0x6: {  	s5 =	sadd.s32 $0xC400, s0;
	s3 =	sand.u32 $0x1, s3;
	s9 =	smul.u32 $0x4F000, s12  }
0x7: {  	s6 =	sadd.s32 $0xA9800, s0;
	s0 =	sadd.s32 $0x5A600, s0;
	s20 =	smul.u32 $0x4F00, s12  }
0x8: {  	s13 =	sadd.s32 $0x128400, s2;
	p0 =	seq.s32 s12, $0xF;
	s11 =	smul.u32 $0x2710, s3  }
0x9: {  	s30 =	simm.s32 $0x1;
	_ =	strace $0x8000004A;
	s16 =	smul.u32 $0x138800, s3  }
0xa: {  	s8 =	ssub.s32 $0x2, s3;
	s15 =	sshll.u32 s3, $0x4;
	s3 =	smul.u32 $0x4F000, s3  }
0xb: {  	[dreg:$0x6] =	wrdreg s13;
	s10 =	sshrl.u32 s8, $0x1;
	s9 =	sshrl.u32 s9, $0x2  }
0xc: {  	s8 =	ssub.s32 s8, s10;
	s7 =	sadd.s32 s7, s11;
	s10 =	sor.u32 s12, s15  }
0xd: {  	s9 =	sadd.s32 s9, s2;
	s19 =	sshrl.u32 s16, $0x3;
	s3 =	sadd.s32 s20, s3  }
0xe: {  	[dreg:$0x4] =	wrdreg s9;
	s7 =	sshll.u32 s7, $0x4;
	s17 =	smul.u32 $0x4F00, s10  }
0xf: {  	s10 =	sadd.s32 $0x25080, s19;
	s25 =	sadd.s32 $0x180, s3;
	s20 =	sadd.s32 $0x100, s3  }
0x10: {  	s3 =	simm.s32 $0x2;
	s18 =	sadd.s32 s5, s7;
	s21 =	sadd.s32 s5, s10  }
0x11: {  	s7 =	sadd.s32 s0, s7;
	s16 =	sadd.s32 s0, s10;
	[dreg:$0x5] =	wrdreg s18  }
0x12: {  	s26 =	sshrl.u32 s25, $0x3;
	s25 =	simm.s32 $0x100;
	[dreg:$0x7] =	wrdreg s21  }
0x13: {  	s0 =	simm.s32 $0x7;
	s9 =	sshrl.u32 s17, $0x3;
	[dreg:$0xc] =	wrdreg s7  }
0x14: {  	s17 =	smax.u32 s8, $0x1;
	s18 =	sadd.s32 s26, s6;
	s19 =	sadd.s32 s26, s1  }
0x15: {  	s21 =	simm.s32 $0x80;
	s26 =	simm.s32 $0x180;
	s22 =	sadd.s32 s1, s9  }
0x16: {  	s23 =	sadd.s32 s6, s9;
	s9 =	sor.u32 $0x10, s9;
	[dreg:$0x8] =	wrdreg s22  }
0x17: {  	s7 =	simm.s32 $0x0;
	[dreg:$0x9] =	wrdreg s23;
	s24 =	sadd.s32 s1, s9  }
0x18: {  	s9 =	sadd.s32 s6, s9;
	s22 =	simm.s32 $0x3;
	[dreg:$0xa] =	wrdreg s24  }
0x19: {  	s23 =	simm.s32 $0x4;
	[dreg:$0xb] =	wrdreg s9;
	s24 =	simm.s32 $0x200  }
.LBB2_1:
0x1a: {  	s8 =	rddreg [dreg:$0x6]  }
0x1b: {  	s9 =	simm.s32 @p0 $0x1FC7;
	s10 =	rddreg [dreg:$0x7];
	s8 =	sshrl.u32 @p0 s8, $0x3  }
0x1c: {  	[spmem:s8], [sflag:s9] =	dma.local @p0 [hbm:s10], $0x2080  }
0x1d: {  	s9 =	simm.s32 @p0 $0x7  }
0x1e: {  	s10 =	stileid.u32;
	_ =	swait.ge @p0 [sflag:s9], $0x2080  }
0x1f: {  	s10 =	sshll.u32 @!p0 s10, $0x6;
	[sflag:s9] =	ssyncset.done @p0 $0x0  }
0x20: {  	[sflag:s9] =	ssyncadd.s32 @p0 $0xFFFFDF80;
	s9 =	sor.u32 @!p0 $0x1C07, s10;
	s10 =	rddreg [dreg:$0x4]  }
0x21: {  	s11 =	rddreg [dreg:$0x5];
	s10 =	sshrl.u32 @!p0 s10, $0x3  }
0x22: {  	[spmem:s10], [sflag:s9] =	dma.local @!p0 [hbm:s11], $0x2780  }
0x23: {  	s11 =	simm.s32 @!p0 $0x7  }
0x24: {  	_ =	swait.ge @!p0 [sflag:s11], $0x2780  }
0x25: {  	[sflag:s11] =	ssyncset.done @!p0 $0x0  }
0x26: {  	[sflag:s11] =	ssyncadd.s32 @!p0 $0xFFFFD880  }
0x27: {  	[bflag:$0x0] =	sbarrier.arrive $0xFFFF  }
0x28: {  	s14 =	rddreg [dreg:$0x8]  }
0x29: {  	[tilespmem:s4], [sflag:$0x3] =	stream.linear.gather [hbm4b:s14+s4], $0x80, $0x38;
	[tilespmem:$0x1BB00] =	vst v63  }
0x2a: {  	s15 =	rddreg [dreg:$0x9]  }
0x2b: {  	[tilespmem:s21], [sflag:$0x4] =	stream.linear.gather [hbm4b:s15+s4], $0x80, $0x38;
	[tilespmem:$0x1BB00] =	vst v63  }
0x2c: {  	_ =	swait.ge [sflag:s22], $0x80  }
0x2d: {  	[sflag:s22] =	ssyncset.done $0x0  }
0x2e: {  	[sflag:s22] =	ssyncadd.s32 $0xFFFFFF80  }
0x2f: {  	_ =	swait.ge [sflag:s23], $0x80  }
0x30: {  	[sflag:s23] =	ssyncset.done $0x0  }
0x31: {  	[sflag:s23] =	ssyncadd.s32 $0xFFFFFF80  }
0x32: {  	[tilespmem:s24], [sflag:$0x1] =	stream.indirect.gather [hbm4b:s5+s21], $0x80, s4, s21, $0xb8;
	[tilespmem:$0x1BB00] =	vst v63  }
0x33: {  	s12 =	rddreg [dreg:$0xa]  }
0x34: {  	[tilespmem:s25], [sflag:$0x5] =	stream.linear.gather [hbm4b:s12+s4], $0x80, $0x38;
	[tilespmem:$0x1BB00] =	vst v63  }
0x35: {  	s13 =	rddreg [dreg:$0xb]  }
0x36: {  	[tilespmem:s26], [sflag:$0x6] =	stream.linear.gather [hbm4b:s13+s4], $0x80, $0x38;
	[tilespmem:$0x1BB00] =	vst v63  }
0x37: {  	_ =	swait.ge [sflag:s28], $0x80  }
0x38: {  	[sflag:s28] =	ssyncset.done $0x0  }
0x39: {  	[sflag:s28] =	ssyncadd.s32 $0xFFFFFF80  }
0x3a: {  	_ =	swait.ge [sflag:s29], $0x80  }
0x3b: {  	[sflag:s29] =	ssyncset.done $0x0  }
0x3c: {  	[sflag:s29] =	ssyncadd.s32 $0xFFFFFF80  }
0x3d: {  	_ =	swait.ge [sflag:s30], $0x4000  }
0x3e: {  	[sflag:s30] =	ssyncset.done $0x0  }
0x3f: {  	[sflag:s30] =	ssyncadd.s32 $0xFFFFC000  }
0x40: {  	[tilespmem:s31], [sflag:$0x2] =	stream.indirect.gather [hbm4b:s5+s21], $0x80, s25, s21, $0xb8;
	[tilespmem:$0x1BB00] =	vst v63  }
0x41: {  	_ = 	snop  }
0x42: {  	[spmem:s2] =	stream.indirect.scatter.add.f32 [tilespmem:s24], [sflag:$0x7], $0x80, s21, s21, $0xb8;
	[tilespmem:$0x1BB00] =	vst v63  }
0x43: {  	_ =	swait.ge [sflag:s0], $0x4000  }
0x44: {  	s14 =	sshrl.u32 s20, $0x3;
	[sflag:s0] =	ssyncset.done $0x0  }
0x45: {  	s12 =	sadd.s32 s1, s14;
	[sflag:s0] =	ssyncadd.s32 $0xFFFFC000  }
0x46: {  	[tilespmem:s4], [sflag:$0x3] =	stream.linear.gather [hbm4b:s12+s4], $0x80, $0x38;
	[tilespmem:$0x1BB00] =	vst v63  }
0x47: {  	s11 =	sadd.s32 s6, s14  }
0x48: {  	[tilespmem:s21], [sflag:$0x4] =	stream.linear.gather [hbm4b:s11+s4], $0x80, $0x38;
	[tilespmem:$0x1BB00] =	vst v63  }
0x49: {  	_ =	swait.ge [sflag:s3], $0x4000  }
0x4a: {  	[sflag:s3] =	ssyncset.done $0x0  }
0x4b: {  	[sflag:s3] =	ssyncadd.s32 $0xFFFFC000  }
0x4c: {  	_ =	swait.ge [sflag:s22], $0x80  }
0x4d: {  	[sflag:s22] =	ssyncset.done $0x0  }
0x4e: {  	[sflag:s22] =	ssyncadd.s32 $0xFFFFFF80  }
0x4f: {  	_ =	swait.ge [sflag:s23], $0x80  }
0x50: {  	[sflag:s23] =	ssyncset.done $0x0  }
0x51: {  	[sflag:s23] =	ssyncadd.s32 $0xFFFFFF80  }
0x52: {  	[tilespmem:s24], [sflag:$0x1] =	stream.indirect.gather [hbm4b:s5+s21], $0x80, s4, s21, $0xb8;
	[tilespmem:$0x1BB00] =	vst v63  }
0x53: {  	_ = 	snop  }
0x54: {  	[spmem:s2] =	stream.indirect.scatter.add.f32 [tilespmem:s31], [sflag:$0x7], $0x80, s26, s21, $0xb8;
	[tilespmem:$0x1BB00] =	vst v63  }
0x55: {  	_ =	swait.ge [sflag:s0], $0x4000  }
0x56: {  	s15 =	sadd.s32 $0x0, s19;
	s13 =	sadd.s32 $0x0, s18;
	[sflag:s0] =	ssyncset.done $0x0  }
0x57: {  	s12 =	sadd.s32 $0x100, s20;
	s11 =	simm.s32 $0x20;
	[sflag:s0] =	ssyncadd.s32 $0xFFFFC000  }
0x58: {  	[tilespmem:s25], [sflag:$0x5] =	stream.linear.gather [hbm4b:s15+s4], $0x80, $0x38;
	[tilespmem:$0x1BB00] =	vst v63  }
.LBB2_2:
0x59: {  	[tilespmem:s26], [sflag:$0x6] =	stream.linear.gather [hbm4b:s13+s4], $0x80, $0x38;
	[tilespmem:$0x1BB00] =	vst v63  }
0x5a: {  	s13 =	smov.u32 s11  }
0x5b: {  	p1 =	sne.s32 s11, $0x9A0;
	s11 =	sadd.s32 $0x20, s11;
	_ =	swait.ge [sflag:s28], $0x80  }
0x5c: {  	[sflag:s28] =	ssyncset.done $0x0  }
0x5d: {  	[sflag:s28] =	ssyncadd.s32 $0xFFFFFF80  }
0x5e: {  	_ =	swait.ge [sflag:s29], $0x80  }
0x5f: {  	[sflag:s29] =	ssyncset.done $0x0  }
0x60: {  	[sflag:s29] =	ssyncadd.s32 $0xFFFFFF80  }
0x61: {  	_ =	swait.ge [sflag:s30], $0x4000  }
0x62: {  	[sflag:s30] =	ssyncset.done $0x0  }
0x63: {  	[sflag:s30] =	ssyncadd.s32 $0xFFFFC000  }
0x64: {  	[tilespmem:s31], [sflag:$0x2] =	stream.indirect.gather [hbm4b:s5+s21], $0x80, s25, s21, $0xb8;
	[tilespmem:$0x1BB00] =	vst v63  }
0x65: {  	_ = 	snop  }
0x66: {  	[spmem:s2] =	stream.indirect.scatter.add.f32 [tilespmem:s24], [sflag:$0x7], $0x80, s21, s21, $0xb8;
	[tilespmem:$0x1BB00] =	vst v63  }
0x67: {  	_ =	swait.ge [sflag:s0], $0x4000  }
0x68: {  	s14 =	sshrl.u32 s12, $0x3;
	[sflag:s0] =	ssyncset.done $0x0  }
0x69: {  	s15 =	sadd.s32 s1, s14;
	[sflag:s0] =	ssyncadd.s32 $0xFFFFC000  }
0x6a: {  	[tilespmem:s4], [sflag:$0x3] =	stream.linear.gather [hbm4b:s15+s4], $0x80, $0x38;
	[tilespmem:$0x1BB00] =	vst v63  }
0x6b: {  	s14 =	sadd.s32 s6, s14  }
0x6c: {  	[tilespmem:s21], [sflag:$0x4] =	stream.linear.gather [hbm4b:s14+s4], $0x80, $0x38;
	[tilespmem:$0x1BB00] =	vst v63  }
0x6d: {  	_ =	swait.ge [sflag:s3], $0x4000  }
0x6e: {  	[sflag:s3] =	ssyncset.done $0x0  }
0x6f: {  	[sflag:s3] =	ssyncadd.s32 $0xFFFFC000  }
0x70: {  	_ =	swait.ge [sflag:s22], $0x80  }
0x71: {  	[sflag:s22] =	ssyncset.done $0x0  }
0x72: {  	[sflag:s22] =	ssyncadd.s32 $0xFFFFFF80  }
0x73: {  	_ =	swait.ge [sflag:s23], $0x80  }
0x74: {  	[sflag:s23] =	ssyncset.done $0x0  }
0x75: {  	[sflag:s23] =	ssyncadd.s32 $0xFFFFFF80  }
0x76: {  	[tilespmem:s24], [sflag:$0x1] =	stream.indirect.gather [hbm4b:s5+s21], $0x80, s4, s21, $0xb8;
	[tilespmem:$0x1BB00] =	vst v63  }
0x77: {  	_ = 	snop  }
0x78: {  	[spmem:s2] =	stream.indirect.scatter.add.f32 [tilespmem:s31], [sflag:$0x7], $0x80, s26, s21, $0xb8;
	[tilespmem:$0x1BB00] =	vst v63  }
.Ltmp0:
0x79: {  	_ =	swait.ge [sflag:s0], $0x4000;
	(pc) =	sbr.rel @p1 .LBB2_2-.Ltmp0, $4  }
0x7a: {  	[sflag:s0] =	ssyncset.done $0x0  }
0x7b: {  	s14 =	sadd.s32 s13, s19;
	[sflag:s0] =	ssyncadd.s32 $0xFFFFC000  }
0x7c: {  	[tilespmem:s25], [sflag:$0x5] =	stream.linear.gather [hbm4b:s14+s4], $0x80, $0x38;
	[tilespmem:$0x1BB00] =	vst v63  }
0x7d: {  	s12 =	sadd.s32 $0x100, s12;
	s13 =	sadd.s32 s13, s18  }
0x7e: {  	[tilespmem:s26], [sflag:$0x6] =	stream.linear.gather [hbm4b:s13+s4], $0x80, $0x38;
	[tilespmem:$0x1BB00] =	vst v63  }
0x7f: {  	_ =	swait.ge [sflag:s28], $0x80  }
0x80: {  	[sflag:s28] =	ssyncset.done $0x0  }
0x81: {  	[sflag:s28] =	ssyncadd.s32 $0xFFFFFF80  }
0x82: {  	_ =	swait.ge [sflag:s29], $0x80  }
0x83: {  	[sflag:s29] =	ssyncset.done $0x0  }
0x84: {  	[sflag:s29] =	ssyncadd.s32 $0xFFFFFF80  }
0x85: {  	_ =	swait.ge [sflag:s30], $0x4000  }
0x86: {  	[sflag:s30] =	ssyncset.done $0x0  }
0x87: {  	[sflag:s30] =	ssyncadd.s32 $0xFFFFC000  }
0x88: {  	[tilespmem:s31], [sflag:$0x2] =	stream.indirect.gather [hbm4b:s5+s21], $0x80, s25, s21, $0xb8;
	[tilespmem:$0x1BB00] =	vst v63  }
0x89: {  	_ = 	snop  }
0x8a: {  	[spmem:s2] =	stream.indirect.scatter.add.f32 [tilespmem:s24], [sflag:$0x7], $0x80, s21, s21, $0xb8;
	[tilespmem:$0x1BB00] =	vst v63  }
0x8b: {  	_ =	swait.ge [sflag:s0], $0x4000  }
0x8c: {  	[sflag:s0] =	ssyncset.done $0x0  }
0x8d: {  	[sflag:s0] =	ssyncadd.s32 $0xFFFFC000  }
0x8e: {  	_ =	swait.ge [sflag:s3], $0x4000  }
0x8f: {  	[sflag:s3] =	ssyncset.done $0x0  }
0x90: {  	[sflag:s3] =	ssyncadd.s32 $0xFFFFC000  }
0x91: {  	[spmem:s2] =	stream.indirect.scatter.add.f32 [tilespmem:s31], [sflag:$0x7], $0x80, s26, s21, $0xb8;
	[tilespmem:$0x1BB00] =	vst v63  }
0x92: {  	_ =	swait.ge [sflag:s0], $0x4000  }
0x93: {  	[sflag:s0] =	ssyncset.done $0x0  }
0x94: {  	[sflag:s0] =	ssyncadd.s32 $0xFFFFC000  }
0x95: {  	s11 =	simm.s32 @p0 $0x1FC7;
	[bflag:$0x0] =	sbarrier.arrive $0xFFFF  }
0x96: {  	[hbm:s16], [sflag:s11] =	dma.local @p0 [spmem:s8], $0x2080  }
0x97: {  	s8 =	simm.s32 @p0 $0x7  }
0x98: {  	_ =	swait.ge @p0 [sflag:s8], $0x2080  }
0x99: {  	s7 =	sadd.s32 $0x1, s7;
	[sflag:s8] =	ssyncset.done @p0 $0x0  }
0x9a: {  	p1 =	sne.s32 s7, s17;
	[sflag:s8] =	ssyncadd.s32 @p0 $0xFFFFDF80;
	s8 =	rddreg [dreg:$0xc]  }
0x9b: {  	[hbm:s8], [sflag:s9] =	dma.local @!p0 [spmem:s10], $0x2780  }
.Ltmp1:
0x9c: {  	_ = 	snop;
	(pc) =	sbr.rel @p1 .LBB2_1-.Ltmp1, $4  }
0x9d: {  	s8 =	simm.s32 @!p0 $0x7  }
0x9e: {  	_ =	swait.ge @!p0 [sflag:s8], $0x2780  }
0x9f: {  	[sflag:s8] =	ssyncset.done @!p0 $0x0  }
0xa0: {  	[sflag:s8] =	ssyncadd.s32 @!p0 $0xFFFFD880  }
0xa1: {  	_ =	sfence.sel $0x180000  }
0xa2: {  	[bflag:$0x0] =	sbarrier.arrive $0xFFFF  }
0xa3: {  	_ =	strace $0x9000004A  }
0xa4: {  	s0 =	stileid.u32;
	[bflag:$0x2] =	sbarrier.arrive $0xFFFF  }
0xa5: {  	p0 =	sne.s32 s0, $0x0;
	s0 =	rddreg [dreg:$0x3]  }
0xa6: {  	s0 =	sadd.s32 @!p0 $0x100000, s0  }
0xa7: {  	[sflag:s0] =	ssyncadd.tile.s32 @!p0 $0x1;
	_ =	shalt  }
.Lfunc_end2:
_tile_overlayer_lowered:
.L_overlay_start_2:
0xa8: {  	(tag) =	ssettag $0x2  }
0xa9: {  	s0 =	rddreg [dreg:$0x0];
	s2 =	stileid.u32  }
0xaa: {  	s1 =	rddreg [dreg:$0x1];
	p0 =	sne.s32 s2, $0x0  }
0xab: {  	s3 =	rddreg [dreg:$0x2];
	[bflag:$0x3] =	sbarrier.arrive $0xFFFF;
	s2 =	simm.s32 @!p0 $0x1C07  }
0xac: {  	[timem:s3], [sflag:s2] =	dma.local @!p0 [hbm:s0], s1  }
0xad: {  	s0 =	simm.s32 @!p0 $0x7  }
0xae: {  	_ =	swait.ge @!p0 [sflag:s0], s1  }
0xaf: {  	s1 =	ssub.s32 @!p0 $0x0, s1;
	[sflag:s0] =	ssyncset.done @!p0 $0x0  }
0xb0: {  	[sflag:s0] =	ssyncadd.s32 @!p0 s1  }
0xb1: {  	[bflag:$0x3] =	sbarrier.arrive $0xFFFF  }
0xb2: {  	_ =	shalt  }

// kernel: kernel.15.cloned.1.call-start
scs
__scs_entry_jumppad:
0x0: {  	(pc) =	sbr.rel $0x88, $3  }
0x1: {  	(tag) =	ssettag $0x0;
	lr =	simm.s32 $0x1  }
0x2: {  	[smem:$0x3F99] =	sst lr;
	_ =	strace $0xD0000000  }
0x3: {  	_ = 	snop  }
0x4: {  	_ = 	snop  }
0x5: {  	_ = 	snop  }
0x6: {  	_ = 	snop  }
0x7: {  	_ = 	snop  }
__scs_overlays_trampoline_lowered:
0x8: {  	[smem:$0x3FA8] =	sst s0  }
0x9: {  	[smem:$0x3FA9] =	sst s1  }
0xa: {  	[smem:$0x3FAA] =	sst s2  }
0xb: {  	[smem:$0x3FAB] =	sst s3  }
0xc: {  	[smem:$0x3FAC] =	sst s4  }
0xd: {  	[smem:$0x3FAD] =	sst s5  }
0xe: {  	[smem:$0x3FAE] =	sst s6  }
0xf: {  	[smem:$0x3FAF] =	sst s7  }
0x10: {  	[smem:$0x3FB0] =	sst s8  }
0x11: {  	[smem:$0x3FB1] =	sst s9;
	s0 =	simm.s32 @!p0 $0x0  }
0x12: {  	s1 =	sld [smem:$0x3F97];
	s0 =	simm.s32 @p0 $0x1  }
0x13: {  	[smem:$0x3FB2] =	sst s0;
	s0 =	simm.s32 @!p1 $0x0  }
0x14: {  	s2 =	sld [smem:$0x3F96];
	s0 =	simm.s32 @p1 $0x1  }
0x15: {  	[smem:$0x3FB3] =	sst s0;
	s0 =	simm.s32 @!p2 $0x0  }
0x16: {  	s3 =	sld [smem:$0x3FDB];
	s0 =	simm.s32 @p2 $0x1  }
0x17: {  	s4 =	simm.s32 $0x1BF5;
	[smem:$0x3FB5] =	sst s0  }
0x18: {  	s0 =	sld [smem:$0x3F98];
	_ =	swait.ge [sflag:s4], $0x0  }
0x19: {  	s7 =	sld [smem:$0x3F99]  }
0x1a: {  	s8 =	sadd.s32 $0xFFFFE003, lr  }
0x1b: {  	s9 =	sadd.s32 $0xFFFFFEF7, lr;
	s5 =	simm.s32 $0xFFFFFFFF;
	p2 =	slt.u32 s8, $0xFFFFF086  }
0x1c: {  	p1 =	slt.u32 s9, $0xF7A;
	s5 =	simm.s32 @!p2 $0x0  }
0x1d: {  	s5 =	simm.s32 @p1 $0x1;
	p0 =	seq.s32 s7, s2  }
0x1e: {  	s7 =	smul.u32 @!p0 $0xF7A, s2;
	p2 =	seq.s32 @!p0 s5, $0x0  }
0x1f: {  	s9 =	smul.u32 $0xF7A, s1;
	s8 =	simm.s32 @!p0 $0x1BF5;
	p2 =	por !p2, p0  }
0x20: {  	[sflag:s8] =	ssyncset.s32 @!p0 $0xFFFFF086;
	s6 =	sadd.s32 @!p0 s3, s7;
	s7 =	simm.s32 @!p0 $0x108  }
0x21: {  	s3 =	sadd.s32 s3, s9;
	s6 =	sadd.s32 @!p0 $0x88, s6;
	s7 =	simm.s32 @p2 $0x1082  }
0x22: {  	[simem:s7], [sflag:s8] =	dma.local @!p0 [hbm:s6], $0xF7A  }
0x23: {  	s9 =	sor.u32 $0xD0000000, s2;
	s6 =	simm.s32 $0x108;
	_ =	swait.ge @!p0 [sflag:s8], $0x0  }
0x24: {  	s3 =	sadd.s32 $0x88, s3;
	s6 =	simm.s32 @!p1 $0x1082;
	[sflag:s4] =	ssyncset.s32 $0xFFFFF086  }
0x25: {  	[simem:s6], [sflag:s4] =	dma.local [hbm:s3], $0xF7A  }
0x26: {  	[smem:$0x3F99] =	sst s1;
	(tag) =	ssettag s2;
	_ =	strace s9  }
0x27: {  	s1 =	sld [smem:$0x3FA9]  }
0x28: {  	s2 =	sld [smem:$0x3FAA]  }
0x29: {  	s4 =	sld [smem:$0x3FAC]  }
0x2a: {  	p0 =	seq.s32 s5, $0x0;
	s5 =	sld [smem:$0x3FAD]  }
0x2b: {  	s6 =	sld [smem:$0x3FAE]  }
0x2c: {  	s7 =	sld [smem:$0x3FAF]  }
0x2d: {  	s3 =	simm.s32 $0x108;
	s8 =	sld [smem:$0x3FB0]  }
0x2e: {  	s3 =	simm.s32 @!p0 $0x1082;
	s9 =	sld [smem:$0x3FB1]  }
0x2f: {  	lr =	sadd.s32 s0, s3;
	s0 =	sld [smem:$0x3FA8]  }
0x30: {  	s3 =	sld [smem:$0x3FAB]  }
0x31: {  	[smem:$0x3FB4] =	sst s10  }
0x32: {  	s10 =	sld [smem:$0x3FB2];
	_ =	sdelay $0x3  }
0x33: {  	p0 =	seq.s32 s10, $0x1;
	s10 =	sld [smem:$0x3FB4];
	_ =	sdelay $0x3  }
0x34: {  	[smem:$0x3FB4] =	sst s10  }
0x35: {  	s10 =	sld [smem:$0x3FB3];
	_ =	sdelay $0x3  }
0x36: {  	p1 =	seq.s32 s10, $0x1;
	s10 =	sld [smem:$0x3FB4];
	_ =	sdelay $0x3  }
0x37: {  	[smem:$0x3FB4] =	sst s10  }
0x38: {  	s10 =	sld [smem:$0x3FB5]  }
0x39: {  	_ = 	snop;
	(pc) =	sbr.ind lr, $3  }
0x3a: {  	_ = 	snop  }
0x3b: {  	_ = 	snop  }
0x3c: {  	p2 =	seq.s32 s10, $0x1;
	s10 =	sld [smem:$0x3FB4]  }
0x3d: {  	_ =	shalt  }
0x3e: {  	_ =	shalt  }
0x3f: {  	_ =	shalt  }
0x40: {  	_ =	shalt  }
0x41: {  	_ =	shalt  }
0x42: {  	_ =	shalt  }
0x43: {  	_ =	shalt  }
0x44: {  	_ =	shalt  }
0x45: {  	_ =	shalt  }
0x46: {  	_ =	shalt  }
0x47: {  	_ =	shalt  }
0x48: {  	_ =	shalt  }
0x49: {  	_ =	shalt  }
0x4a: {  	_ =	shalt  }
0x4b: {  	_ =	shalt  }
0x4c: {  	_ =	shalt  }
0x4d: {  	_ =	shalt  }
0x4e: {  	_ =	shalt  }
0x4f: {  	_ =	shalt  }
0x50: {  	_ =	shalt  }
0x51: {  	_ =	shalt  }
0x52: {  	_ =	shalt  }
0x53: {  	_ =	shalt  }
0x54: {  	_ =	shalt  }
0x55: {  	_ =	shalt  }
0x56: {  	_ =	shalt  }
0x57: {  	_ =	shalt  }
0x58: {  	_ =	shalt  }
0x59: {  	_ =	shalt  }
0x5a: {  	_ =	shalt  }
0x5b: {  	_ =	shalt  }
0x5c: {  	_ =	shalt  }
0x5d: {  	_ =	shalt  }
0x5e: {  	_ =	shalt  }
0x5f: {  	_ =	shalt  }
0x60: {  	_ =	shalt  }
0x61: {  	_ =	shalt  }
0x62: {  	_ =	shalt  }
0x63: {  	_ =	shalt  }
0x64: {  	_ =	shalt  }
0x65: {  	_ =	shalt  }
0x66: {  	_ =	shalt  }
0x67: {  	_ =	shalt  }
0x68: {  	_ =	shalt  }
0x69: {  	_ =	shalt  }
0x6a: {  	_ =	shalt  }
0x6b: {  	_ =	shalt  }
0x6c: {  	_ =	shalt  }
0x6d: {  	_ =	shalt  }
0x6e: {  	_ =	shalt  }
0x6f: {  	_ =	shalt  }
0x70: {  	_ =	shalt  }
0x71: {  	_ =	shalt  }
0x72: {  	_ =	shalt  }
0x73: {  	_ =	shalt  }
0x74: {  	_ =	shalt  }
0x75: {  	_ =	shalt  }
0x76: {  	_ =	shalt  }
0x77: {  	_ =	shalt  }
0x78: {  	_ =	shalt  }
0x79: {  	_ =	shalt  }
0x7a: {  	_ =	shalt  }
0x7b: {  	_ =	shalt  }
0x7c: {  	_ =	shalt  }
0x7d: {  	_ =	shalt  }
0x7e: {  	_ =	shalt  }
0x7f: {  	_ =	shalt  }
0x80: {  	_ =	shalt  }
0x81: {  	_ =	shalt  }
0x82: {  	_ =	shalt  }
0x83: {  	_ =	shalt  }
0x84: {  	_ =	shalt  }
0x85: {  	_ =	shalt  }
0x86: {  	_ =	shalt  }
0x87: {  	_ =	shalt  }
.Lfunc_end0:
.L_simem_size_0:
called_computation.2_lowered:
.L_overlay_start_0:
0x88: {  	s2 =	sld [smem:$0x3FD9]  }
0x89: {  	s3 =	sld [smem:$0x3FFE];
	_ =	sdelay $0x1  }
0x8a: {  	s1 =	srdreg.scid  }
0x8b: {  	s0 =	sand.u32 $0x1, s1  }
0x8c: {  	s16 =	sshll.u32 s0, $0xA;
	s2 =	sadd.s32 s3, s2  }
0x8d: {  	s2 =	sadd.s32 s2, s16  }
0x8e: {  	[smem:$0x3FC0] =	sst s2  }
0x8f: {  	_ = 	snop  }
0x90: {  	(tm) =	ssettm $0x1  }
0x91: {  	s17 =	sld [smem:$0x3FFB];
	_ =	sdelay $0x3  }
0x92: {  	_ =	strace s17  }
0x93: {  	s2 =	sld [smem:$0x3FFC];
	_ =	sdelay $0x3  }
0x94: {  	_ =	strace s2  }
0x95: {  	s2 =	sld [smem:$0x3FFD];
	_ =	sdelay $0x3  }
0x96: {  	_ =	strace s2  }
0x97: {  	_ =	strace $0x8FFFFFFF  }
0x98: {  	s18 =	sld [smem:$0x3FDB];
	_ =	sdelay $0x1  }
0x99: {  	s19 =	simm.s32 $_scs_section_size  }
0x9a: {  	s4 =	simm.s32 $_size__tile_overlayer_lowered;
	s5 =	simm.s32 $_tile_overlayer_lowered  }
0x9b: {  	s22 =	simm.s32 $0x1BFF;
	s21 =	sshll.u32 s5, $0x1;
	s2 =	sadd.s32 s19, s18  }
0x9c: {  	s6 =	simm.s32 $0x0;
	s20 =	sshll.u32 s4, $0x1;
	s4 =	sadd.s32 s21, s2  }
0x9d: {  	[timem:s6], [sflag:s22] =	dma.local [hbm:s4], s20  }
0x9e: {  	_ =	swait.ge [sflag:s22], s20  }
0x9f: {  	s3 =	ssub.s32 $0x0, s20;
	[sflag:s22] =	ssyncset.done $0x0  }
0xa0: {  	[sflag:s22] =	ssyncadd.s32 s3;
	_ =	sdelay $0x1  }
0xa1: {  	s23 =	simm.s32 $0x1B8B  }
0xa2: {  	_ =	swait.ge [sflag:s23], $0x1  }
0xa3: {  	[sflag:s23] =	ssyncset.done $0x0  }
0xa4: {  	s25 =	simm.s32 $0x1B8E;
	s24 =	sld [smem:$0x3FFE];
	[sflag:s23] =	ssyncadd.s32 $0xFFFFFFFF  }
0xa5: {  	s26 =	simm.s32 $execute0_lowered;
	[smem:$0x3FD2] =	sst s25  }
0xa6: {  	s4 =	sshll.u32 s26, $0x1;
	_ =	strace $0x8000004C;
	[dreg:$0x1] =	wrdreg $0xFFFFFFFF  }
0xa7: {  	s28 =	simm.s32 $_size_execute0_lowered;
	s2 =	sadd.s32 s2, s4;
	[dreg:$0x0] =	wrdreg $0x0  }
0xa8: {  	s4 =	sshll.u32 s28, $0x1;
	[dreg:$0x2] =	wrdreg s2  }
0xa9: {  	[dreg:$0x3] =	wrdreg s4  }
0xaa: {  	[dreg:$0x4] =	wrdreg $0xC0  }
0xab: {  	_ =	task [dreg:s6], $0x5FFFF  }
0xac: {  	[dreg:$0x1] =	wrdreg $0xFFFFFFFF  }
0xad: {  	[dreg:$0x0] =	wrdreg $0x60  }
0xae: {  	[dreg:$0x2] =	wrdreg s24  }
0xaf: {  	[dreg:$0x3] =	wrdreg $0x82000  }
0xb0: {  	[dreg:$0x4] =	wrdreg $0x9  }
0xb1: {  	_ =	task.clear_ibuf [dreg:s6], $0x5FFFF;
	_ =	strace $0x9000004C  }
0xb2: {  	s29 =	simm.s32 $0x9;
	_ =	strace $0x8000004E  }
0xb3: {  	_ =	swait.ge [sflag:s29], $0x1  }
0xb4: {  	[sflag:s29] =	ssyncadd.s32 $0xFFFFFFFF  }
0xb5: {  	_ =	strace $0x9000004E  }
0xb6: {  	_ =	sfence  }
0xb7: {  	s30 =	sld [smem:$0x0];
	_ =	sdelay $0x2  }
0xb8: {  	s31 =	sshll.u32 s1, $0xD;
	s1 =	sshrl.u32 s1, $0x2  }
0xb9: {  	s3 =	sand.u32 $0x4000, s31;
	s1 =	sadd.s32 s1, s30  }
0xba: {  	s0 =	sor.u32 s3, s0;
	s1 =	sshll.u32 s1, $0x11  }
0xbb: {  	s0 =	sor.u32 s1, s0  }
0xbc: {  	s0 =	sadd.s32 $0x8F2B, s0  }
0xbd: {  	[sflag:s0] =	ssyncadd.remote.s32 $0x1  }
0xbe: {  	_ =	sfence.sel $0xFFFF  }
0xbf: {  	[dreg:$0x0] =	wrdreg $0xFFFFFFFF;
	(pc) =	sbr.abs _section_cstart, $3  }
0xc0: {  	[dreg:$0x1] =	wrdreg $0xFFFFFFFF  }
0xc1: {  	_ =	task.clear_ibuf [dreg:s6], $0x2FFFF;
	_ =	strace $0x9FFFFFFF  }
0xc2: {  	(tm) =	ssettm $0x7FFFFFFF  }
0xc3: {  	_ =	shalt  }
tec
execute0_lowered:
.L_overlay_start_1:
0x0: {  	(tag) =	ssettag $0x1  }
0x1: {  	s0 =	rddreg [dreg:$0x0]  }
0x2: {  	s1 =	rddreg [dreg:$0x1]  }
0x3: {  	s2 =	simm.s32 $0x0;
	s3 =	srdreg.scid;
	s20 =	stileid.u32  }
0x4: {  	s28 =	simm.s32 $0x6;
	s29 =	simm.s32 $0x1;
	s30 =	simm.s32 $0x4200  }
0x5: {  	s31 =	simm.s32 $0x7;
	[smem:$0x7FF] =	sst s2;
	s6 =	smul.u32 $0x278, s20  }
0x6: {  	s4 =	sadd.s32 $0xC400, s0;
	s5 =	sadd.s32 $0xBD400, s0;
	s9 =	smul.u32 $0x4F000, s20  }
0x7: {  	s3 =	sand.u32 $0x1, s3;
	s7 =	sadd.s32 $0x2400, s0;
	s14 =	smul.u32 $0x2800, s20  }
0x8: {  	s0 =	sadd.s32 $0xC7400, s0;
	s19 =	sadd.s32 $0x128400, s1;
	s11 =	smul.u32 $0x4E20, s3  }
0x9: {  	p0 =	seq.s32 s20, $0xF;
	_ =	strace $0x8000004D;
	s12 =	smul.u32 $0x271000, s3  }
0xa: {  	s8 =	ssub.s32 $0x2, s3;
	s17 =	sshll.u32 s3, $0x4;
	s23 =	smul.u32 $0x2710, s3  }
0xb: {  	[dreg:$0x5] =	wrdreg s19;
	s25 =	smul.u32 $0x138800, s3;
	s10 =	sshrl.u32 s8, $0x1  }
0xc: {  	s3 =	smul.u32 $0x28000, s3;
	s9 =	sshrl.u32 s9, $0x2;
	s8 =	ssub.s32 s8, s10  }
0xd: {  	s11 =	sadd.s32 s6, s11;
	s10 =	sor.u32 s20, s17;
	s9 =	sadd.s32 s9, s1  }
0xe: {  	s21 =	sshrl.u32 s12, $0x3;
	s6 =	sadd.s32 s6, s23;
	s3 =	sadd.s32 s14, s3  }
0xf: {  	s20 =	simm.s32 $0x80;
	s23 =	simm.s32 $0x200;
	[dreg:$0x3] =	wrdreg s9  }
0x10: {  	s18 =	sshll.u32 s11, $0x4;
	s10 =	smul.u32 $0x2800, s10;
	s6 =	sshll.u32 s6, $0x4  }
0x11: {  	s26 =	sor.u32 $0x180, s3;
	s3 =	sor.u32 $0x100, s3;
	s9 =	sadd.s32 s4, s18  }
0x12: {  	s15 =	smax.u32 s8, $0x1;
	s3 =	sshrl.u32 s3, $0x3;
	[dreg:$0x4] =	wrdreg s9  }
0x13: {  	s9 =	sadd.s32 s4, s21;
	s22 =	sshrl.u32 s10, $0x3;
	s18 =	sadd.s32 s3, s7  }
0x14: {  	s19 =	sadd.s32 s3, s5;
	s21 =	simm.s32 $0x3;
	s9 =	sadd.s32 $0x25080, s9  }
0x15: {  	s3 =	simm.s32 $0x0;
	s24 =	sadd.s32 s5, s22;
	[dreg:$0x6] =	wrdreg s9  }
0x16: {  	s10 =	sadd.s32 s7, s22;
	s13 =	sor.u32 $0x10, s22;
	[dreg:$0x7] =	wrdreg s24  }
0x17: {  	s22 =	simm.s32 $0x4;
	[dreg:$0x8] =	wrdreg s10;
	s11 =	sadd.s32 s5, s13  }
0x18: {  	s12 =	sadd.s32 s7, s13;
	s9 =	sshrl.u32 s25, $0x3;
	s13 =	sadd.s32 s0, s6  }
0x19: {  	s24 =	simm.s32 $0x100;
	s25 =	simm.s32 $0x180;
	s0 =	sadd.s32 s0, s9  }
0x1a: {  	s14 =	sadd.s32 $0x25080, s0;
	s0 =	sshrl.u32 s26, $0x3;
	s26 =	simm.s32 $0x5  }
0x1b: {  	s16 =	sadd.s32 s0, s7;
	s17 =	sadd.s32 s0, s5;
	s0 =	simm.s32 $0x2  }
.LBB2_1:
0x1c: {  	s5 =	rddreg [dreg:$0x5]  }
0x1d: {  	s6 =	simm.s32 @p0 $0x1FC7;
	s7 =	rddreg [dreg:$0x6];
	s5 =	sshrl.u32 @p0 s5, $0x3  }
0x1e: {  	[spmem:s5], [sflag:s6] =	dma.local @p0 [hbm:s7], $0x2080  }
0x1f: {  	s6 =	simm.s32 @p0 $0x7  }
0x20: {  	s7 =	stileid.u32;
	_ =	swait.ge @p0 [sflag:s6], $0x2080  }
0x21: {  	s7 =	sshll.u32 @!p0 s7, $0x6;
	[sflag:s6] =	ssyncset.done @p0 $0x0  }
0x22: {  	[sflag:s6] =	ssyncadd.s32 @p0 $0xFFFFDF80;
	s6 =	sor.u32 @!p0 $0x1C07, s7;
	s7 =	rddreg [dreg:$0x3]  }
0x23: {  	s8 =	rddreg [dreg:$0x4];
	s7 =	sshrl.u32 @!p0 s7, $0x3  }
0x24: {  	[spmem:s7], [sflag:s6] =	dma.local @!p0 [hbm:s8], $0x2780  }
0x25: {  	s8 =	simm.s32 @!p0 $0x7  }
0x26: {  	_ =	swait.ge @!p0 [sflag:s8], $0x2780  }
0x27: {  	[sflag:s8] =	ssyncset.done @!p0 $0x0  }
0x28: {  	[sflag:s8] =	ssyncadd.s32 @!p0 $0xFFFFD880  }
0x29: {  	[bflag:$0x0] =	sbarrier.arrive $0xFFFF  }
0x2a: {  	s10 =	rddreg [dreg:$0x7]  }
0x2b: {  	[tilespmem:s2], [sflag:$0x3] =	stream.linear.gather [hbm4b:s10+s2], $0x80, $0x38;
	[tilespmem:$0x1BB00] =	vst v63  }
0x2c: {  	s9 =	rddreg [dreg:$0x8]  }
0x2d: {  	[tilespmem:s20], [sflag:$0x4] =	stream.linear.gather [hbm4b:s9+s2], $0x80, $0x38;
	[tilespmem:$0x1BB00] =	vst v63  }
0x2e: {  	_ =	swait.ge [sflag:s21], $0x80  }
0x2f: {  	[sflag:s21] =	ssyncset.done $0x0  }
0x30: {  	[sflag:s21] =	ssyncadd.s32 $0xFFFFFF80  }
0x31: {  	_ =	swait.ge [sflag:s22], $0x80  }
0x32: {  	[sflag:s22] =	ssyncset.done $0x0  }
0x33: {  	[sflag:s22] =	ssyncadd.s32 $0xFFFFFF80  }
0x34: {  	[tilespmem:s23], [sflag:$0x1] =	stream.indirect.gather [hbm4b:s4+s20], $0x80, s2, s20, $0xb8;
	[tilespmem:$0x1BB00] =	vst v63  }
0x35: {  	_ = 	snop  }
0x36: {  	[tilespmem:s24], [sflag:$0x5] =	stream.linear.gather [hbm4b:s11+s2], $0x80, $0x38;
	[tilespmem:$0x1BB00] =	vst v63  }
0x37: {  	_ = 	snop  }
0x38: {  	[tilespmem:s25], [sflag:$0x6] =	stream.linear.gather [hbm4b:s12+s2], $0x80, $0x38;
	[tilespmem:$0x1BB00] =	vst v63  }
0x39: {  	_ =	swait.ge [sflag:s26], $0x80  }
0x3a: {  	[sflag:s26] =	ssyncset.done $0x0  }
0x3b: {  	[sflag:s26] =	ssyncadd.s32 $0xFFFFFF80  }
0x3c: {  	_ =	swait.ge [sflag:s28], $0x80  }
0x3d: {  	[sflag:s28] =	ssyncset.done $0x0  }
0x3e: {  	[sflag:s28] =	ssyncadd.s32 $0xFFFFFF80  }
0x3f: {  	_ =	swait.ge [sflag:s29], $0x4000  }
0x40: {  	[sflag:s29] =	ssyncset.done $0x0  }
0x41: {  	[sflag:s29] =	ssyncadd.s32 $0xFFFFC000  }
0x42: {  	[tilespmem:s30], [sflag:$0x2] =	stream.indirect.gather [hbm4b:s4+s20], $0x80, s24, s20, $0xb8;
	[tilespmem:$0x1BB00] =	vst v63  }
0x43: {  	_ = 	snop  }
0x44: {  	[spmem:s1] =	stream.indirect.scatter.add.f32 [tilespmem:s23], [sflag:$0x7], $0x80, s20, s20, $0xb8;
	[tilespmem:$0x1BB00] =	vst v63  }
0x45: {  	_ =	swait.ge [sflag:s31], $0x4000  }
0x46: {  	[sflag:s31] =	ssyncset.done $0x0  }
0x47: {  	s10 =	sadd.s32 $0x0, s19;
	[sflag:s31] =	ssyncadd.s32 $0xFFFFC000  }
0x48: {  	[tilespmem:s2], [sflag:$0x3] =	stream.linear.gather [hbm4b:s10+s2], $0x80, $0x38;
	[tilespmem:$0x1BB00] =	vst v63  }
0x49: {  	s9 =	sadd.s32 $0x0, s18  }
0x4a: {  	[tilespmem:s20], [sflag:$0x4] =	stream.linear.gather [hbm4b:s9+s2], $0x80, $0x38;
	[tilespmem:$0x1BB00] =	vst v63  }
0x4b: {  	_ =	swait.ge [sflag:s0], $0x4000  }
0x4c: {  	[sflag:s0] =	ssyncset.done $0x0  }
0x4d: {  	[sflag:s0] =	ssyncadd.s32 $0xFFFFC000  }
0x4e: {  	_ =	swait.ge [sflag:s21], $0x80  }
0x4f: {  	[sflag:s21] =	ssyncset.done $0x0  }
0x50: {  	[sflag:s21] =	ssyncadd.s32 $0xFFFFFF80  }
0x51: {  	_ =	swait.ge [sflag:s22], $0x80  }
0x52: {  	[sflag:s22] =	ssyncset.done $0x0  }
0x53: {  	[sflag:s22] =	ssyncadd.s32 $0xFFFFFF80  }
0x54: {  	[tilespmem:s23], [sflag:$0x1] =	stream.indirect.gather [hbm4b:s4+s20], $0x80, s2, s20, $0xb8;
	[tilespmem:$0x1BB00] =	vst v63  }
0x55: {  	_ = 	snop  }
0x56: {  	[spmem:s1] =	stream.indirect.scatter.add.f32 [tilespmem:s30], [sflag:$0x7], $0x80, s25, s20, $0xb8;
	[tilespmem:$0x1BB00] =	vst v63  }
0x57: {  	_ =	swait.ge [sflag:s31], $0x4000  }
0x58: {  	s8 =	simm.s32 $0x20;
	[sflag:s31] =	ssyncset.done $0x0  }
0x59: {  	s10 =	sadd.s32 $0x0, s17;
	s9 =	sadd.s32 $0x0, s16;
	[sflag:s31] =	ssyncadd.s32 $0xFFFFC000  }
0x5a: {  	[tilespmem:s24], [sflag:$0x5] =	stream.linear.gather [hbm4b:s10+s2], $0x80, $0x38;
	[tilespmem:$0x1BB00] =	vst v63  }
.LBB2_2:
0x5b: {  	[tilespmem:s25], [sflag:$0x6] =	stream.linear.gather [hbm4b:s9+s2], $0x80, $0x38;
	[tilespmem:$0x1BB00] =	vst v63  }
0x5c: {  	s9 =	smov.u32 s8  }
0x5d: {  	p1 =	sne.s32 s8, $0x4C0;
	s8 =	sadd.s32 $0x20, s8;
	_ =	swait.ge [sflag:s26], $0x80  }
0x5e: {  	[sflag:s26] =	ssyncset.done $0x0  }
0x5f: {  	[sflag:s26] =	ssyncadd.s32 $0xFFFFFF80  }
0x60: {  	_ =	swait.ge [sflag:s28], $0x80  }
0x61: {  	[sflag:s28] =	ssyncset.done $0x0  }
0x62: {  	[sflag:s28] =	ssyncadd.s32 $0xFFFFFF80  }
0x63: {  	_ =	swait.ge [sflag:s29], $0x4000  }
0x64: {  	[sflag:s29] =	ssyncset.done $0x0  }
0x65: {  	[sflag:s29] =	ssyncadd.s32 $0xFFFFC000  }
0x66: {  	[tilespmem:s30], [sflag:$0x2] =	stream.indirect.gather [hbm4b:s4+s20], $0x80, s24, s20, $0xb8;
	[tilespmem:$0x1BB00] =	vst v63  }
0x67: {  	_ = 	snop  }
0x68: {  	[spmem:s1] =	stream.indirect.scatter.add.f32 [tilespmem:s23], [sflag:$0x7], $0x80, s20, s20, $0xb8;
	[tilespmem:$0x1BB00] =	vst v63  }
0x69: {  	_ =	swait.ge [sflag:s31], $0x4000  }
0x6a: {  	[sflag:s31] =	ssyncset.done $0x0  }
0x6b: {  	s10 =	sadd.s32 s9, s19;
	[sflag:s31] =	ssyncadd.s32 $0xFFFFC000  }
0x6c: {  	[tilespmem:s2], [sflag:$0x3] =	stream.linear.gather [hbm4b:s10+s2], $0x80, $0x38;
	[tilespmem:$0x1BB00] =	vst v63  }
0x6d: {  	s10 =	sadd.s32 s9, s18  }
0x6e: {  	[tilespmem:s20], [sflag:$0x4] =	stream.linear.gather [hbm4b:s10+s2], $0x80, $0x38;
	[tilespmem:$0x1BB00] =	vst v63  }
0x6f: {  	_ =	swait.ge [sflag:s0], $0x4000  }
0x70: {  	[sflag:s0] =	ssyncset.done $0x0  }
0x71: {  	[sflag:s0] =	ssyncadd.s32 $0xFFFFC000  }
0x72: {  	_ =	swait.ge [sflag:s21], $0x80  }
0x73: {  	[sflag:s21] =	ssyncset.done $0x0  }
0x74: {  	[sflag:s21] =	ssyncadd.s32 $0xFFFFFF80  }
0x75: {  	_ =	swait.ge [sflag:s22], $0x80  }
0x76: {  	[sflag:s22] =	ssyncset.done $0x0  }
0x77: {  	[sflag:s22] =	ssyncadd.s32 $0xFFFFFF80  }
0x78: {  	[tilespmem:s23], [sflag:$0x1] =	stream.indirect.gather [hbm4b:s4+s20], $0x80, s2, s20, $0xb8;
	[tilespmem:$0x1BB00] =	vst v63  }
0x79: {  	_ = 	snop  }
0x7a: {  	[spmem:s1] =	stream.indirect.scatter.add.f32 [tilespmem:s30], [sflag:$0x7], $0x80, s25, s20, $0xb8;
	[tilespmem:$0x1BB00] =	vst v63  }
.Ltmp0:
0x7b: {  	_ =	swait.ge [sflag:s31], $0x4000;
	(pc) =	sbr.rel @p1 .LBB2_2-.Ltmp0, $4  }
0x7c: {  	[sflag:s31] =	ssyncset.done $0x0  }
0x7d: {  	s10 =	sadd.s32 s9, s17;
	[sflag:s31] =	ssyncadd.s32 $0xFFFFC000  }
0x7e: {  	[tilespmem:s24], [sflag:$0x5] =	stream.linear.gather [hbm4b:s10+s2], $0x80, $0x38;
	[tilespmem:$0x1BB00] =	vst v63  }
0x7f: {  	s9 =	sadd.s32 s9, s16  }
0x80: {  	[tilespmem:s25], [sflag:$0x6] =	stream.linear.gather [hbm4b:s9+s2], $0x80, $0x38;
	[tilespmem:$0x1BB00] =	vst v63  }
0x81: {  	_ =	swait.ge [sflag:s26], $0x80  }
0x82: {  	[sflag:s26] =	ssyncset.done $0x0  }
0x83: {  	[sflag:s26] =	ssyncadd.s32 $0xFFFFFF80  }
0x84: {  	_ =	swait.ge [sflag:s28], $0x80  }
0x85: {  	[sflag:s28] =	ssyncset.done $0x0  }
0x86: {  	[sflag:s28] =	ssyncadd.s32 $0xFFFFFF80  }
0x87: {  	_ =	swait.ge [sflag:s29], $0x4000  }
0x88: {  	[sflag:s29] =	ssyncset.done $0x0  }
0x89: {  	[sflag:s29] =	ssyncadd.s32 $0xFFFFC000  }
0x8a: {  	[tilespmem:s30], [sflag:$0x2] =	stream.indirect.gather [hbm4b:s4+s20], $0x80, s24, s20, $0xb8;
	[tilespmem:$0x1BB00] =	vst v63  }
0x8b: {  	_ = 	snop  }
0x8c: {  	[spmem:s1] =	stream.indirect.scatter.add.f32 [tilespmem:s23], [sflag:$0x7], $0x80, s20, s20, $0xb8;
	[tilespmem:$0x1BB00] =	vst v63  }
0x8d: {  	_ =	swait.ge [sflag:s31], $0x4000  }
0x8e: {  	[sflag:s31] =	ssyncset.done $0x0  }
0x8f: {  	[sflag:s31] =	ssyncadd.s32 $0xFFFFC000  }
0x90: {  	_ =	swait.ge [sflag:s0], $0x4000  }
0x91: {  	[sflag:s0] =	ssyncset.done $0x0  }
0x92: {  	[sflag:s0] =	ssyncadd.s32 $0xFFFFC000  }
0x93: {  	[spmem:s1] =	stream.indirect.scatter.add.f32 [tilespmem:s30], [sflag:$0x7], $0x80, s25, s20, $0xb8;
	[tilespmem:$0x1BB00] =	vst v63  }
0x94: {  	_ =	swait.ge [sflag:s31], $0x4000  }
0x95: {  	[sflag:s31] =	ssyncset.done $0x0  }
0x96: {  	[sflag:s31] =	ssyncadd.s32 $0xFFFFC000  }
0x97: {  	s8 =	simm.s32 @p0 $0x1FC7;
	[bflag:$0x0] =	sbarrier.arrive $0xFFFF  }
0x98: {  	[hbm:s14], [sflag:s8] =	dma.local @p0 [spmem:s5], $0x2080  }
0x99: {  	s5 =	simm.s32 @p0 $0x7  }
0x9a: {  	s3 =	sadd.s32 $0x1, s3;
	_ =	swait.ge @p0 [sflag:s5], $0x2080  }
0x9b: {  	p1 =	sne.s32 s3, s15;
	[sflag:s5] =	ssyncset.done @p0 $0x0  }
.Ltmp1:
0x9c: {  	[sflag:s5] =	ssyncadd.s32 @p0 $0xFFFFDF80;
	s5 =	simm.s32 @!p0 $0x7;
	(pc) =	sbr.rel @p1 .LBB2_1-.Ltmp1, $4  }
0x9d: {  	[hbm:s13], [sflag:s6] =	dma.local @!p0 [spmem:s7], $0x2780  }
0x9e: {  	_ =	swait.ge @!p0 [sflag:s5], $0x2780  }
0x9f: {  	[sflag:s5] =	ssyncset.done @!p0 $0x0  }
0xa0: {  	[sflag:s5] =	ssyncadd.s32 @!p0 $0xFFFFD880  }
0xa1: {  	_ =	sfence.sel $0x180000  }
0xa2: {  	[bflag:$0x0] =	sbarrier.arrive $0xFFFF  }
0xa3: {  	_ =	strace $0x9000004D  }
0xa4: {  	s0 =	stileid.u32;
	[bflag:$0x2] =	sbarrier.arrive $0xFFFF  }
0xa5: {  	p0 =	sne.s32 s0, $0x0;
	s0 =	rddreg [dreg:$0x2]  }
0xa6: {  	s0 =	sadd.s32 @!p0 $0x100000, s0  }
0xa7: {  	[sflag:s0] =	ssyncadd.tile.s32 @!p0 $0x1;
	_ =	shalt  }
.Lfunc_end2:
_tile_overlayer_lowered:
.L_overlay_start_2:
0xa8: {  	(tag) =	ssettag $0x2  }
0xa9: {  	s0 =	rddreg [dreg:$0x0];
	s2 =	stileid.u32  }
0xaa: {  	s1 =	rddreg [dreg:$0x1];
	p0 =	sne.s32 s2, $0x0  }
0xab: {  	s3 =	rddreg [dreg:$0x2];
	[bflag:$0x3] =	sbarrier.arrive $0xFFFF;
	s2 =	simm.s32 @!p0 $0x1C07  }
0xac: {  	[timem:s3], [sflag:s2] =	dma.local @!p0 [hbm:s0], s1  }
0xad: {  	s0 =	simm.s32 @!p0 $0x7  }
0xae: {  	_ =	swait.ge @!p0 [sflag:s0], s1  }
0xaf: {  	s1 =	ssub.s32 @!p0 $0x0, s1;
	[sflag:s0] =	ssyncset.done @!p0 $0x0  }
0xb0: {  	[sflag:s0] =	ssyncadd.s32 @!p0 s1  }
0xb1: {  	[bflag:$0x3] =	sbarrier.arrive $0xFFFF  }
0xb2: {  	_ =	shalt  }

// kernel: kernel.9.cloned.1.call-start
scs
__scs_entry_jumppad:
0x0: {  	(pc) =	sbr.rel $0x88, $3  }
0x1: {  	(tag) =	ssettag $0x0;
	lr =	simm.s32 $0x1  }
0x2: {  	[smem:$0x3F99] =	sst lr;
	_ =	strace $0xD0000000  }
0x3: {  	_ = 	snop  }
0x4: {  	_ = 	snop  }
0x5: {  	_ = 	snop  }
0x6: {  	_ = 	snop  }
0x7: {  	_ = 	snop  }
__scs_overlays_trampoline_lowered:
0x8: {  	[smem:$0x3FA8] =	sst s0  }
0x9: {  	[smem:$0x3FA9] =	sst s1  }
0xa: {  	[smem:$0x3FAA] =	sst s2  }
0xb: {  	[smem:$0x3FAB] =	sst s3  }
0xc: {  	[smem:$0x3FAC] =	sst s4  }
0xd: {  	[smem:$0x3FAD] =	sst s5  }
0xe: {  	[smem:$0x3FAE] =	sst s6  }
0xf: {  	[smem:$0x3FAF] =	sst s7  }
0x10: {  	[smem:$0x3FB0] =	sst s8  }
0x11: {  	[smem:$0x3FB1] =	sst s9;
	s0 =	simm.s32 @!p0 $0x0  }
0x12: {  	s1 =	sld [smem:$0x3F97];
	s0 =	simm.s32 @p0 $0x1  }
0x13: {  	[smem:$0x3FB2] =	sst s0;
	s0 =	simm.s32 @!p1 $0x0  }
0x14: {  	s2 =	sld [smem:$0x3F96];
	s0 =	simm.s32 @p1 $0x1  }
0x15: {  	[smem:$0x3FB3] =	sst s0;
	s0 =	simm.s32 @!p2 $0x0  }
0x16: {  	s3 =	sld [smem:$0x3FDB];
	s0 =	simm.s32 @p2 $0x1  }
0x17: {  	s4 =	simm.s32 $0x1BF5;
	[smem:$0x3FB5] =	sst s0  }
0x18: {  	s0 =	sld [smem:$0x3F98];
	_ =	swait.ge [sflag:s4], $0x0  }
0x19: {  	s7 =	sld [smem:$0x3F99]  }
0x1a: {  	s8 =	sadd.s32 $0xFFFFE003, lr  }
0x1b: {  	s9 =	sadd.s32 $0xFFFFFEF7, lr;
	s5 =	simm.s32 $0xFFFFFFFF;
	p2 =	slt.u32 s8, $0xFFFFF086  }
0x1c: {  	p1 =	slt.u32 s9, $0xF7A;
	s5 =	simm.s32 @!p2 $0x0  }
0x1d: {  	s5 =	simm.s32 @p1 $0x1;
	p0 =	seq.s32 s7, s2  }
0x1e: {  	s7 =	smul.u32 @!p0 $0xF7A, s2;
	p2 =	seq.s32 @!p0 s5, $0x0  }
0x1f: {  	s9 =	smul.u32 $0xF7A, s1;
	s8 =	simm.s32 @!p0 $0x1BF5;
	p2 =	por !p2, p0  }
0x20: {  	[sflag:s8] =	ssyncset.s32 @!p0 $0xFFFFF086;
	s6 =	sadd.s32 @!p0 s3, s7;
	s7 =	simm.s32 @!p0 $0x108  }
0x21: {  	s3 =	sadd.s32 s3, s9;
	s6 =	sadd.s32 @!p0 $0x88, s6;
	s7 =	simm.s32 @p2 $0x1082  }
0x22: {  	[simem:s7], [sflag:s8] =	dma.local @!p0 [hbm:s6], $0xF7A  }
0x23: {  	s9 =	sor.u32 $0xD0000000, s2;
	s6 =	simm.s32 $0x108;
	_ =	swait.ge @!p0 [sflag:s8], $0x0  }
0x24: {  	s3 =	sadd.s32 $0x88, s3;
	s6 =	simm.s32 @!p1 $0x1082;
	[sflag:s4] =	ssyncset.s32 $0xFFFFF086  }
0x25: {  	[simem:s6], [sflag:s4] =	dma.local [hbm:s3], $0xF7A  }
0x26: {  	[smem:$0x3F99] =	sst s1;
	(tag) =	ssettag s2;
	_ =	strace s9  }
0x27: {  	s1 =	sld [smem:$0x3FA9]  }
0x28: {  	s2 =	sld [smem:$0x3FAA]  }
0x29: {  	s4 =	sld [smem:$0x3FAC]  }
0x2a: {  	p0 =	seq.s32 s5, $0x0;
	s5 =	sld [smem:$0x3FAD]  }
0x2b: {  	s6 =	sld [smem:$0x3FAE]  }
0x2c: {  	s7 =	sld [smem:$0x3FAF]  }
0x2d: {  	s3 =	simm.s32 $0x108;
	s8 =	sld [smem:$0x3FB0]  }
0x2e: {  	s3 =	simm.s32 @!p0 $0x1082;
	s9 =	sld [smem:$0x3FB1]  }
0x2f: {  	lr =	sadd.s32 s0, s3;
	s0 =	sld [smem:$0x3FA8]  }
0x30: {  	s3 =	sld [smem:$0x3FAB]  }
0x31: {  	[smem:$0x3FB4] =	sst s10  }
0x32: {  	s10 =	sld [smem:$0x3FB2];
	_ =	sdelay $0x3  }
0x33: {  	p0 =	seq.s32 s10, $0x1;
	s10 =	sld [smem:$0x3FB4];
	_ =	sdelay $0x3  }
0x34: {  	[smem:$0x3FB4] =	sst s10  }
0x35: {  	s10 =	sld [smem:$0x3FB3];
	_ =	sdelay $0x3  }
0x36: {  	p1 =	seq.s32 s10, $0x1;
	s10 =	sld [smem:$0x3FB4];
	_ =	sdelay $0x3  }
0x37: {  	[smem:$0x3FB4] =	sst s10  }
0x38: {  	s10 =	sld [smem:$0x3FB5]  }
0x39: {  	_ = 	snop;
	(pc) =	sbr.ind lr, $3  }
0x3a: {  	_ = 	snop  }
0x3b: {  	_ = 	snop  }
0x3c: {  	p2 =	seq.s32 s10, $0x1;
	s10 =	sld [smem:$0x3FB4]  }
0x3d: {  	_ =	shalt  }
0x3e: {  	_ =	shalt  }
0x3f: {  	_ =	shalt  }
0x40: {  	_ =	shalt  }
0x41: {  	_ =	shalt  }
0x42: {  	_ =	shalt  }
0x43: {  	_ =	shalt  }
0x44: {  	_ =	shalt  }
0x45: {  	_ =	shalt  }
0x46: {  	_ =	shalt  }
0x47: {  	_ =	shalt  }
0x48: {  	_ =	shalt  }
0x49: {  	_ =	shalt  }
0x4a: {  	_ =	shalt  }
0x4b: {  	_ =	shalt  }
0x4c: {  	_ =	shalt  }
0x4d: {  	_ =	shalt  }
0x4e: {  	_ =	shalt  }
0x4f: {  	_ =	shalt  }
0x50: {  	_ =	shalt  }
0x51: {  	_ =	shalt  }
0x52: {  	_ =	shalt  }
0x53: {  	_ =	shalt  }
0x54: {  	_ =	shalt  }
0x55: {  	_ =	shalt  }
0x56: {  	_ =	shalt  }
0x57: {  	_ =	shalt  }
0x58: {  	_ =	shalt  }
0x59: {  	_ =	shalt  }
0x5a: {  	_ =	shalt  }
0x5b: {  	_ =	shalt  }
0x5c: {  	_ =	shalt  }
0x5d: {  	_ =	shalt  }
0x5e: {  	_ =	shalt  }
0x5f: {  	_ =	shalt  }
0x60: {  	_ =	shalt  }
0x61: {  	_ =	shalt  }
0x62: {  	_ =	shalt  }
0x63: {  	_ =	shalt  }
0x64: {  	_ =	shalt  }
0x65: {  	_ =	shalt  }
0x66: {  	_ =	shalt  }
0x67: {  	_ =	shalt  }
0x68: {  	_ =	shalt  }
0x69: {  	_ =	shalt  }
0x6a: {  	_ =	shalt  }
0x6b: {  	_ =	shalt  }
0x6c: {  	_ =	shalt  }
0x6d: {  	_ =	shalt  }
0x6e: {  	_ =	shalt  }
0x6f: {  	_ =	shalt  }
0x70: {  	_ =	shalt  }
0x71: {  	_ =	shalt  }
0x72: {  	_ =	shalt  }
0x73: {  	_ =	shalt  }
0x74: {  	_ =	shalt  }
0x75: {  	_ =	shalt  }
0x76: {  	_ =	shalt  }
0x77: {  	_ =	shalt  }
0x78: {  	_ =	shalt  }
0x79: {  	_ =	shalt  }
0x7a: {  	_ =	shalt  }
0x7b: {  	_ =	shalt  }
0x7c: {  	_ =	shalt  }
0x7d: {  	_ =	shalt  }
0x7e: {  	_ =	shalt  }
0x7f: {  	_ =	shalt  }
0x80: {  	_ =	shalt  }
0x81: {  	_ =	shalt  }
0x82: {  	_ =	shalt  }
0x83: {  	_ =	shalt  }
0x84: {  	_ =	shalt  }
0x85: {  	_ =	shalt  }
0x86: {  	_ =	shalt  }
0x87: {  	_ =	shalt  }
.Lfunc_end0:
.L_simem_size_0:
called_computation_lowered:
.L_overlay_start_0:
0x88: {  	s2 =	sld [smem:$0x3FD9]  }
0x89: {  	s3 =	sld [smem:$0x3FFE];
	_ =	sdelay $0x1  }
0x8a: {  	s1 =	srdreg.scid  }
0x8b: {  	s0 =	sand.u32 $0x1, s1  }
0x8c: {  	s16 =	sshll.u32 s0, $0xA;
	s2 =	sadd.s32 s3, s2  }
0x8d: {  	s2 =	sadd.s32 s2, s16  }
0x8e: {  	[smem:$0x3FC0] =	sst s2  }
0x8f: {  	_ = 	snop  }
0x90: {  	(tm) =	ssettm $0x1  }
0x91: {  	s17 =	sld [smem:$0x3FFB];
	_ =	sdelay $0x3  }
0x92: {  	_ =	strace s17  }
0x93: {  	s2 =	sld [smem:$0x3FFC];
	_ =	sdelay $0x3  }
0x94: {  	_ =	strace s2  }
0x95: {  	s2 =	sld [smem:$0x3FFD];
	_ =	sdelay $0x3  }
0x96: {  	_ =	strace s2  }
0x97: {  	_ =	strace $0x8FFFFFFF  }
0x98: {  	s18 =	sld [smem:$0x3FDB];
	_ =	sdelay $0x1  }
0x99: {  	s19 =	simm.s32 $_scs_section_size  }
0x9a: {  	s4 =	simm.s32 $_size__tile_overlayer_lowered;
	s5 =	simm.s32 $_tile_overlayer_lowered  }
0x9b: {  	s22 =	simm.s32 $0x1BFF;
	s21 =	sshll.u32 s5, $0x1;
	s2 =	sadd.s32 s19, s18  }
0x9c: {  	s6 =	simm.s32 $0x0;
	s20 =	sshll.u32 s4, $0x1;
	s4 =	sadd.s32 s21, s2  }
0x9d: {  	[timem:s6], [sflag:s22] =	dma.local [hbm:s4], s20  }
0x9e: {  	_ =	swait.ge [sflag:s22], s20  }
0x9f: {  	s3 =	ssub.s32 $0x0, s20;
	[sflag:s22] =	ssyncset.done $0x0  }
0xa0: {  	[sflag:s22] =	ssyncadd.s32 s3;
	_ =	sdelay $0x1  }
0xa1: {  	s23 =	simm.s32 $0x1B8B  }
0xa2: {  	_ =	swait.ge [sflag:s23], $0x1  }
0xa3: {  	[sflag:s23] =	ssyncset.done $0x0  }
0xa4: {  	s25 =	simm.s32 $0x1B8E;
	s24 =	sld [smem:$0x3FFE];
	[sflag:s23] =	ssyncadd.s32 $0xFFFFFFFF  }
0xa5: {  	s26 =	simm.s32 $execute0_lowered;
	[smem:$0x3FD2] =	sst s25  }
0xa6: {  	s4 =	sshll.u32 s26, $0x1;
	_ =	strace $0x80000046;
	[dreg:$0x1] =	wrdreg $0xFFFFFFFF  }
0xa7: {  	s28 =	simm.s32 $_size_execute0_lowered;
	s2 =	sadd.s32 s2, s4;
	[dreg:$0x0] =	wrdreg $0x0  }
0xa8: {  	s4 =	sshll.u32 s28, $0x1;
	[dreg:$0x2] =	wrdreg s2  }
0xa9: {  	[dreg:$0x3] =	wrdreg s4  }
0xaa: {  	[dreg:$0x4] =	wrdreg $0xC0  }
0xab: {  	_ =	task [dreg:s6], $0x5FFFF  }
0xac: {  	[dreg:$0x1] =	wrdreg $0xFFFFFFFF  }
0xad: {  	[dreg:$0x0] =	wrdreg $0x60  }
0xae: {  	[dreg:$0x2] =	wrdreg s24  }
0xaf: {  	[dreg:$0x3] =	wrdreg $0x81000  }
0xb0: {  	[dreg:$0x4] =	wrdreg $0x9  }
0xb1: {  	_ =	task.clear_ibuf [dreg:s6], $0x5FFFF;
	_ =	strace $0x90000046  }
0xb2: {  	s29 =	simm.s32 $0x9;
	_ =	strace $0x80000048  }
0xb3: {  	_ =	swait.ge [sflag:s29], $0x1  }
0xb4: {  	[sflag:s29] =	ssyncadd.s32 $0xFFFFFFFF  }
0xb5: {  	_ =	strace $0x90000048  }
0xb6: {  	_ =	sfence  }
0xb7: {  	s30 =	sld [smem:$0x0];
	_ =	sdelay $0x2  }
0xb8: {  	s31 =	sshll.u32 s1, $0xD;
	s1 =	sshrl.u32 s1, $0x2  }
0xb9: {  	s3 =	sand.u32 $0x4000, s31;
	s1 =	sadd.s32 s1, s30  }
0xba: {  	s0 =	sor.u32 s3, s0;
	s1 =	sshll.u32 s1, $0x11  }
0xbb: {  	s0 =	sor.u32 s1, s0  }
0xbc: {  	s0 =	sadd.s32 $0x8F2B, s0  }
0xbd: {  	[sflag:s0] =	ssyncadd.remote.s32 $0x1  }
0xbe: {  	_ =	sfence.sel $0xFFFF  }
0xbf: {  	[dreg:$0x0] =	wrdreg $0xFFFFFFFF;
	(pc) =	sbr.abs _section_cstart, $3  }
0xc0: {  	[dreg:$0x1] =	wrdreg $0xFFFFFFFF  }
0xc1: {  	_ =	task.clear_ibuf [dreg:s6], $0x2FFFF;
	_ =	strace $0x9FFFFFFF  }
0xc2: {  	(tm) =	ssettm $0x7FFFFFFF  }
0xc3: {  	_ =	shalt  }
tec
execute0_lowered:
.L_overlay_start_1:
0x0: {  	(tag) =	ssettag $0x1  }
0x1: {  	s0 =	rddreg [dreg:$0x0]  }
0x2: {  	s1 =	rddreg [dreg:$0x1]  }
0x3: {  	s2 =	simm.s32 $0x0;
	s5 =	srdreg.scid;
	s3 =	stileid.u32  }
0x4: {  	s28 =	simm.s32 $0x1;
	s29 =	simm.s32 $0x2;
	s30 =	simm.s32 $0x0  }
0x5: {  	[smem:$0x7FF] =	sst s2;
	s22 =	sadd.s32 $0x2400, s0;
	s4 =	sadd.s32 $0xC400, s0  }
0x6: {  	s13 =	sand.u32 $0x1, s5;
	s6 =	smul.u32 $0x4F000, s3;
	s5 =	sadd.s32 $0xCC00, s0  }
0x7: {  	s0 =	sadd.s32 $0xD400, s0;
	s18 =	smul.u32 $0x2780, s3;
	s10 =	sadd.s32 $0x128400, s1  }
0x8: {  	s24 =	smul.u32 $0x2800, s3;
	s16 =	sadd.s32 $0x138400, s1;
	p0 =	seq.s32 s3, $0xF  }
0x9: {  	_ =	strace $0x80000047;
	[dreg:$0x3] =	wrdreg s4;
	s19 =	smul.u32 $0x27100, s13  }
0xa: {  	s11 =	ssub.s32 $0x2, s13;
	s7 =	sshll.u32 s13, $0x4;
	s21 =	smul.u32 $0x138800, s13  }
0xb: {  	s23 =	smul.u32 $0x28000, s13;
	s13 =	sadd.s32 $0x134400, s1;
	s6 =	sshrl.u32 s6, $0x2  }
0xc: {  	s12 =	sshrl.u32 s11, $0x1;
	s9 =	sor.u32 s3, s7;
	s6 =	sadd.s32 s6, s1  }
0xd: {  	s14 =	smul.u32 $0x2800, s9;
	s20 =	ssub.s32 s11, s12;
	s11 =	sadd.s32 $0x12C400, s1  }
0xe: {  	s12 =	sadd.s32 $0x130400, s1;
	s18 =	sadd.s32 s18, s19;
	s21 =	sshrl.u32 s21, $0x3  }
0xf: {  	s24 =	sadd.s32 s24, s23;
	s7 =	sadd.s32 $0x4000, s6;
	s8 =	sadd.s32 $0x8000, s6  }
0x10: {  	s9 =	sadd.s32 $0xC000, s6;
	s15 =	sadd.s32 $0x10000, s6;
	s18 =	sadd.s32 s0, s18  }
0x11: {  	s0 =	sadd.s32 s0, s21;
	s23 =	sor.u32 $0x100, s24;
	s26 =	sor.u32 $0x80, s24  }
0x12: {  	s20 =	smax.u32 s20, $0x1;
	s24 =	simm.s32 $0x3;
	s14 =	sshrl.u32 s14, $0x3  }
0x13: {  	s19 =	sadd.s32 $0x25080, s0;
	s25 =	sshrl.u32 s23, $0x3;
	s31 =	sshrl.u32 s26, $0x3  }
0x14: {  	s26 =	simm.s32 $0x80;
	s14 =	sadd.s32 s22, s14;
	s21 =	sadd.s32 s25, s22  }
0x15: {  	s22 =	sadd.s32 s31, s22;
	s25 =	simm.s32 $0x100;
	s17 =	sadd.s32 $0x4F0, s14  }
.LBB2_1:
0x16: {  	s0 =	rddreg [dreg:$0x3];
	s3 =	simm.s32 $0x4100  }
0x17: {  	[tilespmem:s3], [sflag:$0x3] =	stream.linear.gather [hbm4b:s0+s2], $0x4000, $0x38;
	[tilespmem:$0x1BA00] =	vst v63  }
0x18: {  	_ =	swait.ge [sflag:s24], $0x4000  }
0x19: {  	[sflag:s24] =	ssyncset.done $0x0  }
0x1a: {  	[sflag:s24] =	ssyncadd.s32 $0xFFFFC000  }
0x1b: {  	[tilespmem:s25], [sflag:$0x3] =	stream.linear.gather [hbm4b:s5+s2], $0x4000, $0x38;
	[tilespmem:$0x1BA00] =	vst v63  }
0x1c: {  	_ =	swait.ge [sflag:s24], $0x4000  }
0x1d: {  	[sflag:s24] =	ssyncset.done $0x0  }
0x1e: {  	s31 =	simm.s32 @p0 $0x3;
	s0 =	simm.s32 @p0 $0x4100;
	[sflag:s24] =	ssyncadd.s32 $0xFFFFC000  }
0x1f: {  	[spmem:s10] =	stream.linear.scatter @p0 [tilespmem:s0], [sflag:$0x3], $0x4000, $0x38;
	[tilespmem:$0x1BA00] =	vst v63  }
0x20: {  	_ =	swait.ge @p0 [sflag:s31], $0x4000  }
0x21: {  	[sflag:s31] =	ssyncset.done @p0 $0x0  }
0x22: {  	[sflag:s31] =	ssyncadd.s32 @p0 $0xFFFFC000  }
0x23: {  	[spmem:s11] =	stream.linear.scatter @p0 [tilespmem:s0], [sflag:$0x3], $0x4000, $0x38;
	[tilespmem:$0x1BA00] =	vst v63  }
0x24: {  	_ =	swait.ge @p0 [sflag:s31], $0x4000  }
0x25: {  	[sflag:s31] =	ssyncset.done @p0 $0x0  }
0x26: {  	[sflag:s31] =	ssyncadd.s32 @p0 $0xFFFFC000  }
0x27: {  	[spmem:s12] =	stream.linear.scatter @p0 [tilespmem:s0], [sflag:$0x3], $0x4000, $0x38;
	[tilespmem:$0x1BA00] =	vst v63  }
0x28: {  	_ =	swait.ge @p0 [sflag:s31], $0x4000  }
0x29: {  	[sflag:s31] =	ssyncset.done @p0 $0x0  }
0x2a: {  	[sflag:s31] =	ssyncadd.s32 @p0 $0xFFFFC000  }
0x2b: {  	[spmem:s13] =	stream.linear.scatter @p0 [tilespmem:s0], [sflag:$0x3], $0x4000, $0x38;
	[tilespmem:$0x1BA00] =	vst v63  }
0x2c: {  	_ =	swait.ge @p0 [sflag:s31], $0x4000  }
0x2d: {  	[sflag:s31] =	ssyncset.done @p0 $0x0  }
0x2e: {  	[sflag:s31] =	ssyncadd.s32 @p0 $0xFFFFC000  }
0x2f: {  	[spmem:s16] =	stream.linear.scatter @p0 [tilespmem:s0], [sflag:$0x3], $0xC00, $0x38;
	[tilespmem:$0x1BA00] =	vst v63  }
0x30: {  	_ =	swait.ge @p0 [sflag:s31], $0xC00  }
0x31: {  	[sflag:s31] =	ssyncset.done @p0 $0x0  }
0x32: {  	s0 =	simm.s32 @!p0 $0x4100;
	[sflag:s31] =	ssyncadd.s32 @p0 $0xFFFFF400;
	s31 =	simm.s32 @!p0 $0x3  }
0x33: {  	[spmem:s6] =	stream.linear.scatter @!p0 [tilespmem:s0], [sflag:$0x3], $0x4000, $0x38;
	[tilespmem:$0x1BA00] =	vst v63  }
0x34: {  	_ =	swait.ge @!p0 [sflag:s31], $0x4000  }
0x35: {  	[sflag:s31] =	ssyncset.done @!p0 $0x0  }
0x36: {  	[sflag:s31] =	ssyncadd.s32 @!p0 $0xFFFFC000  }
0x37: {  	[spmem:s7] =	stream.linear.scatter @!p0 [tilespmem:s0], [sflag:$0x3], $0x4000, $0x38;
	[tilespmem:$0x1BA00] =	vst v63  }
0x38: {  	_ =	swait.ge @!p0 [sflag:s31], $0x4000  }
0x39: {  	[sflag:s31] =	ssyncset.done @!p0 $0x0  }
0x3a: {  	[sflag:s31] =	ssyncadd.s32 @!p0 $0xFFFFC000  }
0x3b: {  	[spmem:s8] =	stream.linear.scatter @!p0 [tilespmem:s0], [sflag:$0x3], $0x4000, $0x38;
	[tilespmem:$0x1BA00] =	vst v63  }
0x3c: {  	_ =	swait.ge @!p0 [sflag:s31], $0x4000  }
0x3d: {  	[sflag:s31] =	ssyncset.done @!p0 $0x0  }
0x3e: {  	[sflag:s31] =	ssyncadd.s32 @!p0 $0xFFFFC000  }
0x3f: {  	[spmem:s9] =	stream.linear.scatter @!p0 [tilespmem:s0], [sflag:$0x3], $0x4000, $0x38;
	[tilespmem:$0x1BA00] =	vst v63  }
0x40: {  	_ =	swait.ge @!p0 [sflag:s31], $0x4000  }
0x41: {  	[sflag:s31] =	ssyncset.done @!p0 $0x0  }
0x42: {  	[sflag:s31] =	ssyncadd.s32 @!p0 $0xFFFFC000  }
0x43: {  	[spmem:s15] =	stream.linear.scatter @!p0 [tilespmem:s0], [sflag:$0x3], $0x3C00, $0x38;
	[tilespmem:$0x1BA00] =	vst v63  }
0x44: {  	_ =	swait.ge @!p0 [sflag:s31], $0x3C00  }
0x45: {  	[sflag:s31] =	ssyncset.done @!p0 $0x0  }
0x46: {  	[sflag:s31] =	ssyncadd.s32 @!p0 $0xFFFFC400  }
0x47: {  	[bflag:$0x0] =	sbarrier.arrive $0xFFFF  }
0x48: {  	[tilespmem:s2], [sflag:$0x1] =	stream.linear.gather [hbm4b:s14+s2], $0x80, $0x38;
	[tilespmem:$0x1BA00] =	vst v63  }
0x49: {  	s4 =	sadd.s32 $0x0, s22  }
0x4a: {  	[tilespmem:s26], [sflag:$0x2] =	stream.linear.gather [hbm4b:s4+s2], $0x80, $0x38;
	[tilespmem:$0x1BA00] =	vst v63  }
0x4b: {  	_ =	swait.ge [sflag:s28], $0x80  }
0x4c: {  	[sflag:s28] =	ssyncset.done $0x0  }
0x4d: {  	[sflag:s28] =	ssyncadd.s32 $0xFFFFFF80  }
0x4e: {  	[spmem:s1] =	stream.indirect.scatter.add.f32 [tilespmem:s25], [sflag:$0x3], $0x80, s2, s26, $0xb8;
	[tilespmem:$0x1BA00] =	vst v63  }
0x4f: {  	_ =	swait.ge [sflag:s24], $0x4000  }
0x50: {  	[sflag:s24] =	ssyncset.done $0x0  }
0x51: {  	s23 =	sadd.s32 $0x0, s21;
	[sflag:s24] =	ssyncadd.s32 $0xFFFFC000  }
0x52: {  	[tilespmem:s2], [sflag:$0x1] =	stream.linear.gather [hbm4b:s23+s2], $0x80, $0x38;
	[tilespmem:$0x1BA00] =	vst v63  }
0x53: {  	_ =	swait.ge [sflag:s29], $0x80  }
0x54: {  	[sflag:s29] =	ssyncset.done $0x0  }
0x55: {  	[sflag:s29] =	ssyncadd.s32 $0xFFFFFF80  }
0x56: {  	[spmem:s1] =	stream.indirect.scatter.add.f32 [tilespmem:s25], [sflag:$0x3], $0x80, s26, s26, $0xb8;
	[tilespmem:$0x1BA00] =	vst v63  }
0x57: {  	_ =	swait.ge [sflag:s24], $0x4000  }
0x58: {  	s0 =	simm.s32 $0x40;
	s31 =	simm.s32 $0x20;
	[sflag:s24] =	ssyncset.done $0x0  }
.LBB2_2:
0x59: {  	s3 =	sadd.s32 s31, s22  }
0x5a: {  	[sflag:s24] =	ssyncadd.s32 $0xFFFFC000;
	s23 =	smov.u32 s0;
	s4 =	sadd.s32 $0x20, s0  }
0x5b: {  	[tilespmem:s26], [sflag:$0x2] =	stream.linear.gather [hbm4b:s3+s2], $0x80, $0x38;
	[tilespmem:$0x1BA00] =	vst v63  }
0x5c: {  	p1 =	sne.s32 s0, $0x4C0;
	_ =	swait.ge [sflag:s28], $0x80  }
0x5d: {  	[sflag:s28] =	ssyncset.done $0x0  }
0x5e: {  	[sflag:s28] =	ssyncadd.s32 $0xFFFFFF80  }
0x5f: {  	[spmem:s1] =	stream.indirect.scatter.add.f32 [tilespmem:s25], [sflag:$0x3], $0x80, s2, s26, $0xb8;
	[tilespmem:$0x1BA00] =	vst v63  }
0x60: {  	_ =	swait.ge [sflag:s24], $0x4000  }
0x61: {  	[sflag:s24] =	ssyncset.done $0x0  }
0x62: {  	s0 =	sadd.s32 s31, s21;
	s31 =	smov.u32 s23;
	[sflag:s24] =	ssyncadd.s32 $0xFFFFC000  }
0x63: {  	[tilespmem:s2], [sflag:$0x1] =	stream.linear.gather [hbm4b:s0+s2], $0x80, $0x38;
	[tilespmem:$0x1BA00] =	vst v63  }
0x64: {  	_ =	swait.ge [sflag:s29], $0x80  }
.Ltmp0:
0x65: {  	[sflag:s29] =	ssyncset.done $0x0;
	(pc) =	sbr.rel @p1 .LBB2_2-.Ltmp0, $4  }
0x66: {  	[sflag:s29] =	ssyncadd.s32 $0xFFFFFF80  }
0x67: {  	[spmem:s1] =	stream.indirect.scatter.add.f32 [tilespmem:s25], [sflag:$0x3], $0x80, s26, s26, $0xb8;
	[tilespmem:$0x1BA00] =	vst v63  }
0x68: {  	_ =	swait.ge [sflag:s24], $0x4000  }
0x69: {  	s0 =	smov.u32 s4;
	[sflag:s24] =	ssyncset.done $0x0  }
0x6a: {  	s0 =	sadd.s32 s31, s22;
	[sflag:s24] =	ssyncadd.s32 $0xFFFFC000  }
0x6b: {  	[tilespmem:s26], [sflag:$0x2] =	stream.linear.gather [hbm4b:s0+s2], $0x80, $0x38;
	[tilespmem:$0x1BA00] =	vst v63  }
0x6c: {  	_ =	swait.ge [sflag:s28], $0x80  }
0x6d: {  	[sflag:s28] =	ssyncset.done $0x0  }
0x6e: {  	[sflag:s28] =	ssyncadd.s32 $0xFFFFFF80  }
0x6f: {  	[spmem:s1] =	stream.indirect.scatter.add.f32 [tilespmem:s25], [sflag:$0x3], $0x80, s2, s26, $0xb8;
	[tilespmem:$0x1BA00] =	vst v63  }
0x70: {  	_ =	swait.ge [sflag:s24], $0x4000  }
0x71: {  	[sflag:s24] =	ssyncset.done $0x0  }
0x72: {  	s31 =	sadd.s32 s31, s21;
	[sflag:s24] =	ssyncadd.s32 $0xFFFFC000  }
0x73: {  	[tilespmem:s2], [sflag:$0x1] =	stream.linear.gather [hbm4b:s31+s2], $0x80, $0x38;
	[tilespmem:$0x1BA00] =	vst v63  }
0x74: {  	_ =	swait.ge [sflag:s29], $0x80  }
0x75: {  	[sflag:s29] =	ssyncset.done $0x0  }
0x76: {  	[sflag:s29] =	ssyncadd.s32 $0xFFFFFF80  }
0x77: {  	[spmem:s1] =	stream.indirect.scatter.add.f32 [tilespmem:s25], [sflag:$0x3], $0x80, s26, s26, $0xb8;
	[tilespmem:$0x1BA00] =	vst v63  }
0x78: {  	_ =	swait.ge [sflag:s24], $0x4000  }
0x79: {  	[sflag:s24] =	ssyncset.done $0x0  }
0x7a: {  	[sflag:s24] =	ssyncadd.s32 $0xFFFFC000  }
0x7b: {  	[tilespmem:s26], [sflag:$0x2] =	stream.linear.gather [hbm4b:s17+s2], $0x80, $0x38;
	[tilespmem:$0x1BA00] =	vst v63  }
0x7c: {  	_ =	swait.ge [sflag:s28], $0x80  }
0x7d: {  	[sflag:s28] =	ssyncset.done $0x0  }
0x7e: {  	[sflag:s28] =	ssyncadd.s32 $0xFFFFFF80  }
0x7f: {  	[spmem:s1] =	stream.indirect.scatter.add.f32 [tilespmem:s25], [sflag:$0x3], $0x80, s2, s26, $0xb8;
	[tilespmem:$0x1BA00] =	vst v63  }
0x80: {  	_ =	swait.ge [sflag:s24], $0x4000  }
0x81: {  	[sflag:s24] =	ssyncset.done $0x0  }
0x82: {  	[sflag:s24] =	ssyncadd.s32 $0xFFFFC000  }
0x83: {  	_ =	swait.ge [sflag:s29], $0x80  }
0x84: {  	[sflag:s29] =	ssyncset.done $0x0  }
0x85: {  	[sflag:s29] =	ssyncadd.s32 $0xFFFFFF80  }
0x86: {  	[spmem:s1] =	stream.indirect.scatter.add.f32 [tilespmem:s25], [sflag:$0x3], $0x80, s26, s26, $0xb8;
	[tilespmem:$0x1BA00] =	vst v63  }
0x87: {  	_ =	swait.ge [sflag:s24], $0x4000  }
0x88: {  	[sflag:s24] =	ssyncset.done $0x0  }
0x89: {  	[sflag:s24] =	ssyncadd.s32 $0xFFFFC000  }
0x8a: {  	s3 =	simm.s32 @p0 $0x1FC3;
	s0 =	sshrl.u32 @p0 s10, $0x3;
	[bflag:$0x0] =	sbarrier.arrive $0xFFFF  }
0x8b: {  	[hbm:s19], [sflag:s3] =	dma.local @p0 [spmem:s0], $0x2080  }
0x8c: {  	s0 =	simm.s32 @p0 $0x3  }
0x8d: {  	s30 =	sadd.s32 $0x1, s30;
	s3 =	stileid.u32;
	_ =	swait.ge @p0 [sflag:s0], $0x2080  }
0x8e: {  	p1 =	sne.s32 s30, s20;
	s3 =	sshll.u32 @!p0 s3, $0x6;
	[sflag:s0] =	ssyncset.done @p0 $0x0  }
0x8f: {  	[sflag:s0] =	ssyncadd.s32 @p0 $0xFFFFDF80;
	s0 =	sor.u32 @!p0 $0x1C03, s3;
	s3 =	sshrl.u32 @!p0 s6, $0x3  }
0x90: {  	[hbm:s18], [sflag:s0] =	dma.local @!p0 [spmem:s3], $0x2780  }
.Ltmp1:
0x91: {  	_ = 	snop;
	(pc) =	sbr.rel @p1 .LBB2_1-.Ltmp1, $4  }
0x92: {  	s0 =	simm.s32 @!p0 $0x3  }
0x93: {  	_ =	swait.ge @!p0 [sflag:s0], $0x2780  }
0x94: {  	[sflag:s0] =	ssyncset.done @!p0 $0x0  }
0x95: {  	[sflag:s0] =	ssyncadd.s32 @!p0 $0xFFFFD880  }
0x96: {  	_ =	sfence.sel $0x180000  }
0x97: {  	[bflag:$0x0] =	sbarrier.arrive $0xFFFF  }
0x98: {  	_ =	strace $0x90000047  }
0x99: {  	s0 =	stileid.u32;
	[bflag:$0x2] =	sbarrier.arrive $0xFFFF  }
0x9a: {  	p0 =	sne.s32 s0, $0x0;
	s0 =	rddreg [dreg:$0x2]  }
0x9b: {  	s0 =	sadd.s32 @!p0 $0x100000, s0  }
0x9c: {  	[sflag:s0] =	ssyncadd.tile.s32 @!p0 $0x1;
	_ =	shalt  }
.Lfunc_end2:
_tile_overlayer_lowered:
.L_overlay_start_2:
0x9d: {  	(tag) =	ssettag $0x2  }
0x9e: {  	s0 =	rddreg [dreg:$0x0];
	s2 =	stileid.u32  }
0x9f: {  	s1 =	rddreg [dreg:$0x1];
	p0 =	sne.s32 s2, $0x0  }
0xa0: {  	s3 =	rddreg [dreg:$0x2];
	[bflag:$0x3] =	sbarrier.arrive $0xFFFF;
	s2 =	simm.s32 @!p0 $0x1C03  }
0xa1: {  	[timem:s3], [sflag:s2] =	dma.local @!p0 [hbm:s0], s1  }
0xa2: {  	s0 =	simm.s32 @!p0 $0x3  }
0xa3: {  	_ =	swait.ge @!p0 [sflag:s0], s1  }
0xa4: {  	s1 =	ssub.s32 @!p0 $0x0, s1;
	[sflag:s0] =	ssyncset.done @!p0 $0x0  }
0xa5: {  	[sflag:s0] =	ssyncadd.s32 @!p0 s1  }
0xa6: {  	[bflag:$0x3] =	sbarrier.arrive $0xFFFF  }
0xa7: {  	_ =	shalt  }

</sc_bundles>
